<compile_context>
chip_gen: v7x
topology: tpu7x:2x2x1
jax: 0.10.2.dev20260603
libtpu: 0.0.44.dev20260713+nightly
codegen_flags: <defaults>
</compile_context>

<pallas_src>
import functools

import jax
import jax.numpy as jnp
from jax import lax
from jax.experimental import pallas as pl
from jax.experimental.pallas import tpu as pltpu
from jax.experimental.pallas import tpu_sc as plsc

N_NODES = 10000
N_PAD = 10112
N_EDGES = 320000
DIM = 128

NC = 2
NS = 16
NW = NC * NS
EDGES_PER_W = N_EDGES // NW
CHUNK = 80
NCHUNK = EDGES_PER_W // CHUNK
ROWS_PER_S = N_PAD // NS
DEG_W = 128


@functools.cache
def _get_deg_kernel():
  mesh = plsc.VectorSubcoreMesh(core_axis_name="c", subcore_axis_name="s")
  NSLOT = 3
  ECH = 128
  NCH_TOT = N_EDGES // ECH
  MAX_M = (NCH_TOT + NW - 1) // NW

  @functools.partial(
      pl.kernel,
      mesh=mesh,
      out_type=jax.ShapeDtypeStruct((NC, N_PAD, DEG_W), jnp.float32),
      scratch_types=(
          [pltpu.VMEM((ECH,), jnp.int32)] * NSLOT
          + [pltpu.VMEM((ECH, DEG_W), jnp.float32)]
          + [pltpu.VMEM_SHARED((N_PAD, DEG_W), jnp.float32)]
          + [pltpu.SemaphoreType.DMA] * (2 * NSLOT)
      ),
  )
  def deg_kernel(dst_hbm, zeros_hbm, ones_hbm, out_hbm, *scr):
    didx = scr[0:NSLOT]
    ones_v = scr[NSLOT]
    deg_sh = scr[NSLOT + 1]
    isem = scr[NSLOT + 2:NSLOT + 2 + NSLOT]
    ssem = scr[NSLOT + 2 + NSLOT:NSLOT + 2 + 2 * NSLOT]
    c = lax.axis_index("c")
    s = lax.axis_index("s")
    w = s * NC + c
    row0 = s * ROWS_PER_S

    def iload(k, b):
      off = pl.multiple_of(k * ECH, 8)
      pltpu.make_async_copy(dst_hbm.at[pl.ds(off, ECH)], didx[b],
                            isem[b]).start()

    def iwait(b):
      pltpu.make_async_copy(dst_hbm.at[pl.ds(0, ECH)], didx[b],
                            isem[b]).wait()

    def sstart(b):
      pltpu.async_copy(ones_v, deg_sh.at[didx[b]], ssem[b], add=True)

    def swait(b):
      pltpu.make_async_copy(ones_v, deg_sh.at[didx[b]], ssem[b]).wait()

    for b in range(NSLOT):
      iload(w + NW * b, b)
    pltpu.sync_copy(ones_hbm, ones_v)
    pltpu.sync_copy(zeros_hbm.at[pl.ds(row0, ROWS_PER_S)],
                    deg_sh.at[pl.ds(row0, ROWS_PER_S)])
    plsc.subcore_barrier()

    def body(i, carry):
      for b in range(NSLOT):
        m = NSLOT * i + b
        k = w + NW * m

        @pl.when(k < NCH_TOT)
        def _():
          iwait(b)
          sstart(b)

        @pl.when(w + NW * (m + NSLOT) < NCH_TOT)
        def _():
          swait(b)
          iload(w + NW * (m + NSLOT), b)

      return carry

    lax.fori_loop(0, (MAX_M + NSLOT - 1) // NSLOT, body, 0)
    for b in range(NSLOT):
      swait(b)
    plsc.subcore_barrier()
    pltpu.sync_copy(deg_sh.at[pl.ds(row0, ROWS_PER_S)],
                    out_hbm.at[c, pl.ds(row0, ROWS_PER_S)])

  return deg_kernel


@functools.cache
def _get_agg_kernel():
  mesh = plsc.VectorSubcoreMesh(core_axis_name="c", subcore_axis_name="s")
  NSLOT = 3
  ECH = 128
  NCH_TOT = N_EDGES // ECH
  MAX_M = (NCH_TOT + NW - 1) // NW

  @functools.partial(
      pl.kernel,
      mesh=mesh,
      out_type=jax.ShapeDtypeStruct((NC, N_PAD, DIM), jnp.float32),
      scratch_types=(
          [pltpu.VMEM((ECH,), jnp.int32)] * NSLOT
          + [pltpu.VMEM((ECH,), jnp.int32)] * NSLOT
          + [pltpu.VMEM((ECH, DIM), jnp.float32)] * NSLOT
          + [pltpu.VMEM_SHARED((N_PAD, DIM), jnp.float32)]
          + [pltpu.SemaphoreType.DMA] * (3 * NSLOT)
      ),
  )
  def agg_kernel(src_hbm, dst_hbm, h_hbm, zeros_hbm, out_hbm, *scr):
    sidx = scr[0:NSLOT]
    didx = scr[NSLOT:2 * NSLOT]
    rows = scr[2 * NSLOT:3 * NSLOT]
    agg_sh = scr[3 * NSLOT]
    isem = scr[3 * NSLOT + 1:3 * NSLOT + 1 + NSLOT]
    gsem = scr[3 * NSLOT + 1 + NSLOT:3 * NSLOT + 1 + 2 * NSLOT]
    ssem = scr[3 * NSLOT + 1 + 2 * NSLOT:3 * NSLOT + 1 + 3 * NSLOT]
    c = lax.axis_index("c")
    s = lax.axis_index("s")
    w = s * NC + c
    row0 = s * ROWS_PER_S

    def iload(k, b):
      off = pl.multiple_of(k * ECH, 8)
      pltpu.make_async_copy(src_hbm.at[pl.ds(off, ECH)], sidx[b],
                            isem[b]).start()
      pltpu.make_async_copy(dst_hbm.at[pl.ds(off, ECH)], didx[b],
                            isem[b]).start()

    def iwait(b):
      pltpu.make_async_copy(src_hbm.at[pl.ds(0, ECH)], sidx[b],
                            isem[b]).wait()
      pltpu.make_async_copy(dst_hbm.at[pl.ds(0, ECH)], didx[b],
                            isem[b]).wait()

    def gstart(b):
      pltpu.make_async_copy(h_hbm.at[sidx[b]], rows[b], gsem[b]).start()

    def gwait(b):
      pltpu.make_async_copy(h_hbm.at[sidx[b]], rows[b], gsem[b]).wait()

    def sstart(b):
      pltpu.async_copy(rows[b], agg_sh.at[didx[b]], ssem[b], add=True)

    def swait(b):
      pltpu.make_async_copy(rows[b], agg_sh.at[didx[b]], ssem[b]).wait()

    for b in range(NSLOT):
      iload(w + NW * b, b)
    for b in range(NSLOT):
      iwait(b)
      gstart(b)
    pltpu.sync_copy(zeros_hbm.at[pl.ds(row0, ROWS_PER_S)],
                    agg_sh.at[pl.ds(row0, ROWS_PER_S)])
    plsc.subcore_barrier()

    def body(i, carry):
      for b in range(NSLOT):
        m = NSLOT * i + b
        k = w + NW * m

        @pl.when(k < NCH_TOT)
        def _():
          gwait(b)
          sstart(b)

        @pl.when(w + NW * (m + NSLOT) < NCH_TOT)
        def _():
          swait(b)
          iload(w + NW * (m + NSLOT), b)
          iwait(b)
          gstart(b)

      return carry

    lax.fori_loop(0, (MAX_M + NSLOT - 1) // NSLOT, body, 0)
    for b in range(NSLOT):
      swait(b)
    plsc.subcore_barrier()
    pltpu.sync_copy(agg_sh.at[pl.ds(row0, ROWS_PER_S)],
                    out_hbm.at[c, pl.ds(row0, ROWS_PER_S)])

  return agg_kernel



BLK = 1264


def _dis_from_degp(degp_ref):
  deg = (jnp.sum(degp_ref[0], axis=-1) + jnp.sum(degp_ref[1], axis=-1)) * (
      1.0 / DEG_W) + 1.0
  return lax.rsqrt(deg)


def _tc_a_body(x_ref, w_ref, degp_ref, out_ref):
  dis = _dis_from_degp(degp_ref)
  h = jnp.dot(x_ref[...], w_ref[...], preferred_element_type=jnp.float32,
              precision=lax.Precision.HIGHEST)
  out_ref[...] = h * dis[:, None]


_tc_a = pl.pallas_call(
    _tc_a_body,
    grid=(N_PAD // BLK,),
    in_specs=[
        pl.BlockSpec((BLK, DIM), lambda i: (i, 0)),
        pl.BlockSpec((DIM, DIM), lambda i: (0, 0)),
        pl.BlockSpec((NC, BLK, DEG_W), lambda i: (0, i, 0)),
    ],
    out_specs=pl.BlockSpec((BLK, DIM), lambda i: (i, 0)),
    out_shape=jax.ShapeDtypeStruct((N_PAD, DIM), jnp.float32),
)


def _tc_b_body(aggp_ref, h1_ref, degp_ref, b1_ref, w2_ref, out_ref):
  dis = _dis_from_degp(degp_ref)
  t = (aggp_ref[0] + aggp_ref[1] + h1_ref[...]) * dis[:, None] + b1_ref[...]
  z = jnp.maximum(t, 0.0)
  h2 = jnp.dot(z, w2_ref[...], preferred_element_type=jnp.float32,
               precision=lax.Precision.HIGHEST)
  out_ref[...] = h2 * dis[:, None]


_tc_b = pl.pallas_call(
    _tc_b_body,
    grid=(N_PAD // BLK,),
    in_specs=[
        pl.BlockSpec((NC, BLK, DIM), lambda i: (0, i, 0)),
        pl.BlockSpec((BLK, DIM), lambda i: (i, 0)),
        pl.BlockSpec((NC, BLK, DEG_W), lambda i: (0, i, 0)),
        pl.BlockSpec((1, DIM), lambda i: (0, 0)),
        pl.BlockSpec((DIM, DIM), lambda i: (0, 0)),
    ],
    out_specs=pl.BlockSpec((BLK, DIM), lambda i: (i, 0)),
    out_shape=jax.ShapeDtypeStruct((N_PAD, DIM), jnp.float32),
)


def _tc_c_body(aggp_ref, h2_ref, degp_ref, b2_ref, out_ref):
  dis = _dis_from_degp(degp_ref)
  out_ref[...] = (aggp_ref[0] + aggp_ref[1] + h2_ref[...]) * dis[:, None] + \
      b2_ref[...]


_tc_c = pl.pallas_call(
    _tc_c_body,
    grid=(N_PAD // BLK,),
    in_specs=[
        pl.BlockSpec((NC, BLK, DIM), lambda i: (0, i, 0)),
        pl.BlockSpec((BLK, DIM), lambda i: (i, 0)),
        pl.BlockSpec((NC, BLK, DEG_W), lambda i: (0, i, 0)),
        pl.BlockSpec((1, DIM), lambda i: (0, 0)),
    ],
    out_specs=pl.BlockSpec((BLK, DIM), lambda i: (i, 0)),
    out_shape=jax.ShapeDtypeStruct((N_PAD, DIM), jnp.float32),
)


def kernel(x, edge_index, W1, b1, W2, b2):
  xp = jnp.pad(x, ((0, N_PAD - N_NODES), (0, 0)))
  zeros_feat = jnp.zeros((N_PAD, DIM), jnp.float32)
  src1d = edge_index[0].astype(jnp.int32)
  dst1d = edge_index[1].astype(jnp.int32)
  degp = _get_deg_kernel()(dst1d, zeros_feat,
                           jnp.ones((128, DEG_W), jnp.float32))
  h1 = _tc_a(xp, W1, degp)
  aggp1 = _get_agg_kernel()(src1d, dst1d, h1, zeros_feat)
  h2 = _tc_b(aggp1, h1, degp, b1.reshape(1, DIM), W2)
  aggp2 = _get_agg_kernel()(src1d, dst1d, h2, zeros_feat)
  return _tc_c(aggp2, h2, degp, b2.reshape(1, DIM))[:N_NODES]

# --- scband reference (transcript-rebuilt; emitter-appended) ---
"""Pipeline reference for scband-gcn-68143951118599 (READ-ONLY COPY).

The authoritative reference and input builder live on the scoring server;
editing this copy changes nothing except your own understanding.
"""

import jax, jax.numpy as jnp
import numpy as np

N_NODES = 10000
N_EDGES = 320000
IN_DIM = 128
HIDDEN_DIM = 128
OUT_DIM = 128


def setup_inputs(seed: int = 0) -> dict:
    key = jax.random.key(seed)
    k1, k2, k3, k4, k5 = jax.random.split(key, 5)
    x = jax.random.normal(k1, (N_NODES, IN_DIM), dtype=jnp.float32)
    edge_index = jax.random.randint(k2, (2, N_EDGES), 0, N_NODES, dtype=jnp.int64)
    W1 = jax.random.normal(k3, (IN_DIM, HIDDEN_DIM), dtype=jnp.float32) * 0.05
    b1 = jnp.zeros((HIDDEN_DIM,), dtype=jnp.float32)
    W2 = jax.random.normal(k4, (HIDDEN_DIM, OUT_DIM), dtype=jnp.float32) * 0.05
    b2 = jnp.zeros((OUT_DIM,), dtype=jnp.float32)
    return {"x": x, "edge_index": edge_index, "W1": W1, "b1": b1, "W2": W2, "b2": b2}


def _gcn_conv(x, src, dst, W, b, n_nodes):
    # PyG GCNConv: add self-loops, symmetric normalization, linear transform,
    # gather-scale-scatter aggregation, bias add.
    loop = jnp.arange(n_nodes, dtype=src.dtype)
    src_sl = jnp.concatenate([src, loop])
    dst_sl = jnp.concatenate([dst, loop])
    deg = jnp.zeros((n_nodes,), dtype=x.dtype).at[dst_sl].add(1.0)
    deg_inv_sqrt = jnp.where(deg > 0, deg ** -0.5, 0.0)
    norm = deg_inv_sqrt[src_sl] * deg_inv_sqrt[dst_sl]
    h = x @ W
    msg = h[src_sl] * norm[:, None]
    out = jnp.zeros((n_nodes, W.shape[1]), dtype=x.dtype).at[dst_sl].add(msg)
    return out + b


def reference(x, edge_index, W1, b1, W2, b2):
    n = x.shape[0]
    src = edge_index[0]
    dst = edge_index[1]
    h = _gcn_conv(x, src, dst, W1, b1, n)
    h = jax.nn.relu(h)
    # dropout is identity at inference (training=False)
    out = _gcn_conv(h, src, dst, W2, b2, n)
    return out

if __name__ == "__main__":
    import jax
    _d = setup_inputs()
    print(jax.jit(kernel)(*tuple(_d.values())))

</pallas_src>

<mosaic_0001>
#map = affine_map<(d0, d1) -> (0)>
#map1 = affine_map<(d0, d1) -> (0, 0)>
#map2 = affine_map<(d0, d1) -> (0, 0, 0)>
module attributes {stable_mosaic.version = 14 : i64} {
  func.func @agg_kernel(%arg0: i32, %arg1: i32, %arg2: memref<320000xi32, #tpu.memory_space<hbm>>, %arg3: memref<320000xi32, #tpu.memory_space<hbm>>, %arg4: memref<10112x128xf32, #tpu.memory_space<hbm>>, %arg5: memref<10112x128xf32, #tpu.memory_space<hbm>>, %arg6: memref<2x10112x128xf32, #tpu.memory_space<hbm>>, %arg7: memref<128xi32, #tpu.memory_space<vmem>>, %arg8: memref<128xi32, #tpu.memory_space<vmem>>, %arg9: memref<128xi32, #tpu.memory_space<vmem>>, %arg10: memref<128xi32, #tpu.memory_space<vmem>>, %arg11: memref<128xi32, #tpu.memory_space<vmem>>, %arg12: memref<128xi32, #tpu.memory_space<vmem>>, %arg13: memref<128x128xf32, #tpu.memory_space<vmem>>, %arg14: memref<128x128xf32, #tpu.memory_space<vmem>>, %arg15: memref<128x128xf32, #tpu.memory_space<vmem>>, %arg16: memref<10112x128xf32, #tpu.memory_space<vmem_shared>>, %arg17: memref<!tpu.dma_semaphore, #tpu.memory_space<semaphore_mem>>, %arg18: memref<!tpu.dma_semaphore, #tpu.memory_space<semaphore_mem>>, %arg19: memref<!tpu.dma_semaphore, #tpu.memory_space<semaphore_mem>>, %arg20: memref<!tpu.dma_semaphore, #tpu.memory_space<semaphore_mem>>, %arg21: memref<!tpu.dma_semaphore, #tpu.memory_space<semaphore_mem>>, %arg22: memref<!tpu.dma_semaphore, #tpu.memory_space<semaphore_mem>>, %arg23: memref<!tpu.dma_semaphore, #tpu.memory_space<semaphore_mem>>, %arg24: memref<!tpu.dma_semaphore, #tpu.memory_space<semaphore_mem>>, %arg25: memref<!tpu.dma_semaphore, #tpu.memory_space<semaphore_mem>>) attributes {dimension_semantics = [#tpu.dimension_semantics<core_parallel>, #tpu.dimension_semantics<subcore_parallel>], iteration_bounds = array<i64: 2, 16>, scalar_prefetch = 0 : i64, scratch_operands = 19 : i64, tpu.core_type = #tpu.core_type<sc_vector_subcore>, window_params = [{transform_indices = #map}, {transform_indices = #map}, {transform_indices = #map1}, {transform_indices = #map1}, {transform_indices = #map2}]} {
    %mul3A = arith.constant 2 : i32
    %mul3A_0 = arith.muli %arg1, %mul3A : i32
    %add3A = arith.addi %mul3A_0, %arg0 : i32
    %mul3A_1 = arith.constant 632 : i32
    %mul3A_2 = arith.muli %arg1, %mul3A_1 : i32
    %add3A_3 = arith.constant 0 : i32
    %add3A_4 = arith.addi %add3A, %add3A_3 : i32
    %mul3A_5 = arith.constant 128 : i32
    %mul3A_6 = arith.muli %add3A_4, %mul3A_5 : i32
    %multiple_of3A = tpu.assume_multiple %mul3A_6, 8 : i32
    %dma_start3A = tpu.memref_slice %arg2[%multiple_of3A] : memref<320000xi32, #tpu.memory_space<hbm>> -> memref<128xi32, #tpu.memory_space<hbm>>
    %dma_start3A_7 = tpu.memref_slice %arg2[%multiple_of3A] : memref<320000xi32, #tpu.memory_space<hbm>> -> memref<128xi32, #tpu.memory_space<hbm>>
    tpu.enqueue_dma source(%dma_start3A_7 : memref<128xi32, #tpu.memory_space<hbm>>) target(%arg7 : memref<128xi32, #tpu.memory_space<vmem>>) target_semaphore(%arg17 : memref<!tpu.dma_semaphore, #tpu.memory_space<semaphore_mem>>)
    %dma_start3A_8 = tpu.memref_slice %arg3[%multiple_of3A] : memref<320000xi32, #tpu.memory_space<hbm>> -> memref<128xi32, #tpu.memory_space<hbm>>
    %dma_start3A_9 = tpu.memref_slice %arg3[%multiple_of3A] : memref<320000xi32, #tpu.memory_space<hbm>> -> memref<128xi32, #tpu.memory_space<hbm>>
    tpu.enqueue_dma source(%dma_start3A_9 : memref<128xi32, #tpu.memory_space<hbm>>) target(%arg10 : memref<128xi32, #tpu.memory_space<vmem>>) target_semaphore(%arg17 : memref<!tpu.dma_semaphore, #tpu.memory_space<semaphore_mem>>)
    %add3A_10 = arith.constant 32 : i32
    %add3A_11 = arith.addi %add3A, %add3A_10 : i32
    %mul3A_12 = arith.constant 128 : i32
    %mul3A_13 = arith.muli %add3A_11, %mul3A_12 : i32
    %multiple_of3A_14 = tpu.assume_multiple %mul3A_13, 8 : i32
    %dma_start3A_15 = tpu.memref_slice %arg2[%multiple_of3A_14] : memref<320000xi32, #tpu.memory_space<hbm>> -> memref<128xi32, #tpu.memory_space<hbm>>
    %dma_start3A_16 = tpu.memref_slice %arg2[%multiple_of3A_14] : memref<320000xi32, #tpu.memory_space<hbm>> -> memref<128xi32, #tpu.memory_space<hbm>>
    tpu.enqueue_dma source(%dma_start3A_16 : memref<128xi32, #tpu.memory_space<hbm>>) target(%arg8 : memref<128xi32, #tpu.memory_space<vmem>>) target_semaphore(%arg18 : memref<!tpu.dma_semaphore, #tpu.memory_space<semaphore_mem>>)
    %dma_start3A_17 = tpu.memref_slice %arg3[%multiple_of3A_14] : memref<320000xi32, #tpu.memory_space<hbm>> -> memref<128xi32, #tpu.memory_space<hbm>>
    %dma_start3A_18 = tpu.memref_slice %arg3[%multiple_of3A_14] : memref<320000xi32, #tpu.memory_space<hbm>> -> memref<128xi32, #tpu.memory_space<hbm>>
    tpu.enqueue_dma source(%dma_start3A_18 : memref<128xi32, #tpu.memory_space<hbm>>) target(%arg11 : memref<128xi32, #tpu.memory_space<vmem>>) target_semaphore(%arg18 : memref<!tpu.dma_semaphore, #tpu.memory_space<semaphore_mem>>)
    %add3A_19 = arith.constant 64 : i32
    %add3A_20 = arith.addi %add3A, %add3A_19 : i32
    %mul3A_21 = arith.constant 128 : i32
    %mul3A_22 = arith.muli %add3A_20, %mul3A_21 : i32
    %multiple_of3A_23 = tpu.assume_multiple %mul3A_22, 8 : i32
    %dma_start3A_24 = tpu.memref_slice %arg2[%multiple_of3A_23] : memref<320000xi32, #tpu.memory_space<hbm>> -> memref<128xi32, #tpu.memory_space<hbm>>
    %dma_start3A_25 = tpu.memref_slice %arg2[%multiple_of3A_23] : memref<320000xi32, #tpu.memory_space<hbm>> -> memref<128xi32, #tpu.memory_space<hbm>>
    tpu.enqueue_dma source(%dma_start3A_25 : memref<128xi32, #tpu.memory_space<hbm>>) target(%arg9 : memref<128xi32, #tpu.memory_space<vmem>>) target_semaphore(%arg19 : memref<!tpu.dma_semaphore, #tpu.memory_space<semaphore_mem>>)
    %dma_start3A_26 = tpu.memref_slice %arg3[%multiple_of3A_23] : memref<320000xi32, #tpu.memory_space<hbm>> -> memref<128xi32, #tpu.memory_space<hbm>>
    %dma_start3A_27 = tpu.memref_slice %arg3[%multiple_of3A_23] : memref<320000xi32, #tpu.memory_space<hbm>> -> memref<128xi32, #tpu.memory_space<hbm>>
    tpu.enqueue_dma source(%dma_start3A_27 : memref<128xi32, #tpu.memory_space<hbm>>) target(%arg12 : memref<128xi32, #tpu.memory_space<vmem>>) target_semaphore(%arg19 : memref<!tpu.dma_semaphore, #tpu.memory_space<semaphore_mem>>)
    %dma_wait3A = arith.constant 0 : i32
    %dma_wait3A_28 = tpu.memref_slice %arg2[%dma_wait3A] : memref<320000xi32, #tpu.memory_space<hbm>> -> memref<128xi32, #tpu.memory_space<hbm>>
    %dma_wait3A_29 = arith.constant 0 : i32
    %dma_wait3A_30 = tpu.memref_slice %arg2[%dma_wait3A_29] : memref<320000xi32, #tpu.memory_space<hbm>> -> memref<128xi32, #tpu.memory_space<hbm>>
    tpu.wait_dma2 semaphore(%arg17 : memref<!tpu.dma_semaphore, #tpu.memory_space<semaphore_mem>>) src(%dma_wait3A_30 : memref<128xi32, #tpu.memory_space<hbm>>) dst(%arg7 : memref<128xi32, #tpu.memory_space<vmem>>)
    %dma_wait3A_31 = arith.constant 0 : i32
    %dma_wait3A_32 = tpu.memref_slice %arg3[%dma_wait3A_31] : memref<320000xi32, #tpu.memory_space<hbm>> -> memref<128xi32, #tpu.memory_space<hbm>>
    %dma_wait3A_33 = arith.constant 0 : i32
    %dma_wait3A_34 = tpu.memref_slice %arg3[%dma_wait3A_33] : memref<320000xi32, #tpu.memory_space<hbm>> -> memref<128xi32, #tpu.memory_space<hbm>>
    tpu.wait_dma2 semaphore(%arg17 : memref<!tpu.dma_semaphore, #tpu.memory_space<semaphore_mem>>) src(%dma_wait3A_34 : memref<128xi32, #tpu.memory_space<hbm>>) dst(%arg10 : memref<128xi32, #tpu.memory_space<vmem>>)
    %dma_start3A_35 = arith.constant 0 : i32
    %dma_start3A_36 = arith.constant 0 : i32
    %dma_start3A_37 = tpu.memref_slice %arg4[%dma_start3A_35, %dma_start3A_36] : memref<10112x128xf32, #tpu.memory_space<hbm>> -> memref<10112x128xf32, #tpu.memory_space<hbm>>
    tpu.enqueue_indirect_dma source(%dma_start3A_37 : memref<10112x128xf32, #tpu.memory_space<hbm>>) target(%arg13 : memref<128x128xf32, #tpu.memory_space<vmem>>) offsets(%arg7 : memref<128xi32, #tpu.memory_space<vmem>>) semaphore(%arg20 : memref<!tpu.dma_semaphore, #tpu.memory_space<semaphore_mem>>)
    %dma_wait3A_38 = arith.constant 0 : i32
    %dma_wait3A_39 = tpu.memref_slice %arg2[%dma_wait3A_38] : memref<320000xi32, #tpu.memory_space<hbm>> -> memref<128xi32, #tpu.memory_space<hbm>>
    %dma_wait3A_40 = arith.constant 0 : i32
    %dma_wait3A_41 = tpu.memref_slice %arg2[%dma_wait3A_40] : memref<320000xi32, #tpu.memory_space<hbm>> -> memref<128xi32, #tpu.memory_space<hbm>>
    tpu.wait_dma2 semaphore(%arg18 : memref<!tpu.dma_semaphore, #tpu.memory_space<semaphore_mem>>) src(%dma_wait3A_41 : memref<128xi32, #tpu.memory_space<hbm>>) dst(%arg8 : memref<128xi32, #tpu.memory_space<vmem>>)
    %dma_wait3A_42 = arith.constant 0 : i32
    %dma_wait3A_43 = tpu.memref_slice %arg3[%dma_wait3A_42] : memref<320000xi32, #tpu.memory_space<hbm>> -> memref<128xi32, #tpu.memory_space<hbm>>
    %dma_wait3A_44 = arith.constant 0 : i32
    %dma_wait3A_45 = tpu.memref_slice %arg3[%dma_wait3A_44] : memref<320000xi32, #tpu.memory_space<hbm>> -> memref<128xi32, #tpu.memory_space<hbm>>
    tpu.wait_dma2 semaphore(%arg18 : memref<!tpu.dma_semaphore, #tpu.memory_space<semaphore_mem>>) src(%dma_wait3A_45 : memref<128xi32, #tpu.memory_space<hbm>>) dst(%arg11 : memref<128xi32, #tpu.memory_space<vmem>>)
    %dma_start3A_46 = arith.constant 0 : i32
    %dma_start3A_47 = arith.constant 0 : i32
    %dma_start3A_48 = tpu.memref_slice %arg4[%dma_start3A_46, %dma_start3A_47] : memref<10112x128xf32, #tpu.memory_space<hbm>> -> memref<10112x128xf32, #tpu.memory_space<hbm>>
    tpu.enqueue_indirect_dma source(%dma_start3A_48 : memref<10112x128xf32, #tpu.memory_space<hbm>>) target(%arg14 : memref<128x128xf32, #tpu.memory_space<vmem>>) offsets(%arg8 : memref<128xi32, #tpu.memory_space<vmem>>) semaphore(%arg21 : memref<!tpu.dma_semaphore, #tpu.memory_space<semaphore_mem>>)
    %dma_wait3A_49 = arith.constant 0 : i32
    %dma_wait3A_50 = tpu.memref_slice %arg2[%dma_wait3A_49] : memref<320000xi32, #tpu.memory_space<hbm>> -> memref<128xi32, #tpu.memory_space<hbm>>
    %dma_wait3A_51 = arith.constant 0 : i32
    %dma_wait3A_52 = tpu.memref_slice %arg2[%dma_wait3A_51] : memref<320000xi32, #tpu.memory_space<hbm>> -> memref<128xi32, #tpu.memory_space<hbm>>
    tpu.wait_dma2 semaphore(%arg19 : memref<!tpu.dma_semaphore, #tpu.memory_space<semaphore_mem>>) src(%dma_wait3A_52 : memref<128xi32, #tpu.memory_space<hbm>>) dst(%arg9 : memref<128xi32, #tpu.memory_space<vmem>>)
    %dma_wait3A_53 = arith.constant 0 : i32
    %dma_wait3A_54 = tpu.memref_slice %arg3[%dma_wait3A_53] : memref<320000xi32, #tpu.memory_space<hbm>> -> memref<128xi32, #tpu.memory_space<hbm>>
    %dma_wait3A_55 = arith.constant 0 : i32
    %dma_wait3A_56 = tpu.memref_slice %arg3[%dma_wait3A_55] : memref<320000xi32, #tpu.memory_space<hbm>> -> memref<128xi32, #tpu.memory_space<hbm>>
    tpu.wait_dma2 semaphore(%arg19 : memref<!tpu.dma_semaphore, #tpu.memory_space<semaphore_mem>>) src(%dma_wait3A_56 : memref<128xi32, #tpu.memory_space<hbm>>) dst(%arg12 : memref<128xi32, #tpu.memory_space<vmem>>)
    %dma_start3A_57 = arith.constant 0 : i32
    %dma_start3A_58 = arith.constant 0 : i32
    %dma_start3A_59 = tpu.memref_slice %arg4[%dma_start3A_57, %dma_start3A_58] : memref<10112x128xf32, #tpu.memory_space<hbm>> -> memref<10112x128xf32, #tpu.memory_space<hbm>>
    tpu.enqueue_indirect_dma source(%dma_start3A_59 : memref<10112x128xf32, #tpu.memory_space<hbm>>) target(%arg15 : memref<128x128xf32, #tpu.memory_space<vmem>>) offsets(%arg9 : memref<128xi32, #tpu.memory_space<vmem>>) semaphore(%arg22 : memref<!tpu.dma_semaphore, #tpu.memory_space<semaphore_mem>>)
    "tpu.region"() ({
      %run_scoped3A = tpu.sem_alloc : memref<!tpu.dma_semaphore, #tpu.memory_space<semaphore_mem>>
      %dma_start3A_75 = arith.constant 0 : i32
      %dma_start3A_76 = tpu.memref_slice %arg16[%mul3A_2, %dma_start3A_75] : memref<10112x128xf32, #tpu.memory_space<vmem_shared>> -> memref<632x128xf32, #tpu.memory_space<vmem_shared>>
      %dma_start3A_77 = arith.constant 0 : i32
      %dma_start3A_78 = tpu.memref_slice %arg5[%mul3A_2, %dma_start3A_77] : memref<10112x128xf32, #tpu.memory_space<hbm>> -> memref<632x128xf32, #tpu.memory_space<hbm>>
      tpu.enqueue_dma source(%dma_start3A_78 : memref<632x128xf32, #tpu.memory_space<hbm>>) target(%dma_start3A_76 : memref<632x128xf32, #tpu.memory_space<vmem_shared>>) target_semaphore(%run_scoped3A : memref<!tpu.dma_semaphore, #tpu.memory_space<semaphore_mem>>)
      %dma_wait3A_79 = arith.constant 0 : i32
      %dma_wait3A_80 = tpu.memref_slice %arg16[%mul3A_2, %dma_wait3A_79] : memref<10112x128xf32, #tpu.memory_space<vmem_shared>> -> memref<632x128xf32, #tpu.memory_space<vmem_shared>>
      %dma_wait3A_81 = arith.constant 0 : i32
      %dma_wait3A_82 = tpu.memref_slice %arg5[%mul3A_2, %dma_wait3A_81] : memref<10112x128xf32, #tpu.memory_space<hbm>> -> memref<632x128xf32, #tpu.memory_space<hbm>>
      tpu.wait_dma2 semaphore(%run_scoped3A : memref<!tpu.dma_semaphore, #tpu.memory_space<semaphore_mem>>) src(%dma_wait3A_82 : memref<632x128xf32, #tpu.memory_space<hbm>>) dst(%dma_wait3A_80 : memref<632x128xf32, #tpu.memory_space<vmem_shared>>)
      tpu.yield
    }) : () -> ()
    %barrier3A = arith.constant 0 : index
    tpu.barrier barrier_id(%barrier3A)
    %scan3A = arith.constant 0 : i32
    %scan3A_60 = arith.constant 0 : i32
    %scan3A_61 = arith.constant 27 : i32
    %scan3A_62 = arith.addi %scan3A_60, %scan3A_61 : i32
    %scan3A_63 = arith.constant 1 : i32
    scf.for %scan3A_75 = %scan3A_60 to %scan3A_62 step %scan3A_63  : i32 {
      %mul3A_76 = arith.constant 3 : i32
      %mul3A_77 = arith.muli %mul3A_76, %scan3A_75 : i32
      %add3A_78 = arith.constant 0 : i32
      %add3A_79 = arith.addi %mul3A_77, %add3A_78 : i32
      %mul3A_80 = arith.constant 32 : i32
      %mul3A_81 = arith.muli %mul3A_80, %add3A_79 : i32
      %add3A_82 = arith.addi %add3A, %mul3A_81 : i32
      %lt3A = arith.constant 2500 : i32
      %lt3A_83 = arith.cmpi slt, %add3A_82, %lt3A : i32
      %convert_element_type3A = arith.extui %lt3A_83 : i1 to i32
      %cond3A = arith.constant 0 : i32
      %cond3A_84 = arith.cmpi ne, %convert_element_type3A, %cond3A : i32
      scf.if %cond3A_84 {
        %dma_wait3A_139 = arith.constant 0 : i32
        %dma_wait3A_140 = arith.constant 0 : i32
        %dma_wait3A_141 = tpu.memref_slice %arg4[%dma_wait3A_139, %dma_wait3A_140] : memref<10112x128xf32, #tpu.memory_space<hbm>> -> memref<10112x128xf32, #tpu.memory_space<hbm>>
        tpu.wait_indirect_dma semaphore(%arg20 : memref<!tpu.dma_semaphore, #tpu.memory_space<semaphore_mem>>) src(%dma_wait3A_141 : memref<10112x128xf32, #tpu.memory_space<hbm>>) dst(%arg13 : memref<128x128xf32, #tpu.memory_space<vmem>>)
        %dma_start3A_142 = arith.constant 0 : i32
        %dma_start3A_143 = arith.constant 0 : i32
        %dma_start3A_144 = tpu.memref_slice %arg16[%dma_start3A_142, %dma_start3A_143] : memref<10112x128xf32, #tpu.memory_space<vmem_shared>> -> memref<10112x128xf32, #tpu.memory_space<vmem_shared>>
        tpu.enqueue_indirect_dma source(%arg13 : memref<128x128xf32, #tpu.memory_space<vmem>>) target(%dma_start3A_144 : memref<10112x128xf32, #tpu.memory_space<vmem_shared>>) offsets(%arg10 : memref<128xi32, #tpu.memory_space<vmem>>) semaphore(%arg23 : memref<!tpu.dma_semaphore, #tpu.memory_space<semaphore_mem>>) {add = true}
      } else {
      }
      %add3A_85 = arith.constant 3 : i32
      %add3A_86 = arith.addi %add3A_79, %add3A_85 : i32
      %mul3A_87 = arith.constant 32 : i32
      %mul3A_88 = arith.muli %mul3A_87, %add3A_86 : i32
      %add3A_89 = arith.addi %add3A, %mul3A_88 : i32
      %lt3A_90 = arith.constant 2500 : i32
      %lt3A_91 = arith.cmpi slt, %add3A_89, %lt3A_90 : i32
      %convert_element_type3A_92 = arith.extui %lt3A_91 : i1 to i32
      %cond3A_93 = arith.constant 0 : i32
      %cond3A_94 = arith.cmpi ne, %convert_element_type3A_92, %cond3A_93 : i32
      scf.if %cond3A_94 {
        %dma_wait3A_139 = arith.constant 0 : i32
        %dma_wait3A_140 = arith.constant 0 : i32
        %dma_wait3A_141 = tpu.memref_slice %arg16[%dma_wait3A_139, %dma_wait3A_140] : memref<10112x128xf32, #tpu.memory_space<vmem_shared>> -> memref<10112x128xf32, #tpu.memory_space<vmem_shared>>
        tpu.wait_indirect_dma semaphore(%arg23 : memref<!tpu.dma_semaphore, #tpu.memory_space<semaphore_mem>>) src(%arg13 : memref<128x128xf32, #tpu.memory_space<vmem>>) dst(%dma_wait3A_141 : memref<10112x128xf32, #tpu.memory_space<vmem_shared>>)
        %add3A_142 = arith.constant 3 : i32
        %add3A_143 = arith.addi %add3A_79, %add3A_142 : i32
        %mul3A_144 = arith.constant 32 : i32
        %mul3A_145 = arith.muli %mul3A_144, %add3A_143 : i32
        %add3A_146 = arith.addi %add3A, %mul3A_145 : i32
        %mul3A_147 = arith.constant 128 : i32
        %mul3A_148 = arith.muli %add3A_146, %mul3A_147 : i32
        %multiple_of3A_149 = tpu.assume_multiple %mul3A_148, 8 : i32
        %dma_start3A_150 = tpu.memref_slice %arg2[%multiple_of3A_149] : memref<320000xi32, #tpu.memory_space<hbm>> -> memref<128xi32, #tpu.memory_space<hbm>>
        %dma_start3A_151 = tpu.memref_slice %arg2[%multiple_of3A_149] : memref<320000xi32, #tpu.memory_space<hbm>> -> memref<128xi32, #tpu.memory_space<hbm>>
        tpu.enqueue_dma source(%dma_start3A_151 : memref<128xi32, #tpu.memory_space<hbm>>) target(%arg7 : memref<128xi32, #tpu.memory_space<vmem>>) target_semaphore(%arg17 : memref<!tpu.dma_semaphore, #tpu.memory_space<semaphore_mem>>)
        %dma_start3A_152 = tpu.memref_slice %arg3[%multiple_of3A_149] : memref<320000xi32, #tpu.memory_space<hbm>> -> memref<128xi32, #tpu.memory_space<hbm>>
        %dma_start3A_153 = tpu.memref_slice %arg3[%multiple_of3A_149] : memref<320000xi32, #tpu.memory_space<hbm>> -> memref<128xi32, #tpu.memory_space<hbm>>
        tpu.enqueue_dma source(%dma_start3A_153 : memref<128xi32, #tpu.memory_space<hbm>>) target(%arg10 : memref<128xi32, #tpu.memory_space<vmem>>) target_semaphore(%arg17 : memref<!tpu.dma_semaphore, #tpu.memory_space<semaphore_mem>>)
        %dma_wait3A_154 = arith.constant 0 : i32
        %dma_wait3A_155 = tpu.memref_slice %arg2[%dma_wait3A_154] : memref<320000xi32, #tpu.memory_space<hbm>> -> memref<128xi32, #tpu.memory_space<hbm>>
        %dma_wait3A_156 = arith.constant 0 : i32
        %dma_wait3A_157 = tpu.memref_slice %arg2[%dma_wait3A_156] : memref<320000xi32, #tpu.memory_space<hbm>> -> memref<128xi32, #tpu.memory_space<hbm>>
        tpu.wait_dma2 semaphore(%arg17 : memref<!tpu.dma_semaphore, #tpu.memory_space<semaphore_mem>>) src(%dma_wait3A_157 : memref<128xi32, #tpu.memory_space<hbm>>) dst(%arg7 : memref<128xi32, #tpu.memory_space<vmem>>)
        %dma_wait3A_158 = arith.constant 0 : i32
        %dma_wait3A_159 = tpu.memref_slice %arg3[%dma_wait3A_158] : memref<320000xi32, #tpu.memory_space<hbm>> -> memref<128xi32, #tpu.memory_space<hbm>>
        %dma_wait3A_160 = arith.constant 0 : i32
        %dma_wait3A_161 = tpu.memref_slice %arg3[%dma_wait3A_160] : memref<320000xi32, #tpu.memory_space<hbm>> -> memref<128xi32, #tpu.memory_space<hbm>>
        tpu.wait_dma2 semaphore(%arg17 : memref<!tpu.dma_semaphore, #tpu.memory_space<semaphore_mem>>) src(%dma_wait3A_161 : memref<128xi32, #tpu.memory_space<hbm>>) dst(%arg10 : memref<128xi32, #tpu.memory_space<vmem>>)
        %dma_start3A_162 = arith.constant 0 : i32
        %dma_start3A_163 = arith.constant 0 : i32
        %dma_start3A_164 = tpu.memref_slice %arg4[%dma_start3A_162, %dma_start3A_163] : memref<10112x128xf32, #tpu.memory_space<hbm>> -> memref<10112x128xf32, #tpu.memory_space<hbm>>
        tpu.enqueue_indirect_dma source(%dma_start3A_164 : memref<10112x128xf32, #tpu.memory_space<hbm>>) target(%arg13 : memref<128x128xf32, #tpu.memory_space<vmem>>) offsets(%arg7 : memref<128xi32, #tpu.memory_space<vmem>>) semaphore(%arg20 : memref<!tpu.dma_semaphore, #tpu.memory_space<semaphore_mem>>)
      } else {
      }
      %mul3A_95 = arith.constant 3 : i32
      %mul3A_96 = arith.muli %mul3A_95, %scan3A_75 : i32
      %add3A_97 = arith.constant 1 : i32
      %add3A_98 = arith.addi %mul3A_96, %add3A_97 : i32
      %mul3A_99 = arith.constant 32 : i32
      %mul3A_100 = arith.muli %mul3A_99, %add3A_98 : i32
      %add3A_101 = arith.addi %add3A, %mul3A_100 : i32
      %lt3A_102 = arith.constant 2500 : i32
      %lt3A_103 = arith.cmpi slt, %add3A_101, %lt3A_102 : i32
      %convert_element_type3A_104 = arith.extui %lt3A_103 : i1 to i32
      %cond3A_105 = arith.constant 0 : i32
      %cond3A_106 = arith.cmpi ne, %convert_element_type3A_104, %cond3A_105 : i32
      scf.if %cond3A_106 {
        %dma_wait3A_139 = arith.constant 0 : i32
        %dma_wait3A_140 = arith.constant 0 : i32
        %dma_wait3A_141 = tpu.memref_slice %arg4[%dma_wait3A_139, %dma_wait3A_140] : memref<10112x128xf32, #tpu.memory_space<hbm>> -> memref<10112x128xf32, #tpu.memory_space<hbm>>
        tpu.wait_indirect_dma semaphore(%arg21 : memref<!tpu.dma_semaphore, #tpu.memory_space<semaphore_mem>>) src(%dma_wait3A_141 : memref<10112x128xf32, #tpu.memory_space<hbm>>) dst(%arg14 : memref<128x128xf32, #tpu.memory_space<vmem>>)
        %dma_start3A_142 = arith.constant 0 : i32
        %dma_start3A_143 = arith.constant 0 : i32
        %dma_start3A_144 = tpu.memref_slice %arg16[%dma_start3A_142, %dma_start3A_143] : memref<10112x128xf32, #tpu.memory_space<vmem_shared>> -> memref<10112x128xf32, #tpu.memory_space<vmem_shared>>
        tpu.enqueue_indirect_dma source(%arg14 : memref<128x128xf32, #tpu.memory_space<vmem>>) target(%dma_start3A_144 : memref<10112x128xf32, #tpu.memory_space<vmem_shared>>) offsets(%arg11 : memref<128xi32, #tpu.memory_space<vmem>>) semaphore(%arg24 : memref<!tpu.dma_semaphore, #tpu.memory_space<semaphore_mem>>) {add = true}
      } else {
      }
      %add3A_107 = arith.constant 3 : i32
      %add3A_108 = arith.addi %add3A_98, %add3A_107 : i32
      %mul3A_109 = arith.constant 32 : i32
      %mul3A_110 = arith.muli %mul3A_109, %add3A_108 : i32
      %add3A_111 = arith.addi %add3A, %mul3A_110 : i32
      %lt3A_112 = arith.constant 2500 : i32
      %lt3A_113 = arith.cmpi slt, %add3A_111, %lt3A_112 : i32
      %convert_element_type3A_114 = arith.extui %lt3A_113 : i1 to i32
      %cond3A_115 = arith.constant 0 : i32
      %cond3A_116 = arith.cmpi ne, %convert_element_type3A_114, %cond3A_115 : i32
      scf.if %cond3A_116 {
        %dma_wait3A_139 = arith.constant 0 : i32
        %dma_wait3A_140 = arith.constant 0 : i32
        %dma_wait3A_141 = tpu.memref_slice %arg16[%dma_wait3A_139, %dma_wait3A_140] : memref<10112x128xf32, #tpu.memory_space<vmem_shared>> -> memref<10112x128xf32, #tpu.memory_space<vmem_shared>>
        tpu.wait_indirect_dma semaphore(%arg24 : memref<!tpu.dma_semaphore, #tpu.memory_space<semaphore_mem>>) src(%arg14 : memref<128x128xf32, #tpu.memory_space<vmem>>) dst(%dma_wait3A_141 : memref<10112x128xf32, #tpu.memory_space<vmem_shared>>)
        %add3A_142 = arith.constant 3 : i32
        %add3A_143 = arith.addi %add3A_98, %add3A_142 : i32
        %mul3A_144 = arith.constant 32 : i32
        %mul3A_145 = arith.muli %mul3A_144, %add3A_143 : i32
        %add3A_146 = arith.addi %add3A, %mul3A_145 : i32
        %mul3A_147 = arith.constant 128 : i32
        %mul3A_148 = arith.muli %add3A_146, %mul3A_147 : i32
        %multiple_of3A_149 = tpu.assume_multiple %mul3A_148, 8 : i32
        %dma_start3A_150 = tpu.memref_slice %arg2[%multiple_of3A_149] : memref<320000xi32, #tpu.memory_space<hbm>> -> memref<128xi32, #tpu.memory_space<hbm>>
        %dma_start3A_151 = tpu.memref_slice %arg2[%multiple_of3A_149] : memref<320000xi32, #tpu.memory_space<hbm>> -> memref<128xi32, #tpu.memory_space<hbm>>
        tpu.enqueue_dma source(%dma_start3A_151 : memref<128xi32, #tpu.memory_space<hbm>>) target(%arg8 : memref<128xi32, #tpu.memory_space<vmem>>) target_semaphore(%arg18 : memref<!tpu.dma_semaphore, #tpu.memory_space<semaphore_mem>>)
        %dma_start3A_152 = tpu.memref_slice %arg3[%multiple_of3A_149] : memref<320000xi32, #tpu.memory_space<hbm>> -> memref<128xi32, #tpu.memory_space<hbm>>
        %dma_start3A_153 = tpu.memref_slice %arg3[%multiple_of3A_149] : memref<320000xi32, #tpu.memory_space<hbm>> -> memref<128xi32, #tpu.memory_space<hbm>>
        tpu.enqueue_dma source(%dma_start3A_153 : memref<128xi32, #tpu.memory_space<hbm>>) target(%arg11 : memref<128xi32, #tpu.memory_space<vmem>>) target_semaphore(%arg18 : memref<!tpu.dma_semaphore, #tpu.memory_space<semaphore_mem>>)
        %dma_wait3A_154 = arith.constant 0 : i32
        %dma_wait3A_155 = tpu.memref_slice %arg2[%dma_wait3A_154] : memref<320000xi32, #tpu.memory_space<hbm>> -> memref<128xi32, #tpu.memory_space<hbm>>
        %dma_wait3A_156 = arith.constant 0 : i32
        %dma_wait3A_157 = tpu.memref_slice %arg2[%dma_wait3A_156] : memref<320000xi32, #tpu.memory_space<hbm>> -> memref<128xi32, #tpu.memory_space<hbm>>
        tpu.wait_dma2 semaphore(%arg18 : memref<!tpu.dma_semaphore, #tpu.memory_space<semaphore_mem>>) src(%dma_wait3A_157 : memref<128xi32, #tpu.memory_space<hbm>>) dst(%arg8 : memref<128xi32, #tpu.memory_space<vmem>>)
        %dma_wait3A_158 = arith.constant 0 : i32
        %dma_wait3A_159 = tpu.memref_slice %arg3[%dma_wait3A_158] : memref<320000xi32, #tpu.memory_space<hbm>> -> memref<128xi32, #tpu.memory_space<hbm>>
        %dma_wait3A_160 = arith.constant 0 : i32
        %dma_wait3A_161 = tpu.memref_slice %arg3[%dma_wait3A_160] : memref<320000xi32, #tpu.memory_space<hbm>> -> memref<128xi32, #tpu.memory_space<hbm>>
        tpu.wait_dma2 semaphore(%arg18 : memref<!tpu.dma_semaphore, #tpu.memory_space<semaphore_mem>>) src(%dma_wait3A_161 : memref<128xi32, #tpu.memory_space<hbm>>) dst(%arg11 : memref<128xi32, #tpu.memory_space<vmem>>)
        %dma_start3A_162 = arith.constant 0 : i32
        %dma_start3A_163 = arith.constant 0 : i32
        %dma_start3A_164 = tpu.memref_slice %arg4[%dma_start3A_162, %dma_start3A_163] : memref<10112x128xf32, #tpu.memory_space<hbm>> -> memref<10112x128xf32, #tpu.memory_space<hbm>>
        tpu.enqueue_indirect_dma source(%dma_start3A_164 : memref<10112x128xf32, #tpu.memory_space<hbm>>) target(%arg14 : memref<128x128xf32, #tpu.memory_space<vmem>>) offsets(%arg8 : memref<128xi32, #tpu.memory_space<vmem>>) semaphore(%arg21 : memref<!tpu.dma_semaphore, #tpu.memory_space<semaphore_mem>>)
      } else {
      }
      %mul3A_117 = arith.constant 3 : i32
      %mul3A_118 = arith.muli %mul3A_117, %scan3A_75 : i32
      %add3A_119 = arith.constant 2 : i32
      %add3A_120 = arith.addi %mul3A_118, %add3A_119 : i32
      %mul3A_121 = arith.constant 32 : i32
      %mul3A_122 = arith.muli %mul3A_121, %add3A_120 : i32
      %add3A_123 = arith.addi %add3A, %mul3A_122 : i32
      %lt3A_124 = arith.constant 2500 : i32
      %lt3A_125 = arith.cmpi slt, %add3A_123, %lt3A_124 : i32
      %convert_element_type3A_126 = arith.extui %lt3A_125 : i1 to i32
      %cond3A_127 = arith.constant 0 : i32
      %cond3A_128 = arith.cmpi ne, %convert_element_type3A_126, %cond3A_127 : i32
      scf.if %cond3A_128 {
        %dma_wait3A_139 = arith.constant 0 : i32
        %dma_wait3A_140 = arith.constant 0 : i32
        %dma_wait3A_141 = tpu.memref_slice %arg4[%dma_wait3A_139, %dma_wait3A_140] : memref<10112x128xf32, #tpu.memory_space<hbm>> -> memref<10112x128xf32, #tpu.memory_space<hbm>>
        tpu.wait_indirect_dma semaphore(%arg22 : memref<!tpu.dma_semaphore, #tpu.memory_space<semaphore_mem>>) src(%dma_wait3A_141 : memref<10112x128xf32, #tpu.memory_space<hbm>>) dst(%arg15 : memref<128x128xf32, #tpu.memory_space<vmem>>)
        %dma_start3A_142 = arith.constant 0 : i32
        %dma_start3A_143 = arith.constant 0 : i32
        %dma_start3A_144 = tpu.memref_slice %arg16[%dma_start3A_142, %dma_start3A_143] : memref<10112x128xf32, #tpu.memory_space<vmem_shared>> -> memref<10112x128xf32, #tpu.memory_space<vmem_shared>>
        tpu.enqueue_indirect_dma source(%arg15 : memref<128x128xf32, #tpu.memory_space<vmem>>) target(%dma_start3A_144 : memref<10112x128xf32, #tpu.memory_space<vmem_shared>>) offsets(%arg12 : memref<128xi32, #tpu.memory_space<vmem>>) semaphore(%arg25 : memref<!tpu.dma_semaphore, #tpu.memory_space<semaphore_mem>>) {add = true}
      } else {
      }
      %add3A_129 = arith.constant 3 : i32
      %add3A_130 = arith.addi %add3A_120, %add3A_129 : i32
      %mul3A_131 = arith.constant 32 : i32
      %mul3A_132 = arith.muli %mul3A_131, %add3A_130 : i32
      %add3A_133 = arith.addi %add3A, %mul3A_132 : i32
      %lt3A_134 = arith.constant 2500 : i32
      %lt3A_135 = arith.cmpi slt, %add3A_133, %lt3A_134 : i32
      %convert_element_type3A_136 = arith.extui %lt3A_135 : i1 to i32
      %cond3A_137 = arith.constant 0 : i32
      %cond3A_138 = arith.cmpi ne, %convert_element_type3A_136, %cond3A_137 : i32
      scf.if %cond3A_138 {
        %dma_wait3A_139 = arith.constant 0 : i32
        %dma_wait3A_140 = arith.constant 0 : i32
        %dma_wait3A_141 = tpu.memref_slice %arg16[%dma_wait3A_139, %dma_wait3A_140] : memref<10112x128xf32, #tpu.memory_space<vmem_shared>> -> memref<10112x128xf32, #tpu.memory_space<vmem_shared>>
        tpu.wait_indirect_dma semaphore(%arg25 : memref<!tpu.dma_semaphore, #tpu.memory_space<semaphore_mem>>) src(%arg15 : memref<128x128xf32, #tpu.memory_space<vmem>>) dst(%dma_wait3A_141 : memref<10112x128xf32, #tpu.memory_space<vmem_shared>>)
        %add3A_142 = arith.constant 3 : i32
        %add3A_143 = arith.addi %add3A_120, %add3A_142 : i32
        %mul3A_144 = arith.constant 32 : i32
        %mul3A_145 = arith.muli %mul3A_144, %add3A_143 : i32
        %add3A_146 = arith.addi %add3A, %mul3A_145 : i32
        %mul3A_147 = arith.constant 128 : i32
        %mul3A_148 = arith.muli %add3A_146, %mul3A_147 : i32
        %multiple_of3A_149 = tpu.assume_multiple %mul3A_148, 8 : i32
        %dma_start3A_150 = tpu.memref_slice %arg2[%multiple_of3A_149] : memref<320000xi32, #tpu.memory_space<hbm>> -> memref<128xi32, #tpu.memory_space<hbm>>
        %dma_start3A_151 = tpu.memref_slice %arg2[%multiple_of3A_149] : memref<320000xi32, #tpu.memory_space<hbm>> -> memref<128xi32, #tpu.memory_space<hbm>>
        tpu.enqueue_dma source(%dma_start3A_151 : memref<128xi32, #tpu.memory_space<hbm>>) target(%arg9 : memref<128xi32, #tpu.memory_space<vmem>>) target_semaphore(%arg19 : memref<!tpu.dma_semaphore, #tpu.memory_space<semaphore_mem>>)
        %dma_start3A_152 = tpu.memref_slice %arg3[%multiple_of3A_149] : memref<320000xi32, #tpu.memory_space<hbm>> -> memref<128xi32, #tpu.memory_space<hbm>>
        %dma_start3A_153 = tpu.memref_slice %arg3[%multiple_of3A_149] : memref<320000xi32, #tpu.memory_space<hbm>> -> memref<128xi32, #tpu.memory_space<hbm>>
        tpu.enqueue_dma source(%dma_start3A_153 : memref<128xi32, #tpu.memory_space<hbm>>) target(%arg12 : memref<128xi32, #tpu.memory_space<vmem>>) target_semaphore(%arg19 : memref<!tpu.dma_semaphore, #tpu.memory_space<semaphore_mem>>)
        %dma_wait3A_154 = arith.constant 0 : i32
        %dma_wait3A_155 = tpu.memref_slice %arg2[%dma_wait3A_154] : memref<320000xi32, #tpu.memory_space<hbm>> -> memref<128xi32, #tpu.memory_space<hbm>>
        %dma_wait3A_156 = arith.constant 0 : i32
        %dma_wait3A_157 = tpu.memref_slice %arg2[%dma_wait3A_156] : memref<320000xi32, #tpu.memory_space<hbm>> -> memref<128xi32, #tpu.memory_space<hbm>>
        tpu.wait_dma2 semaphore(%arg19 : memref<!tpu.dma_semaphore, #tpu.memory_space<semaphore_mem>>) src(%dma_wait3A_157 : memref<128xi32, #tpu.memory_space<hbm>>) dst(%arg9 : memref<128xi32, #tpu.memory_space<vmem>>)
        %dma_wait3A_158 = arith.constant 0 : i32
        %dma_wait3A_159 = tpu.memref_slice %arg3[%dma_wait3A_158] : memref<320000xi32, #tpu.memory_space<hbm>> -> memref<128xi32, #tpu.memory_space<hbm>>
        %dma_wait3A_160 = arith.constant 0 : i32
        %dma_wait3A_161 = tpu.memref_slice %arg3[%dma_wait3A_160] : memref<320000xi32, #tpu.memory_space<hbm>> -> memref<128xi32, #tpu.memory_space<hbm>>
        tpu.wait_dma2 semaphore(%arg19 : memref<!tpu.dma_semaphore, #tpu.memory_space<semaphore_mem>>) src(%dma_wait3A_161 : memref<128xi32, #tpu.memory_space<hbm>>) dst(%arg12 : memref<128xi32, #tpu.memory_space<vmem>>)
        %dma_start3A_162 = arith.constant 0 : i32
        %dma_start3A_163 = arith.constant 0 : i32
        %dma_start3A_164 = tpu.memref_slice %arg4[%dma_start3A_162, %dma_start3A_163] : memref<10112x128xf32, #tpu.memory_space<hbm>> -> memref<10112x128xf32, #tpu.memory_space<hbm>>
        tpu.enqueue_indirect_dma source(%dma_start3A_164 : memref<10112x128xf32, #tpu.memory_space<hbm>>) target(%arg15 : memref<128x128xf32, #tpu.memory_space<vmem>>) offsets(%arg9 : memref<128xi32, #tpu.memory_space<vmem>>) semaphore(%arg22 : memref<!tpu.dma_semaphore, #tpu.memory_space<semaphore_mem>>)
      } else {
      }
    }
    %scan3A_64 = arith.constant 27 : i32
    %dma_wait3A_65 = arith.constant 0 : i32
    %dma_wait3A_66 = arith.constant 0 : i32
    %dma_wait3A_67 = tpu.memref_slice %arg16[%dma_wait3A_65, %dma_wait3A_66] : memref<10112x128xf32, #tpu.memory_space<vmem_shared>> -> memref<10112x128xf32, #tpu.memory_space<vmem_shared>>
    tpu.wait_indirect_dma semaphore(%arg23 : memref<!tpu.dma_semaphore, #tpu.memory_space<semaphore_mem>>) src(%arg13 : memref<128x128xf32, #tpu.memory_space<vmem>>) dst(%dma_wait3A_67 : memref<10112x128xf32, #tpu.memory_space<vmem_shared>>)
    %dma_wait3A_68 = arith.constant 0 : i32
    %dma_wait3A_69 = arith.constant 0 : i32
    %dma_wait3A_70 = tpu.memref_slice %arg16[%dma_wait3A_68, %dma_wait3A_69] : memref<10112x128xf32, #tpu.memory_space<vmem_shared>> -> memref<10112x128xf32, #tpu.memory_space<vmem_shared>>
    tpu.wait_indirect_dma semaphore(%arg24 : memref<!tpu.dma_semaphore, #tpu.memory_space<semaphore_mem>>) src(%arg14 : memref<128x128xf32, #tpu.memory_space<vmem>>) dst(%dma_wait3A_70 : memref<10112x128xf32, #tpu.memory_space<vmem_shared>>)
    %dma_wait3A_71 = arith.constant 0 : i32
    %dma_wait3A_72 = arith.constant 0 : i32
    %dma_wait3A_73 = tpu.memref_slice %arg16[%dma_wait3A_71, %dma_wait3A_72] : memref<10112x128xf32, #tpu.memory_space<vmem_shared>> -> memref<10112x128xf32, #tpu.memory_space<vmem_shared>>
    tpu.wait_indirect_dma semaphore(%arg25 : memref<!tpu.dma_semaphore, #tpu.memory_space<semaphore_mem>>) src(%arg15 : memref<128x128xf32, #tpu.memory_space<vmem>>) dst(%dma_wait3A_73 : memref<10112x128xf32, #tpu.memory_space<vmem_shared>>)
    %barrier3A_74 = arith.constant 0 : index
    tpu.barrier barrier_id(%barrier3A_74)
    "tpu.region"() ({
      %run_scoped3A = tpu.sem_alloc : memref<!tpu.dma_semaphore, #tpu.memory_space<semaphore_mem>>
      %dma_start3A_75 = arith.constant 0 : i32
      %dma_start3A_76 = tpu.memref_slice %arg6[%arg0, %mul3A_2, %dma_start3A_75] : memref<2x10112x128xf32, #tpu.memory_space<hbm>> -> memref<1x632x128xf32, #tpu.memory_space<hbm>>
      %dma_start3A_77 = tpu.memref_squeeze %dma_start3A_76 : memref<1x632x128xf32, #tpu.memory_space<hbm>> -> memref<632x128xf32, #tpu.memory_space<hbm>>
      %dma_start3A_78 = arith.constant 0 : i32
      %dma_start3A_79 = tpu.memref_slice %arg16[%mul3A_2, %dma_start3A_78] : memref<10112x128xf32, #tpu.memory_space<vmem_shared>> -> memref<632x128xf32, #tpu.memory_space<vmem_shared>>
      tpu.enqueue_dma source(%dma_start3A_79 : memref<632x128xf32, #tpu.memory_space<vmem_shared>>) target(%dma_start3A_77 : memref<632x128xf32, #tpu.memory_space<hbm>>) target_semaphore(%run_scoped3A : memref<!tpu.dma_semaphore, #tpu.memory_space<semaphore_mem>>)
      %dma_wait3A_80 = arith.constant 0 : i32
      %dma_wait3A_81 = tpu.memref_slice %arg6[%arg0, %mul3A_2, %dma_wait3A_80] : memref<2x10112x128xf32, #tpu.memory_space<hbm>> -> memref<1x632x128xf32, #tpu.memory_space<hbm>>
      %dma_wait3A_82 = tpu.memref_squeeze %dma_wait3A_81 : memref<1x632x128xf32, #tpu.memory_space<hbm>> -> memref<632x128xf32, #tpu.memory_space<hbm>>
      %dma_wait3A_83 = arith.constant 0 : i32
      %dma_wait3A_84 = tpu.memref_slice %arg16[%mul3A_2, %dma_wait3A_83] : memref<10112x128xf32, #tpu.memory_space<vmem_shared>> -> memref<632x128xf32, #tpu.memory_space<vmem_shared>>
      tpu.wait_dma2 semaphore(%run_scoped3A : memref<!tpu.dma_semaphore, #tpu.memory_space<semaphore_mem>>) src(%dma_wait3A_84 : memref<632x128xf32, #tpu.memory_space<vmem_shared>>) dst(%dma_wait3A_82 : memref<632x128xf32, #tpu.memory_space<hbm>>)
      tpu.yield
    }) : () -> ()
    return
  }
}

#map = affine_map<(d0, d1) -> (0)>
#map1 = affine_map<(d0, d1) -> (0, 0)>
#map2 = affine_map<(d0, d1) -> (0, 0, 0)>
module attributes {stable_mosaic.version = 14 : i64} {
  func.func @deg_kernel(%arg0: i32, %arg1: i32, %arg2: memref<320000xi32, #tpu.memory_space<hbm>>, %arg3: memref<10112x128xf32, #tpu.memory_space<hbm>>, %arg4: memref<128x128xf32, #tpu.memory_space<hbm>>, %arg5: memref<2x10112x128xf32, #tpu.memory_space<hbm>>, %arg6: memref<128xi32, #tpu.memory_space<vmem>>, %arg7: memref<128xi32, #tpu.memory_space<vmem>>, %arg8: memref<128xi32, #tpu.memory_space<vmem>>, %arg9: memref<128x128xf32, #tpu.memory_space<vmem>>, %arg10: memref<10112x128xf32, #tpu.memory_space<vmem_shared>>, %arg11: memref<!tpu.dma_semaphore, #tpu.memory_space<semaphore_mem>>, %arg12: memref<!tpu.dma_semaphore, #tpu.memory_space<semaphore_mem>>, %arg13: memref<!tpu.dma_semaphore, #tpu.memory_space<semaphore_mem>>, %arg14: memref<!tpu.dma_semaphore, #tpu.memory_space<semaphore_mem>>, %arg15: memref<!tpu.dma_semaphore, #tpu.memory_space<semaphore_mem>>, %arg16: memref<!tpu.dma_semaphore, #tpu.memory_space<semaphore_mem>>) attributes {dimension_semantics = [#tpu.dimension_semantics<core_parallel>, #tpu.dimension_semantics<subcore_parallel>], iteration_bounds = array<i64: 2, 16>, scalar_prefetch = 0 : i64, scratch_operands = 11 : i64, tpu.core_type = #tpu.core_type<sc_vector_subcore>, window_params = [{transform_indices = #map}, {transform_indices = #map1}, {transform_indices = #map1}, {transform_indices = #map2}]} {
    %mul3A = arith.constant 2 : i32
    %mul3A_0 = arith.muli %arg1, %mul3A : i32
    %add3A = arith.addi %mul3A_0, %arg0 : i32
    %mul3A_1 = arith.constant 632 : i32
    %mul3A_2 = arith.muli %arg1, %mul3A_1 : i32
    %add3A_3 = arith.constant 0 : i32
    %add3A_4 = arith.addi %add3A, %add3A_3 : i32
    %mul3A_5 = arith.constant 128 : i32
    %mul3A_6 = arith.muli %add3A_4, %mul3A_5 : i32
    %multiple_of3A = tpu.assume_multiple %mul3A_6, 8 : i32
    %dma_start3A = tpu.memref_slice %arg2[%multiple_of3A] : memref<320000xi32, #tpu.memory_space<hbm>> -> memref<128xi32, #tpu.memory_space<hbm>>
    %dma_start3A_7 = tpu.memref_slice %arg2[%multiple_of3A] : memref<320000xi32, #tpu.memory_space<hbm>> -> memref<128xi32, #tpu.memory_space<hbm>>
    tpu.enqueue_dma source(%dma_start3A_7 : memref<128xi32, #tpu.memory_space<hbm>>) target(%arg6 : memref<128xi32, #tpu.memory_space<vmem>>) target_semaphore(%arg11 : memref<!tpu.dma_semaphore, #tpu.memory_space<semaphore_mem>>)
    %add3A_8 = arith.constant 32 : i32
    %add3A_9 = arith.addi %add3A, %add3A_8 : i32
    %mul3A_10 = arith.constant 128 : i32
    %mul3A_11 = arith.muli %add3A_9, %mul3A_10 : i32
    %multiple_of3A_12 = tpu.assume_multiple %mul3A_11, 8 : i32
    %dma_start3A_13 = tpu.memref_slice %arg2[%multiple_of3A_12] : memref<320000xi32, #tpu.memory_space<hbm>> -> memref<128xi32, #tpu.memory_space<hbm>>
    %dma_start3A_14 = tpu.memref_slice %arg2[%multiple_of3A_12] : memref<320000xi32, #tpu.memory_space<hbm>> -> memref<128xi32, #tpu.memory_space<hbm>>
    tpu.enqueue_dma source(%dma_start3A_14 : memref<128xi32, #tpu.memory_space<hbm>>) target(%arg7 : memref<128xi32, #tpu.memory_space<vmem>>) target_semaphore(%arg12 : memref<!tpu.dma_semaphore, #tpu.memory_space<semaphore_mem>>)
    %add3A_15 = arith.constant 64 : i32
    %add3A_16 = arith.addi %add3A, %add3A_15 : i32
    %mul3A_17 = arith.constant 128 : i32
    %mul3A_18 = arith.muli %add3A_16, %mul3A_17 : i32
    %multiple_of3A_19 = tpu.assume_multiple %mul3A_18, 8 : i32
    %dma_start3A_20 = tpu.memref_slice %arg2[%multiple_of3A_19] : memref<320000xi32, #tpu.memory_space<hbm>> -> memref<128xi32, #tpu.memory_space<hbm>>
    %dma_start3A_21 = tpu.memref_slice %arg2[%multiple_of3A_19] : memref<320000xi32, #tpu.memory_space<hbm>> -> memref<128xi32, #tpu.memory_space<hbm>>
    tpu.enqueue_dma source(%dma_start3A_21 : memref<128xi32, #tpu.memory_space<hbm>>) target(%arg8 : memref<128xi32, #tpu.memory_space<vmem>>) target_semaphore(%arg13 : memref<!tpu.dma_semaphore, #tpu.memory_space<semaphore_mem>>)
    "tpu.region"() ({
      %run_scoped3A = tpu.sem_alloc : memref<!tpu.dma_semaphore, #tpu.memory_space<semaphore_mem>>
      tpu.enqueue_dma source(%arg4 : memref<128x128xf32, #tpu.memory_space<hbm>>) target(%arg9 : memref<128x128xf32, #tpu.memory_space<vmem>>) target_semaphore(%run_scoped3A : memref<!tpu.dma_semaphore, #tpu.memory_space<semaphore_mem>>)
      tpu.wait_dma2 semaphore(%run_scoped3A : memref<!tpu.dma_semaphore, #tpu.memory_space<semaphore_mem>>) src(%arg4 : memref<128x128xf32, #tpu.memory_space<hbm>>) dst(%arg9 : memref<128x128xf32, #tpu.memory_space<vmem>>)
      tpu.yield
    }) : () -> ()
    "tpu.region"() ({
      %run_scoped3A = tpu.sem_alloc : memref<!tpu.dma_semaphore, #tpu.memory_space<semaphore_mem>>
      %dma_start3A_36 = arith.constant 0 : i32
      %dma_start3A_37 = tpu.memref_slice %arg10[%mul3A_2, %dma_start3A_36] : memref<10112x128xf32, #tpu.memory_space<vmem_shared>> -> memref<632x128xf32, #tpu.memory_space<vmem_shared>>
      %dma_start3A_38 = arith.constant 0 : i32
      %dma_start3A_39 = tpu.memref_slice %arg3[%mul3A_2, %dma_start3A_38] : memref<10112x128xf32, #tpu.memory_space<hbm>> -> memref<632x128xf32, #tpu.memory_space<hbm>>
      tpu.enqueue_dma source(%dma_start3A_39 : memref<632x128xf32, #tpu.memory_space<hbm>>) target(%dma_start3A_37 : memref<632x128xf32, #tpu.memory_space<vmem_shared>>) target_semaphore(%run_scoped3A : memref<!tpu.dma_semaphore, #tpu.memory_space<semaphore_mem>>)
      %dma_wait3A_40 = arith.constant 0 : i32
      %dma_wait3A_41 = tpu.memref_slice %arg10[%mul3A_2, %dma_wait3A_40] : memref<10112x128xf32, #tpu.memory_space<vmem_shared>> -> memref<632x128xf32, #tpu.memory_space<vmem_shared>>
      %dma_wait3A_42 = arith.constant 0 : i32
      %dma_wait3A_43 = tpu.memref_slice %arg3[%mul3A_2, %dma_wait3A_42] : memref<10112x128xf32, #tpu.memory_space<hbm>> -> memref<632x128xf32, #tpu.memory_space<hbm>>
      tpu.wait_dma2 semaphore(%run_scoped3A : memref<!tpu.dma_semaphore, #tpu.memory_space<semaphore_mem>>) src(%dma_wait3A_43 : memref<632x128xf32, #tpu.memory_space<hbm>>) dst(%dma_wait3A_41 : memref<632x128xf32, #tpu.memory_space<vmem_shared>>)
      tpu.yield
    }) : () -> ()
    %barrier3A = arith.constant 0 : index
    tpu.barrier barrier_id(%barrier3A)
    %scan3A = arith.constant 0 : i32
    %scan3A_22 = arith.constant 0 : i32
    %scan3A_23 = arith.constant 27 : i32
    %scan3A_24 = arith.addi %scan3A_22, %scan3A_23 : i32
    %scan3A_25 = arith.constant 1 : i32
    scf.for %scan3A_36 = %scan3A_22 to %scan3A_24 step %scan3A_25  : i32 {
      %mul3A_37 = arith.constant 3 : i32
      %mul3A_38 = arith.muli %mul3A_37, %scan3A_36 : i32
      %add3A_39 = arith.constant 0 : i32
      %add3A_40 = arith.addi %mul3A_38, %add3A_39 : i32
      %mul3A_41 = arith.constant 32 : i32
      %mul3A_42 = arith.muli %mul3A_41, %add3A_40 : i32
      %add3A_43 = arith.addi %add3A, %mul3A_42 : i32
      %lt3A = arith.constant 2500 : i32
      %lt3A_44 = arith.cmpi slt, %add3A_43, %lt3A : i32
      %convert_element_type3A = arith.extui %lt3A_44 : i1 to i32
      %cond3A = arith.constant 0 : i32
      %cond3A_45 = arith.cmpi ne, %convert_element_type3A, %cond3A : i32
      scf.if %cond3A_45 {
        %dma_wait3A_100 = arith.constant 0 : i32
        %dma_wait3A_101 = tpu.memref_slice %arg2[%dma_wait3A_100] : memref<320000xi32, #tpu.memory_space<hbm>> -> memref<128xi32, #tpu.memory_space<hbm>>
        %dma_wait3A_102 = arith.constant 0 : i32
        %dma_wait3A_103 = tpu.memref_slice %arg2[%dma_wait3A_102] : memref<320000xi32, #tpu.memory_space<hbm>> -> memref<128xi32, #tpu.memory_space<hbm>>
        tpu.wait_dma2 semaphore(%arg11 : memref<!tpu.dma_semaphore, #tpu.memory_space<semaphore_mem>>) src(%dma_wait3A_103 : memref<128xi32, #tpu.memory_space<hbm>>) dst(%arg6 : memref<128xi32, #tpu.memory_space<vmem>>)
        %dma_start3A_104 = arith.constant 0 : i32
        %dma_start3A_105 = arith.constant 0 : i32
        %dma_start3A_106 = tpu.memref_slice %arg10[%dma_start3A_104, %dma_start3A_105] : memref<10112x128xf32, #tpu.memory_space<vmem_shared>> -> memref<10112x128xf32, #tpu.memory_space<vmem_shared>>
        tpu.enqueue_indirect_dma source(%arg9 : memref<128x128xf32, #tpu.memory_space<vmem>>) target(%dma_start3A_106 : memref<10112x128xf32, #tpu.memory_space<vmem_shared>>) offsets(%arg6 : memref<128xi32, #tpu.memory_space<vmem>>) semaphore(%arg14 : memref<!tpu.dma_semaphore, #tpu.memory_space<semaphore_mem>>) {add = true}
      } else {
      }
      %add3A_46 = arith.constant 3 : i32
      %add3A_47 = arith.addi %add3A_40, %add3A_46 : i32
      %mul3A_48 = arith.constant 32 : i32
      %mul3A_49 = arith.muli %mul3A_48, %add3A_47 : i32
      %add3A_50 = arith.addi %add3A, %mul3A_49 : i32
      %lt3A_51 = arith.constant 2500 : i32
      %lt3A_52 = arith.cmpi slt, %add3A_50, %lt3A_51 : i32
      %convert_element_type3A_53 = arith.extui %lt3A_52 : i1 to i32
      %cond3A_54 = arith.constant 0 : i32
      %cond3A_55 = arith.cmpi ne, %convert_element_type3A_53, %cond3A_54 : i32
      scf.if %cond3A_55 {
        %dma_wait3A_100 = arith.constant 0 : i32
        %dma_wait3A_101 = arith.constant 0 : i32
        %dma_wait3A_102 = tpu.memref_slice %arg10[%dma_wait3A_100, %dma_wait3A_101] : memref<10112x128xf32, #tpu.memory_space<vmem_shared>> -> memref<10112x128xf32, #tpu.memory_space<vmem_shared>>
        tpu.wait_indirect_dma semaphore(%arg14 : memref<!tpu.dma_semaphore, #tpu.memory_space<semaphore_mem>>) src(%arg9 : memref<128x128xf32, #tpu.memory_space<vmem>>) dst(%dma_wait3A_102 : memref<10112x128xf32, #tpu.memory_space<vmem_shared>>)
        %add3A_103 = arith.constant 3 : i32
        %add3A_104 = arith.addi %add3A_40, %add3A_103 : i32
        %mul3A_105 = arith.constant 32 : i32
        %mul3A_106 = arith.muli %mul3A_105, %add3A_104 : i32
        %add3A_107 = arith.addi %add3A, %mul3A_106 : i32
        %mul3A_108 = arith.constant 128 : i32
        %mul3A_109 = arith.muli %add3A_107, %mul3A_108 : i32
        %multiple_of3A_110 = tpu.assume_multiple %mul3A_109, 8 : i32
        %dma_start3A_111 = tpu.memref_slice %arg2[%multiple_of3A_110] : memref<320000xi32, #tpu.memory_space<hbm>> -> memref<128xi32, #tpu.memory_space<hbm>>
        %dma_start3A_112 = tpu.memref_slice %arg2[%multiple_of3A_110] : memref<320000xi32, #tpu.memory_space<hbm>> -> memref<128xi32, #tpu.memory_space<hbm>>
        tpu.enqueue_dma source(%dma_start3A_112 : memref<128xi32, #tpu.memory_space<hbm>>) target(%arg6 : memref<128xi32, #tpu.memory_space<vmem>>) target_semaphore(%arg11 : memref<!tpu.dma_semaphore, #tpu.memory_space<semaphore_mem>>)
      } else {
      }
      %mul3A_56 = arith.constant 3 : i32
      %mul3A_57 = arith.muli %mul3A_56, %scan3A_36 : i32
      %add3A_58 = arith.constant 1 : i32
      %add3A_59 = arith.addi %mul3A_57, %add3A_58 : i32
      %mul3A_60 = arith.constant 32 : i32
      %mul3A_61 = arith.muli %mul3A_60, %add3A_59 : i32
      %add3A_62 = arith.addi %add3A, %mul3A_61 : i32
      %lt3A_63 = arith.constant 2500 : i32
      %lt3A_64 = arith.cmpi slt, %add3A_62, %lt3A_63 : i32
      %convert_element_type3A_65 = arith.extui %lt3A_64 : i1 to i32
      %cond3A_66 = arith.constant 0 : i32
      %cond3A_67 = arith.cmpi ne, %convert_element_type3A_65, %cond3A_66 : i32
      scf.if %cond3A_67 {
        %dma_wait3A_100 = arith.constant 0 : i32
        %dma_wait3A_101 = tpu.memref_slice %arg2[%dma_wait3A_100] : memref<320000xi32, #tpu.memory_space<hbm>> -> memref<128xi32, #tpu.memory_space<hbm>>
        %dma_wait3A_102 = arith.constant 0 : i32
        %dma_wait3A_103 = tpu.memref_slice %arg2[%dma_wait3A_102] : memref<320000xi32, #tpu.memory_space<hbm>> -> memref<128xi32, #tpu.memory_space<hbm>>
        tpu.wait_dma2 semaphore(%arg12 : memref<!tpu.dma_semaphore, #tpu.memory_space<semaphore_mem>>) src(%dma_wait3A_103 : memref<128xi32, #tpu.memory_space<hbm>>) dst(%arg7 : memref<128xi32, #tpu.memory_space<vmem>>)
        %dma_start3A_104 = arith.constant 0 : i32
        %dma_start3A_105 = arith.constant 0 : i32
        %dma_start3A_106 = tpu.memref_slice %arg10[%dma_start3A_104, %dma_start3A_105] : memref<10112x128xf32, #tpu.memory_space<vmem_shared>> -> memref<10112x128xf32, #tpu.memory_space<vmem_shared>>
        tpu.enqueue_indirect_dma source(%arg9 : memref<128x128xf32, #tpu.memory_space<vmem>>) target(%dma_start3A_106 : memref<10112x128xf32, #tpu.memory_space<vmem_shared>>) offsets(%arg7 : memref<128xi32, #tpu.memory_space<vmem>>) semaphore(%arg15 : memref<!tpu.dma_semaphore, #tpu.memory_space<semaphore_mem>>) {add = true}
      } else {
      }
      %add3A_68 = arith.constant 3 : i32
      %add3A_69 = arith.addi %add3A_59, %add3A_68 : i32
      %mul3A_70 = arith.constant 32 : i32
      %mul3A_71 = arith.muli %mul3A_70, %add3A_69 : i32
      %add3A_72 = arith.addi %add3A, %mul3A_71 : i32
      %lt3A_73 = arith.constant 2500 : i32
      %lt3A_74 = arith.cmpi slt, %add3A_72, %lt3A_73 : i32
      %convert_element_type3A_75 = arith.extui %lt3A_74 : i1 to i32
      %cond3A_76 = arith.constant 0 : i32
      %cond3A_77 = arith.cmpi ne, %convert_element_type3A_75, %cond3A_76 : i32
      scf.if %cond3A_77 {
        %dma_wait3A_100 = arith.constant 0 : i32
        %dma_wait3A_101 = arith.constant 0 : i32
        %dma_wait3A_102 = tpu.memref_slice %arg10[%dma_wait3A_100, %dma_wait3A_101] : memref<10112x128xf32, #tpu.memory_space<vmem_shared>> -> memref<10112x128xf32, #tpu.memory_space<vmem_shared>>
        tpu.wait_indirect_dma semaphore(%arg15 : memref<!tpu.dma_semaphore, #tpu.memory_space<semaphore_mem>>) src(%arg9 : memref<128x128xf32, #tpu.memory_space<vmem>>) dst(%dma_wait3A_102 : memref<10112x128xf32, #tpu.memory_space<vmem_shared>>)
        %add3A_103 = arith.constant 3 : i32
        %add3A_104 = arith.addi %add3A_59, %add3A_103 : i32
        %mul3A_105 = arith.constant 32 : i32
        %mul3A_106 = arith.muli %mul3A_105, %add3A_104 : i32
        %add3A_107 = arith.addi %add3A, %mul3A_106 : i32
        %mul3A_108 = arith.constant 128 : i32
        %mul3A_109 = arith.muli %add3A_107, %mul3A_108 : i32
        %multiple_of3A_110 = tpu.assume_multiple %mul3A_109, 8 : i32
        %dma_start3A_111 = tpu.memref_slice %arg2[%multiple_of3A_110] : memref<320000xi32, #tpu.memory_space<hbm>> -> memref<128xi32, #tpu.memory_space<hbm>>
        %dma_start3A_112 = tpu.memref_slice %arg2[%multiple_of3A_110] : memref<320000xi32, #tpu.memory_space<hbm>> -> memref<128xi32, #tpu.memory_space<hbm>>
        tpu.enqueue_dma source(%dma_start3A_112 : memref<128xi32, #tpu.memory_space<hbm>>) target(%arg7 : memref<128xi32, #tpu.memory_space<vmem>>) target_semaphore(%arg12 : memref<!tpu.dma_semaphore, #tpu.memory_space<semaphore_mem>>)
      } else {
      }
      %mul3A_78 = arith.constant 3 : i32
      %mul3A_79 = arith.muli %mul3A_78, %scan3A_36 : i32
      %add3A_80 = arith.constant 2 : i32
      %add3A_81 = arith.addi %mul3A_79, %add3A_80 : i32
      %mul3A_82 = arith.constant 32 : i32
      %mul3A_83 = arith.muli %mul3A_82, %add3A_81 : i32
      %add3A_84 = arith.addi %add3A, %mul3A_83 : i32
      %lt3A_85 = arith.constant 2500 : i32
      %lt3A_86 = arith.cmpi slt, %add3A_84, %lt3A_85 : i32
      %convert_element_type3A_87 = arith.extui %lt3A_86 : i1 to i32
      %cond3A_88 = arith.constant 0 : i32
      %cond3A_89 = arith.cmpi ne, %convert_element_type3A_87, %cond3A_88 : i32
      scf.if %cond3A_89 {
        %dma_wait3A_100 = arith.constant 0 : i32
        %dma_wait3A_101 = tpu.memref_slice %arg2[%dma_wait3A_100] : memref<320000xi32, #tpu.memory_space<hbm>> -> memref<128xi32, #tpu.memory_space<hbm>>
        %dma_wait3A_102 = arith.constant 0 : i32
        %dma_wait3A_103 = tpu.memref_slice %arg2[%dma_wait3A_102] : memref<320000xi32, #tpu.memory_space<hbm>> -> memref<128xi32, #tpu.memory_space<hbm>>
        tpu.wait_dma2 semaphore(%arg13 : memref<!tpu.dma_semaphore, #tpu.memory_space<semaphore_mem>>) src(%dma_wait3A_103 : memref<128xi32, #tpu.memory_space<hbm>>) dst(%arg8 : memref<128xi32, #tpu.memory_space<vmem>>)
        %dma_start3A_104 = arith.constant 0 : i32
        %dma_start3A_105 = arith.constant 0 : i32
        %dma_start3A_106 = tpu.memref_slice %arg10[%dma_start3A_104, %dma_start3A_105] : memref<10112x128xf32, #tpu.memory_space<vmem_shared>> -> memref<10112x128xf32, #tpu.memory_space<vmem_shared>>
        tpu.enqueue_indirect_dma source(%arg9 : memref<128x128xf32, #tpu.memory_space<vmem>>) target(%dma_start3A_106 : memref<10112x128xf32, #tpu.memory_space<vmem_shared>>) offsets(%arg8 : memref<128xi32, #tpu.memory_space<vmem>>) semaphore(%arg16 : memref<!tpu.dma_semaphore, #tpu.memory_space<semaphore_mem>>) {add = true}
      } else {
      }
      %add3A_90 = arith.constant 3 : i32
      %add3A_91 = arith.addi %add3A_81, %add3A_90 : i32
      %mul3A_92 = arith.constant 32 : i32
      %mul3A_93 = arith.muli %mul3A_92, %add3A_91 : i32
      %add3A_94 = arith.addi %add3A, %mul3A_93 : i32
      %lt3A_95 = arith.constant 2500 : i32
      %lt3A_96 = arith.cmpi slt, %add3A_94, %lt3A_95 : i32
      %convert_element_type3A_97 = arith.extui %lt3A_96 : i1 to i32
      %cond3A_98 = arith.constant 0 : i32
      %cond3A_99 = arith.cmpi ne, %convert_element_type3A_97, %cond3A_98 : i32
      scf.if %cond3A_99 {
        %dma_wait3A_100 = arith.constant 0 : i32
        %dma_wait3A_101 = arith.constant 0 : i32
        %dma_wait3A_102 = tpu.memref_slice %arg10[%dma_wait3A_100, %dma_wait3A_101] : memref<10112x128xf32, #tpu.memory_space<vmem_shared>> -> memref<10112x128xf32, #tpu.memory_space<vmem_shared>>
        tpu.wait_indirect_dma semaphore(%arg16 : memref<!tpu.dma_semaphore, #tpu.memory_space<semaphore_mem>>) src(%arg9 : memref<128x128xf32, #tpu.memory_space<vmem>>) dst(%dma_wait3A_102 : memref<10112x128xf32, #tpu.memory_space<vmem_shared>>)
        %add3A_103 = arith.constant 3 : i32
        %add3A_104 = arith.addi %add3A_81, %add3A_103 : i32
        %mul3A_105 = arith.constant 32 : i32
        %mul3A_106 = arith.muli %mul3A_105, %add3A_104 : i32
        %add3A_107 = arith.addi %add3A, %mul3A_106 : i32
        %mul3A_108 = arith.constant 128 : i32
        %mul3A_109 = arith.muli %add3A_107, %mul3A_108 : i32
        %multiple_of3A_110 = tpu.assume_multiple %mul3A_109, 8 : i32
        %dma_start3A_111 = tpu.memref_slice %arg2[%multiple_of3A_110] : memref<320000xi32, #tpu.memory_space<hbm>> -> memref<128xi32, #tpu.memory_space<hbm>>
        %dma_start3A_112 = tpu.memref_slice %arg2[%multiple_of3A_110] : memref<320000xi32, #tpu.memory_space<hbm>> -> memref<128xi32, #tpu.memory_space<hbm>>
        tpu.enqueue_dma source(%dma_start3A_112 : memref<128xi32, #tpu.memory_space<hbm>>) target(%arg8 : memref<128xi32, #tpu.memory_space<vmem>>) target_semaphore(%arg13 : memref<!tpu.dma_semaphore, #tpu.memory_space<semaphore_mem>>)
      } else {
      }
    }
    %scan3A_26 = arith.constant 27 : i32
    %dma_wait3A = arith.constant 0 : i32
    %dma_wait3A_27 = arith.constant 0 : i32
    %dma_wait3A_28 = tpu.memref_slice %arg10[%dma_wait3A, %dma_wait3A_27] : memref<10112x128xf32, #tpu.memory_space<vmem_shared>> -> memref<10112x128xf32, #tpu.memory_space<vmem_shared>>
    tpu.wait_indirect_dma semaphore(%arg14 : memref<!tpu.dma_semaphore, #tpu.memory_space<semaphore_mem>>) src(%arg9 : memref<128x128xf32, #tpu.memory_space<vmem>>) dst(%dma_wait3A_28 : memref<10112x128xf32, #tpu.memory_space<vmem_shared>>)
    %dma_wait3A_29 = arith.constant 0 : i32
    %dma_wait3A_30 = arith.constant 0 : i32
    %dma_wait3A_31 = tpu.memref_slice %arg10[%dma_wait3A_29, %dma_wait3A_30] : memref<10112x128xf32, #tpu.memory_space<vmem_shared>> -> memref<10112x128xf32, #tpu.memory_space<vmem_shared>>
    tpu.wait_indirect_dma semaphore(%arg15 : memref<!tpu.dma_semaphore, #tpu.memory_space<semaphore_mem>>) src(%arg9 : memref<128x128xf32, #tpu.memory_space<vmem>>) dst(%dma_wait3A_31 : memref<10112x128xf32, #tpu.memory_space<vmem_shared>>)
    %dma_wait3A_32 = arith.constant 0 : i32
    %dma_wait3A_33 = arith.constant 0 : i32
    %dma_wait3A_34 = tpu.memref_slice %arg10[%dma_wait3A_32, %dma_wait3A_33] : memref<10112x128xf32, #tpu.memory_space<vmem_shared>> -> memref<10112x128xf32, #tpu.memory_space<vmem_shared>>
    tpu.wait_indirect_dma semaphore(%arg16 : memref<!tpu.dma_semaphore, #tpu.memory_space<semaphore_mem>>) src(%arg9 : memref<128x128xf32, #tpu.memory_space<vmem>>) dst(%dma_wait3A_34 : memref<10112x128xf32, #tpu.memory_space<vmem_shared>>)
    %barrier3A_35 = arith.constant 0 : index
    tpu.barrier barrier_id(%barrier3A_35)
    "tpu.region"() ({
      %run_scoped3A = tpu.sem_alloc : memref<!tpu.dma_semaphore, #tpu.memory_space<semaphore_mem>>
      %dma_start3A_36 = arith.constant 0 : i32
      %dma_start3A_37 = tpu.memref_slice %arg5[%arg0, %mul3A_2, %dma_start3A_36] : memref<2x10112x128xf32, #tpu.memory_space<hbm>> -> memref<1x632x128xf32, #tpu.memory_space<hbm>>
      %dma_start3A_38 = tpu.memref_squeeze %dma_start3A_37 : memref<1x632x128xf32, #tpu.memory_space<hbm>> -> memref<632x128xf32, #tpu.memory_space<hbm>>
      %dma_start3A_39 = arith.constant 0 : i32
      %dma_start3A_40 = tpu.memref_slice %arg10[%mul3A_2, %dma_start3A_39] : memref<10112x128xf32, #tpu.memory_space<vmem_shared>> -> memref<632x128xf32, #tpu.memory_space<vmem_shared>>
      tpu.enqueue_dma source(%dma_start3A_40 : memref<632x128xf32, #tpu.memory_space<vmem_shared>>) target(%dma_start3A_38 : memref<632x128xf32, #tpu.memory_space<hbm>>) target_semaphore(%run_scoped3A : memref<!tpu.dma_semaphore, #tpu.memory_space<semaphore_mem>>)
      %dma_wait3A_41 = arith.constant 0 : i32
      %dma_wait3A_42 = tpu.memref_slice %arg5[%arg0, %mul3A_2, %dma_wait3A_41] : memref<2x10112x128xf32, #tpu.memory_space<hbm>> -> memref<1x632x128xf32, #tpu.memory_space<hbm>>
      %dma_wait3A_43 = tpu.memref_squeeze %dma_wait3A_42 : memref<1x632x128xf32, #tpu.memory_space<hbm>> -> memref<632x128xf32, #tpu.memory_space<hbm>>
      %dma_wait3A_44 = arith.constant 0 : i32
      %dma_wait3A_45 = tpu.memref_slice %arg10[%mul3A_2, %dma_wait3A_44] : memref<10112x128xf32, #tpu.memory_space<vmem_shared>> -> memref<632x128xf32, #tpu.memory_space<vmem_shared>>
      tpu.wait_dma2 semaphore(%run_scoped3A : memref<!tpu.dma_semaphore, #tpu.memory_space<semaphore_mem>>) src(%dma_wait3A_45 : memref<632x128xf32, #tpu.memory_space<vmem_shared>>) dst(%dma_wait3A_43 : memref<632x128xf32, #tpu.memory_space<hbm>>)
      tpu.yield
    }) : () -> ()
    return
  }
}

#map = affine_map<(d0, d1) -> (0)>
#map1 = affine_map<(d0, d1) -> (0, 0)>
#map2 = affine_map<(d0, d1) -> (0, 0, 0)>
module attributes {stable_mosaic.version = 14 : i64} {
  func.func @agg_kernel(%arg0: i32, %arg1: i32, %arg2: memref<320000xi32, #tpu.memory_space<hbm>>, %arg3: memref<320000xi32, #tpu.memory_space<hbm>>, %arg4: memref<10112x128xf32, #tpu.memory_space<hbm>>, %arg5: memref<10112x128xf32, #tpu.memory_space<hbm>>, %arg6: memref<2x10112x128xf32, #tpu.memory_space<hbm>>, %arg7: memref<128xi32, #tpu.memory_space<vmem>>, %arg8: memref<128xi32, #tpu.memory_space<vmem>>, %arg9: memref<128xi32, #tpu.memory_space<vmem>>, %arg10: memref<128xi32, #tpu.memory_space<vmem>>, %arg11: memref<128xi32, #tpu.memory_space<vmem>>, %arg12: memref<128xi32, #tpu.memory_space<vmem>>, %arg13: memref<128x128xf32, #tpu.memory_space<vmem>>, %arg14: memref<128x128xf32, #tpu.memory_space<vmem>>, %arg15: memref<128x128xf32, #tpu.memory_space<vmem>>, %arg16: memref<10112x128xf32, #tpu.memory_space<vmem_shared>>, %arg17: memref<!tpu.dma_semaphore, #tpu.memory_space<semaphore_mem>>, %arg18: memref<!tpu.dma_semaphore, #tpu.memory_space<semaphore_mem>>, %arg19: memref<!tpu.dma_semaphore, #tpu.memory_space<semaphore_mem>>, %arg20: memref<!tpu.dma_semaphore, #tpu.memory_space<semaphore_mem>>, %arg21: memref<!tpu.dma_semaphore, #tpu.memory_space<semaphore_mem>>, %arg22: memref<!tpu.dma_semaphore, #tpu.memory_space<semaphore_mem>>, %arg23: memref<!tpu.dma_semaphore, #tpu.memory_space<semaphore_mem>>, %arg24: memref<!tpu.dma_semaphore, #tpu.memory_space<semaphore_mem>>, %arg25: memref<!tpu.dma_semaphore, #tpu.memory_space<semaphore_mem>>) attributes {dimension_semantics = [#tpu.dimension_semantics<core_parallel>, #tpu.dimension_semantics<subcore_parallel>], iteration_bounds = array<i64: 2, 16>, scalar_prefetch = 0 : i64, scratch_operands = 19 : i64, tpu.core_type = #tpu.core_type<sc_vector_subcore>, window_params = [{transform_indices = #map}, {transform_indices = #map}, {transform_indices = #map1}, {transform_indices = #map1}, {transform_indices = #map2}]} {
    %mul3A = arith.constant 2 : i32
    %mul3A_0 = arith.muli %arg1, %mul3A : i32
    %add3A = arith.addi %mul3A_0, %arg0 : i32
    %mul3A_1 = arith.constant 632 : i32
    %mul3A_2 = arith.muli %arg1, %mul3A_1 : i32
    %add3A_3 = arith.constant 0 : i32
    %add3A_4 = arith.addi %add3A, %add3A_3 : i32
    %mul3A_5 = arith.constant 128 : i32
    %mul3A_6 = arith.muli %add3A_4, %mul3A_5 : i32
    %multiple_of3A = tpu.assume_multiple %mul3A_6, 8 : i32
    %dma_start3A = tpu.memref_slice %arg2[%multiple_of3A] : memref<320000xi32, #tpu.memory_space<hbm>> -> memref<128xi32, #tpu.memory_space<hbm>>
    %dma_start3A_7 = tpu.memref_slice %arg2[%multiple_of3A] : memref<320000xi32, #tpu.memory_space<hbm>> -> memref<128xi32, #tpu.memory_space<hbm>>
    tpu.enqueue_dma source(%dma_start3A_7 : memref<128xi32, #tpu.memory_space<hbm>>) target(%arg7 : memref<128xi32, #tpu.memory_space<vmem>>) target_semaphore(%arg17 : memref<!tpu.dma_semaphore, #tpu.memory_space<semaphore_mem>>)
    %dma_start3A_8 = tpu.memref_slice %arg3[%multiple_of3A] : memref<320000xi32, #tpu.memory_space<hbm>> -> memref<128xi32, #tpu.memory_space<hbm>>
    %dma_start3A_9 = tpu.memref_slice %arg3[%multiple_of3A] : memref<320000xi32, #tpu.memory_space<hbm>> -> memref<128xi32, #tpu.memory_space<hbm>>
    tpu.enqueue_dma source(%dma_start3A_9 : memref<128xi32, #tpu.memory_space<hbm>>) target(%arg10 : memref<128xi32, #tpu.memory_space<vmem>>) target_semaphore(%arg17 : memref<!tpu.dma_semaphore, #tpu.memory_space<semaphore_mem>>)
    %add3A_10 = arith.constant 32 : i32
    %add3A_11 = arith.addi %add3A, %add3A_10 : i32
    %mul3A_12 = arith.constant 128 : i32
    %mul3A_13 = arith.muli %add3A_11, %mul3A_12 : i32
    %multiple_of3A_14 = tpu.assume_multiple %mul3A_13, 8 : i32
    %dma_start3A_15 = tpu.memref_slice %arg2[%multiple_of3A_14] : memref<320000xi32, #tpu.memory_space<hbm>> -> memref<128xi32, #tpu.memory_space<hbm>>
    %dma_start3A_16 = tpu.memref_slice %arg2[%multiple_of3A_14] : memref<320000xi32, #tpu.memory_space<hbm>> -> memref<128xi32, #tpu.memory_space<hbm>>
    tpu.enqueue_dma source(%dma_start3A_16 : memref<128xi32, #tpu.memory_space<hbm>>) target(%arg8 : memref<128xi32, #tpu.memory_space<vmem>>) target_semaphore(%arg18 : memref<!tpu.dma_semaphore, #tpu.memory_space<semaphore_mem>>)
    %dma_start3A_17 = tpu.memref_slice %arg3[%multiple_of3A_14] : memref<320000xi32, #tpu.memory_space<hbm>> -> memref<128xi32, #tpu.memory_space<hbm>>
    %dma_start3A_18 = tpu.memref_slice %arg3[%multiple_of3A_14] : memref<320000xi32, #tpu.memory_space<hbm>> -> memref<128xi32, #tpu.memory_space<hbm>>
    tpu.enqueue_dma source(%dma_start3A_18 : memref<128xi32, #tpu.memory_space<hbm>>) target(%arg11 : memref<128xi32, #tpu.memory_space<vmem>>) target_semaphore(%arg18 : memref<!tpu.dma_semaphore, #tpu.memory_space<semaphore_mem>>)
    %add3A_19 = arith.constant 64 : i32
    %add3A_20 = arith.addi %add3A, %add3A_19 : i32
    %mul3A_21 = arith.constant 128 : i32
    %mul3A_22 = arith.muli %add3A_20, %mul3A_21 : i32
    %multiple_of3A_23 = tpu.assume_multiple %mul3A_22, 8 : i32
    %dma_start3A_24 = tpu.memref_slice %arg2[%multiple_of3A_23] : memref<320000xi32, #tpu.memory_space<hbm>> -> memref<128xi32, #tpu.memory_space<hbm>>
    %dma_start3A_25 = tpu.memref_slice %arg2[%multiple_of3A_23] : memref<320000xi32, #tpu.memory_space<hbm>> -> memref<128xi32, #tpu.memory_space<hbm>>
    tpu.enqueue_dma source(%dma_start3A_25 : memref<128xi32, #tpu.memory_space<hbm>>) target(%arg9 : memref<128xi32, #tpu.memory_space<vmem>>) target_semaphore(%arg19 : memref<!tpu.dma_semaphore, #tpu.memory_space<semaphore_mem>>)
    %dma_start3A_26 = tpu.memref_slice %arg3[%multiple_of3A_23] : memref<320000xi32, #tpu.memory_space<hbm>> -> memref<128xi32, #tpu.memory_space<hbm>>
    %dma_start3A_27 = tpu.memref_slice %arg3[%multiple_of3A_23] : memref<320000xi32, #tpu.memory_space<hbm>> -> memref<128xi32, #tpu.memory_space<hbm>>
    tpu.enqueue_dma source(%dma_start3A_27 : memref<128xi32, #tpu.memory_space<hbm>>) target(%arg12 : memref<128xi32, #tpu.memory_space<vmem>>) target_semaphore(%arg19 : memref<!tpu.dma_semaphore, #tpu.memory_space<semaphore_mem>>)
    %dma_wait3A = arith.constant 0 : i32
    %dma_wait3A_28 = tpu.memref_slice %arg2[%dma_wait3A] : memref<320000xi32, #tpu.memory_space<hbm>> -> memref<128xi32, #tpu.memory_space<hbm>>
    %dma_wait3A_29 = arith.constant 0 : i32
    %dma_wait3A_30 = tpu.memref_slice %arg2[%dma_wait3A_29] : memref<320000xi32, #tpu.memory_space<hbm>> -> memref<128xi32, #tpu.memory_space<hbm>>
    tpu.wait_dma2 semaphore(%arg17 : memref<!tpu.dma_semaphore, #tpu.memory_space<semaphore_mem>>) src(%dma_wait3A_30 : memref<128xi32, #tpu.memory_space<hbm>>) dst(%arg7 : memref<128xi32, #tpu.memory_space<vmem>>)
    %dma_wait3A_31 = arith.constant 0 : i32
    %dma_wait3A_32 = tpu.memref_slice %arg3[%dma_wait3A_31] : memref<320000xi32, #tpu.memory_space<hbm>> -> memref<128xi32, #tpu.memory_space<hbm>>
    %dma_wait3A_33 = arith.constant 0 : i32
    %dma_wait3A_34 = tpu.memref_slice %arg3[%dma_wait3A_33] : memref<320000xi32, #tpu.memory_space<hbm>> -> memref<128xi32, #tpu.memory_space<hbm>>
    tpu.wait_dma2 semaphore(%arg17 : memref<!tpu.dma_semaphore, #tpu.memory_space<semaphore_mem>>) src(%dma_wait3A_34 : memref<128xi32, #tpu.memory_space<hbm>>) dst(%arg10 : memref<128xi32, #tpu.memory_space<vmem>>)
    %dma_start3A_35 = arith.constant 0 : i32
    %dma_start3A_36 = arith.constant 0 : i32
    %dma_start3A_37 = tpu.memref_slice %arg4[%dma_start3A_35, %dma_start3A_36] : memref<10112x128xf32, #tpu.memory_space<hbm>> -> memref<10112x128xf32, #tpu.memory_space<hbm>>
    tpu.enqueue_indirect_dma source(%dma_start3A_37 : memref<10112x128xf32, #tpu.memory_space<hbm>>) target(%arg13 : memref<128x128xf32, #tpu.memory_space<vmem>>) offsets(%arg7 : memref<128xi32, #tpu.memory_space<vmem>>) semaphore(%arg20 : memref<!tpu.dma_semaphore, #tpu.memory_space<semaphore_mem>>)
    %dma_wait3A_38 = arith.constant 0 : i32
    %dma_wait3A_39 = tpu.memref_slice %arg2[%dma_wait3A_38] : memref<320000xi32, #tpu.memory_space<hbm>> -> memref<128xi32, #tpu.memory_space<hbm>>
    %dma_wait3A_40 = arith.constant 0 : i32
    %dma_wait3A_41 = tpu.memref_slice %arg2[%dma_wait3A_40] : memref<320000xi32, #tpu.memory_space<hbm>> -> memref<128xi32, #tpu.memory_space<hbm>>
    tpu.wait_dma2 semaphore(%arg18 : memref<!tpu.dma_semaphore, #tpu.memory_space<semaphore_mem>>) src(%dma_wait3A_41 : memref<128xi32, #tpu.memory_space<hbm>>) dst(%arg8 : memref<128xi32, #tpu.memory_space<vmem>>)
    %dma_wait3A_42 = arith.constant 0 : i32
    %dma_wait3A_43 = tpu.memref_slice %arg3[%dma_wait3A_42] : memref<320000xi32, #tpu.memory_space<hbm>> -> memref<128xi32, #tpu.memory_space<hbm>>
    %dma_wait3A_44 = arith.constant 0 : i32
    %dma_wait3A_45 = tpu.memref_slice %arg3[%dma_wait3A_44] : memref<320000xi32, #tpu.memory_space<hbm>> -> memref<128xi32, #tpu.memory_space<hbm>>
    tpu.wait_dma2 semaphore(%arg18 : memref<!tpu.dma_semaphore, #tpu.memory_space<semaphore_mem>>) src(%dma_wait3A_45 : memref<128xi32, #tpu.memory_space<hbm>>) dst(%arg11 : memref<128xi32, #tpu.memory_space<vmem>>)
    %dma_start3A_46 = arith.constant 0 : i32
    %dma_start3A_47 = arith.constant 0 : i32
    %dma_start3A_48 = tpu.memref_slice %arg4[%dma_start3A_46, %dma_start3A_47] : memref<10112x128xf32, #tpu.memory_space<hbm>> -> memref<10112x128xf32, #tpu.memory_space<hbm>>
    tpu.enqueue_indirect_dma source(%dma_start3A_48 : memref<10112x128xf32, #tpu.memory_space<hbm>>) target(%arg14 : memref<128x128xf32, #tpu.memory_space<vmem>>) offsets(%arg8 : memref<128xi32, #tpu.memory_space<vmem>>) semaphore(%arg21 : memref<!tpu.dma_semaphore, #tpu.memory_space<semaphore_mem>>)
    %dma_wait3A_49 = arith.constant 0 : i32
    %dma_wait3A_50 = tpu.memref_slice %arg2[%dma_wait3A_49] : memref<320000xi32, #tpu.memory_space<hbm>> -> memref<128xi32, #tpu.memory_space<hbm>>
    %dma_wait3A_51 = arith.constant 0 : i32
    %dma_wait3A_52 = tpu.memref_slice %arg2[%dma_wait3A_51] : memref<320000xi32, #tpu.memory_space<hbm>> -> memref<128xi32, #tpu.memory_space<hbm>>
    tpu.wait_dma2 semaphore(%arg19 : memref<!tpu.dma_semaphore, #tpu.memory_space<semaphore_mem>>) src(%dma_wait3A_52 : memref<128xi32, #tpu.memory_space<hbm>>) dst(%arg9 : memref<128xi32, #tpu.memory_space<vmem>>)
    %dma_wait3A_53 = arith.constant 0 : i32
    %dma_wait3A_54 = tpu.memref_slice %arg3[%dma_wait3A_53] : memref<320000xi32, #tpu.memory_space<hbm>> -> memref<128xi32, #tpu.memory_space<hbm>>
    %dma_wait3A_55 = arith.constant 0 : i32
    %dma_wait3A_56 = tpu.memref_slice %arg3[%dma_wait3A_55] : memref<320000xi32, #tpu.memory_space<hbm>> -> memref<128xi32, #tpu.memory_space<hbm>>
    tpu.wait_dma2 semaphore(%arg19 : memref<!tpu.dma_semaphore, #tpu.memory_space<semaphore_mem>>) src(%dma_wait3A_56 : memref<128xi32, #tpu.memory_space<hbm>>) dst(%arg12 : memref<128xi32, #tpu.memory_space<vmem>>)
    %dma_start3A_57 = arith.constant 0 : i32
    %dma_start3A_58 = arith.constant 0 : i32
    %dma_start3A_59 = tpu.memref_slice %arg4[%dma_start3A_57, %dma_start3A_58] : memref<10112x128xf32, #tpu.memory_space<hbm>> -> memref<10112x128xf32, #tpu.memory_space<hbm>>
    tpu.enqueue_indirect_dma source(%dma_start3A_59 : memref<10112x128xf32, #tpu.memory_space<hbm>>) target(%arg15 : memref<128x128xf32, #tpu.memory_space<vmem>>) offsets(%arg9 : memref<128xi32, #tpu.memory_space<vmem>>) semaphore(%arg22 : memref<!tpu.dma_semaphore, #tpu.memory_space<semaphore_mem>>)
    "tpu.region"() ({
      %run_scoped3A = tpu.sem_alloc : memref<!tpu.dma_semaphore, #tpu.memory_space<semaphore_mem>>
      %dma_start3A_75 = arith.constant 0 : i32
      %dma_start3A_76 = tpu.memref_slice %arg16[%mul3A_2, %dma_start3A_75] : memref<10112x128xf32, #tpu.memory_space<vmem_shared>> -> memref<632x128xf32, #tpu.memory_space<vmem_shared>>
      %dma_start3A_77 = arith.constant 0 : i32
      %dma_start3A_78 = tpu.memref_slice %arg5[%mul3A_2, %dma_start3A_77] : memref<10112x128xf32, #tpu.memory_space<hbm>> -> memref<632x128xf32, #tpu.memory_space<hbm>>
      tpu.enqueue_dma source(%dma_start3A_78 : memref<632x128xf32, #tpu.memory_space<hbm>>) target(%dma_start3A_76 : memref<632x128xf32, #tpu.memory_space<vmem_shared>>) target_semaphore(%run_scoped3A : memref<!tpu.dma_semaphore, #tpu.memory_space<semaphore_mem>>)
      %dma_wait3A_79 = arith.constant 0 : i32
      %dma_wait3A_80 = tpu.memref_slice %arg16[%mul3A_2, %dma_wait3A_79] : memref<10112x128xf32, #tpu.memory_space<vmem_shared>> -> memref<632x128xf32, #tpu.memory_space<vmem_shared>>
      %dma_wait3A_81 = arith.constant 0 : i32
      %dma_wait3A_82 = tpu.memref_slice %arg5[%mul3A_2, %dma_wait3A_81] : memref<10112x128xf32, #tpu.memory_space<hbm>> -> memref<632x128xf32, #tpu.memory_space<hbm>>
      tpu.wait_dma2 semaphore(%run_scoped3A : memref<!tpu.dma_semaphore, #tpu.memory_space<semaphore_mem>>) src(%dma_wait3A_82 : memref<632x128xf32, #tpu.memory_space<hbm>>) dst(%dma_wait3A_80 : memref<632x128xf32, #tpu.memory_space<vmem_shared>>)
      tpu.yield
    }) : () -> ()
    %barrier3A = arith.constant 0 : index
    tpu.barrier barrier_id(%barrier3A)
    %scan3A = arith.constant 0 : i32
    %scan3A_60 = arith.constant 0 : i32
    %scan3A_61 = arith.constant 27 : i32
    %scan3A_62 = arith.addi %scan3A_60, %scan3A_61 : i32
    %scan3A_63 = arith.constant 1 : i32
    scf.for %scan3A_75 = %scan3A_60 to %scan3A_62 step %scan3A_63  : i32 {
      %mul3A_76 = arith.constant 3 : i32
      %mul3A_77 = arith.muli %mul3A_76, %scan3A_75 : i32
      %add3A_78 = arith.constant 0 : i32
      %add3A_79 = arith.addi %mul3A_77, %add3A_78 : i32
      %mul3A_80 = arith.constant 32 : i32
      %mul3A_81 = arith.muli %mul3A_80, %add3A_79 : i32
      %add3A_82 = arith.addi %add3A, %mul3A_81 : i32
      %lt3A = arith.constant 2500 : i32
      %lt3A_83 = arith.cmpi slt, %add3A_82, %lt3A : i32
      %convert_element_type3A = arith.extui %lt3A_83 : i1 to i32
      %cond3A = arith.constant 0 : i32
      %cond3A_84 = arith.cmpi ne, %convert_element_type3A, %cond3A : i32
      scf.if %cond3A_84 {
        %dma_wait3A_139 = arith.constant 0 : i32
        %dma_wait3A_140 = arith.constant 0 : i32
        %dma_wait3A_141 = tpu.memref_slice %arg4[%dma_wait3A_139, %dma_wait3A_140] : memref<10112x128xf32, #tpu.memory_space<hbm>> -> memref<10112x128xf32, #tpu.memory_space<hbm>>
        tpu.wait_indirect_dma semaphore(%arg20 : memref<!tpu.dma_semaphore, #tpu.memory_space<semaphore_mem>>) src(%dma_wait3A_141 : memref<10112x128xf32, #tpu.memory_space<hbm>>) dst(%arg13 : memref<128x128xf32, #tpu.memory_space<vmem>>)
        %dma_start3A_142 = arith.constant 0 : i32
        %dma_start3A_143 = arith.constant 0 : i32
        %dma_start3A_144 = tpu.memref_slice %arg16[%dma_start3A_142, %dma_start3A_143] : memref<10112x128xf32, #tpu.memory_space<vmem_shared>> -> memref<10112x128xf32, #tpu.memory_space<vmem_shared>>
        tpu.enqueue_indirect_dma source(%arg13 : memref<128x128xf32, #tpu.memory_space<vmem>>) target(%dma_start3A_144 : memref<10112x128xf32, #tpu.memory_space<vmem_shared>>) offsets(%arg10 : memref<128xi32, #tpu.memory_space<vmem>>) semaphore(%arg23 : memref<!tpu.dma_semaphore, #tpu.memory_space<semaphore_mem>>) {add = true}
      } else {
      }
      %add3A_85 = arith.constant 3 : i32
      %add3A_86 = arith.addi %add3A_79, %add3A_85 : i32
      %mul3A_87 = arith.constant 32 : i32
      %mul3A_88 = arith.muli %mul3A_87, %add3A_86 : i32
      %add3A_89 = arith.addi %add3A, %mul3A_88 : i32
      %lt3A_90 = arith.constant 2500 : i32
      %lt3A_91 = arith.cmpi slt, %add3A_89, %lt3A_90 : i32
      %convert_element_type3A_92 = arith.extui %lt3A_91 : i1 to i32
      %cond3A_93 = arith.constant 0 : i32
      %cond3A_94 = arith.cmpi ne, %convert_element_type3A_92, %cond3A_93 : i32
      scf.if %cond3A_94 {
        %dma_wait3A_139 = arith.constant 0 : i32
        %dma_wait3A_140 = arith.constant 0 : i32
        %dma_wait3A_141 = tpu.memref_slice %arg16[%dma_wait3A_139, %dma_wait3A_140] : memref<10112x128xf32, #tpu.memory_space<vmem_shared>> -> memref<10112x128xf32, #tpu.memory_space<vmem_shared>>
        tpu.wait_indirect_dma semaphore(%arg23 : memref<!tpu.dma_semaphore, #tpu.memory_space<semaphore_mem>>) src(%arg13 : memref<128x128xf32, #tpu.memory_space<vmem>>) dst(%dma_wait3A_141 : memref<10112x128xf32, #tpu.memory_space<vmem_shared>>)
        %add3A_142 = arith.constant 3 : i32
        %add3A_143 = arith.addi %add3A_79, %add3A_142 : i32
        %mul3A_144 = arith.constant 32 : i32
        %mul3A_145 = arith.muli %mul3A_144, %add3A_143 : i32
        %add3A_146 = arith.addi %add3A, %mul3A_145 : i32
        %mul3A_147 = arith.constant 128 : i32
        %mul3A_148 = arith.muli %add3A_146, %mul3A_147 : i32
        %multiple_of3A_149 = tpu.assume_multiple %mul3A_148, 8 : i32
        %dma_start3A_150 = tpu.memref_slice %arg2[%multiple_of3A_149] : memref<320000xi32, #tpu.memory_space<hbm>> -> memref<128xi32, #tpu.memory_space<hbm>>
        %dma_start3A_151 = tpu.memref_slice %arg2[%multiple_of3A_149] : memref<320000xi32, #tpu.memory_space<hbm>> -> memref<128xi32, #tpu.memory_space<hbm>>
        tpu.enqueue_dma source(%dma_start3A_151 : memref<128xi32, #tpu.memory_space<hbm>>) target(%arg7 : memref<128xi32, #tpu.memory_space<vmem>>) target_semaphore(%arg17 : memref<!tpu.dma_semaphore, #tpu.memory_space<semaphore_mem>>)
        %dma_start3A_152 = tpu.memref_slice %arg3[%multiple_of3A_149] : memref<320000xi32, #tpu.memory_space<hbm>> -> memref<128xi32, #tpu.memory_space<hbm>>
        %dma_start3A_153 = tpu.memref_slice %arg3[%multiple_of3A_149] : memref<320000xi32, #tpu.memory_space<hbm>> -> memref<128xi32, #tpu.memory_space<hbm>>
        tpu.enqueue_dma source(%dma_start3A_153 : memref<128xi32, #tpu.memory_space<hbm>>) target(%arg10 : memref<128xi32, #tpu.memory_space<vmem>>) target_semaphore(%arg17 : memref<!tpu.dma_semaphore, #tpu.memory_space<semaphore_mem>>)
        %dma_wait3A_154 = arith.constant 0 : i32
        %dma_wait3A_155 = tpu.memref_slice %arg2[%dma_wait3A_154] : memref<320000xi32, #tpu.memory_space<hbm>> -> memref<128xi32, #tpu.memory_space<hbm>>
        %dma_wait3A_156 = arith.constant 0 : i32
        %dma_wait3A_157 = tpu.memref_slice %arg2[%dma_wait3A_156] : memref<320000xi32, #tpu.memory_space<hbm>> -> memref<128xi32, #tpu.memory_space<hbm>>
        tpu.wait_dma2 semaphore(%arg17 : memref<!tpu.dma_semaphore, #tpu.memory_space<semaphore_mem>>) src(%dma_wait3A_157 : memref<128xi32, #tpu.memory_space<hbm>>) dst(%arg7 : memref<128xi32, #tpu.memory_space<vmem>>)
        %dma_wait3A_158 = arith.constant 0 : i32
        %dma_wait3A_159 = tpu.memref_slice %arg3[%dma_wait3A_158] : memref<320000xi32, #tpu.memory_space<hbm>> -> memref<128xi32, #tpu.memory_space<hbm>>
        %dma_wait3A_160 = arith.constant 0 : i32
        %dma_wait3A_161 = tpu.memref_slice %arg3[%dma_wait3A_160] : memref<320000xi32, #tpu.memory_space<hbm>> -> memref<128xi32, #tpu.memory_space<hbm>>
        tpu.wait_dma2 semaphore(%arg17 : memref<!tpu.dma_semaphore, #tpu.memory_space<semaphore_mem>>) src(%dma_wait3A_161 : memref<128xi32, #tpu.memory_space<hbm>>) dst(%arg10 : memref<128xi32, #tpu.memory_space<vmem>>)
        %dma_start3A_162 = arith.constant 0 : i32
        %dma_start3A_163 = arith.constant 0 : i32
        %dma_start3A_164 = tpu.memref_slice %arg4[%dma_start3A_162, %dma_start3A_163] : memref<10112x128xf32, #tpu.memory_space<hbm>> -> memref<10112x128xf32, #tpu.memory_space<hbm>>
        tpu.enqueue_indirect_dma source(%dma_start3A_164 : memref<10112x128xf32, #tpu.memory_space<hbm>>) target(%arg13 : memref<128x128xf32, #tpu.memory_space<vmem>>) offsets(%arg7 : memref<128xi32, #tpu.memory_space<vmem>>) semaphore(%arg20 : memref<!tpu.dma_semaphore, #tpu.memory_space<semaphore_mem>>)
      } else {
      }
      %mul3A_95 = arith.constant 3 : i32
      %mul3A_96 = arith.muli %mul3A_95, %scan3A_75 : i32
      %add3A_97 = arith.constant 1 : i32
      %add3A_98 = arith.addi %mul3A_96, %add3A_97 : i32
      %mul3A_99 = arith.constant 32 : i32
      %mul3A_100 = arith.muli %mul3A_99, %add3A_98 : i32
      %add3A_101 = arith.addi %add3A, %mul3A_100 : i32
      %lt3A_102 = arith.constant 2500 : i32
      %lt3A_103 = arith.cmpi slt, %add3A_101, %lt3A_102 : i32
      %convert_element_type3A_104 = arith.extui %lt3A_103 : i1 to i32
      %cond3A_105 = arith.constant 0 : i32
      %cond3A_106 = arith.cmpi ne, %convert_element_type3A_104, %cond3A_105 : i32
      scf.if %cond3A_106 {
        %dma_wait3A_139 = arith.constant 0 : i32
        %dma_wait3A_140 = arith.constant 0 : i32
        %dma_wait3A_141 = tpu.memref_slice %arg4[%dma_wait3A_139, %dma_wait3A_140] : memref<10112x128xf32, #tpu.memory_space<hbm>> -> memref<10112x128xf32, #tpu.memory_space<hbm>>
        tpu.wait_indirect_dma semaphore(%arg21 : memref<!tpu.dma_semaphore, #tpu.memory_space<semaphore_mem>>) src(%dma_wait3A_141 : memref<10112x128xf32, #tpu.memory_space<hbm>>) dst(%arg14 : memref<128x128xf32, #tpu.memory_space<vmem>>)
        %dma_start3A_142 = arith.constant 0 : i32
        %dma_start3A_143 = arith.constant 0 : i32
        %dma_start3A_144 = tpu.memref_slice %arg16[%dma_start3A_142, %dma_start3A_143] : memref<10112x128xf32, #tpu.memory_space<vmem_shared>> -> memref<10112x128xf32, #tpu.memory_space<vmem_shared>>
        tpu.enqueue_indirect_dma source(%arg14 : memref<128x128xf32, #tpu.memory_space<vmem>>) target(%dma_start3A_144 : memref<10112x128xf32, #tpu.memory_space<vmem_shared>>) offsets(%arg11 : memref<128xi32, #tpu.memory_space<vmem>>) semaphore(%arg24 : memref<!tpu.dma_semaphore, #tpu.memory_space<semaphore_mem>>) {add = true}
      } else {
      }
      %add3A_107 = arith.constant 3 : i32
      %add3A_108 = arith.addi %add3A_98, %add3A_107 : i32
      %mul3A_109 = arith.constant 32 : i32
      %mul3A_110 = arith.muli %mul3A_109, %add3A_108 : i32
      %add3A_111 = arith.addi %add3A, %mul3A_110 : i32
      %lt3A_112 = arith.constant 2500 : i32
      %lt3A_113 = arith.cmpi slt, %add3A_111, %lt3A_112 : i32
      %convert_element_type3A_114 = arith.extui %lt3A_113 : i1 to i32
      %cond3A_115 = arith.constant 0 : i32
      %cond3A_116 = arith.cmpi ne, %convert_element_type3A_114, %cond3A_115 : i32
      scf.if %cond3A_116 {
        %dma_wait3A_139 = arith.constant 0 : i32
        %dma_wait3A_140 = arith.constant 0 : i32
        %dma_wait3A_141 = tpu.memref_slice %arg16[%dma_wait3A_139, %dma_wait3A_140] : memref<10112x128xf32, #tpu.memory_space<vmem_shared>> -> memref<10112x128xf32, #tpu.memory_space<vmem_shared>>
        tpu.wait_indirect_dma semaphore(%arg24 : memref<!tpu.dma_semaphore, #tpu.memory_space<semaphore_mem>>) src(%arg14 : memref<128x128xf32, #tpu.memory_space<vmem>>) dst(%dma_wait3A_141 : memref<10112x128xf32, #tpu.memory_space<vmem_shared>>)
        %add3A_142 = arith.constant 3 : i32
        %add3A_143 = arith.addi %add3A_98, %add3A_142 : i32
        %mul3A_144 = arith.constant 32 : i32
        %mul3A_145 = arith.muli %mul3A_144, %add3A_143 : i32
        %add3A_146 = arith.addi %add3A, %mul3A_145 : i32
        %mul3A_147 = arith.constant 128 : i32
        %mul3A_148 = arith.muli %add3A_146, %mul3A_147 : i32
        %multiple_of3A_149 = tpu.assume_multiple %mul3A_148, 8 : i32
        %dma_start3A_150 = tpu.memref_slice %arg2[%multiple_of3A_149] : memref<320000xi32, #tpu.memory_space<hbm>> -> memref<128xi32, #tpu.memory_space<hbm>>
        %dma_start3A_151 = tpu.memref_slice %arg2[%multiple_of3A_149] : memref<320000xi32, #tpu.memory_space<hbm>> -> memref<128xi32, #tpu.memory_space<hbm>>
        tpu.enqueue_dma source(%dma_start3A_151 : memref<128xi32, #tpu.memory_space<hbm>>) target(%arg8 : memref<128xi32, #tpu.memory_space<vmem>>) target_semaphore(%arg18 : memref<!tpu.dma_semaphore, #tpu.memory_space<semaphore_mem>>)
        %dma_start3A_152 = tpu.memref_slice %arg3[%multiple_of3A_149] : memref<320000xi32, #tpu.memory_space<hbm>> -> memref<128xi32, #tpu.memory_space<hbm>>
        %dma_start3A_153 = tpu.memref_slice %arg3[%multiple_of3A_149] : memref<320000xi32, #tpu.memory_space<hbm>> -> memref<128xi32, #tpu.memory_space<hbm>>
        tpu.enqueue_dma source(%dma_start3A_153 : memref<128xi32, #tpu.memory_space<hbm>>) target(%arg11 : memref<128xi32, #tpu.memory_space<vmem>>) target_semaphore(%arg18 : memref<!tpu.dma_semaphore, #tpu.memory_space<semaphore_mem>>)
        %dma_wait3A_154 = arith.constant 0 : i32
        %dma_wait3A_155 = tpu.memref_slice %arg2[%dma_wait3A_154] : memref<320000xi32, #tpu.memory_space<hbm>> -> memref<128xi32, #tpu.memory_space<hbm>>
        %dma_wait3A_156 = arith.constant 0 : i32
        %dma_wait3A_157 = tpu.memref_slice %arg2[%dma_wait3A_156] : memref<320000xi32, #tpu.memory_space<hbm>> -> memref<128xi32, #tpu.memory_space<hbm>>
        tpu.wait_dma2 semaphore(%arg18 : memref<!tpu.dma_semaphore, #tpu.memory_space<semaphore_mem>>) src(%dma_wait3A_157 : memref<128xi32, #tpu.memory_space<hbm>>) dst(%arg8 : memref<128xi32, #tpu.memory_space<vmem>>)
        %dma_wait3A_158 = arith.constant 0 : i32
        %dma_wait3A_159 = tpu.memref_slice %arg3[%dma_wait3A_158] : memref<320000xi32, #tpu.memory_space<hbm>> -> memref<128xi32, #tpu.memory_space<hbm>>
        %dma_wait3A_160 = arith.constant 0 : i32
        %dma_wait3A_161 = tpu.memref_slice %arg3[%dma_wait3A_160] : memref<320000xi32, #tpu.memory_space<hbm>> -> memref<128xi32, #tpu.memory_space<hbm>>
        tpu.wait_dma2 semaphore(%arg18 : memref<!tpu.dma_semaphore, #tpu.memory_space<semaphore_mem>>) src(%dma_wait3A_161 : memref<128xi32, #tpu.memory_space<hbm>>) dst(%arg11 : memref<128xi32, #tpu.memory_space<vmem>>)
        %dma_start3A_162 = arith.constant 0 : i32
        %dma_start3A_163 = arith.constant 0 : i32
        %dma_start3A_164 = tpu.memref_slice %arg4[%dma_start3A_162, %dma_start3A_163] : memref<10112x128xf32, #tpu.memory_space<hbm>> -> memref<10112x128xf32, #tpu.memory_space<hbm>>
        tpu.enqueue_indirect_dma source(%dma_start3A_164 : memref<10112x128xf32, #tpu.memory_space<hbm>>) target(%arg14 : memref<128x128xf32, #tpu.memory_space<vmem>>) offsets(%arg8 : memref<128xi32, #tpu.memory_space<vmem>>) semaphore(%arg21 : memref<!tpu.dma_semaphore, #tpu.memory_space<semaphore_mem>>)
      } else {
      }
      %mul3A_117 = arith.constant 3 : i32
      %mul3A_118 = arith.muli %mul3A_117, %scan3A_75 : i32
      %add3A_119 = arith.constant 2 : i32
      %add3A_120 = arith.addi %mul3A_118, %add3A_119 : i32
      %mul3A_121 = arith.constant 32 : i32
      %mul3A_122 = arith.muli %mul3A_121, %add3A_120 : i32
      %add3A_123 = arith.addi %add3A, %mul3A_122 : i32
      %lt3A_124 = arith.constant 2500 : i32
      %lt3A_125 = arith.cmpi slt, %add3A_123, %lt3A_124 : i32
      %convert_element_type3A_126 = arith.extui %lt3A_125 : i1 to i32
      %cond3A_127 = arith.constant 0 : i32
      %cond3A_128 = arith.cmpi ne, %convert_element_type3A_126, %cond3A_127 : i32
      scf.if %cond3A_128 {
        %dma_wait3A_139 = arith.constant 0 : i32
        %dma_wait3A_140 = arith.constant 0 : i32
        %dma_wait3A_141 = tpu.memref_slice %arg4[%dma_wait3A_139, %dma_wait3A_140] : memref<10112x128xf32, #tpu.memory_space<hbm>> -> memref<10112x128xf32, #tpu.memory_space<hbm>>
        tpu.wait_indirect_dma semaphore(%arg22 : memref<!tpu.dma_semaphore, #tpu.memory_space<semaphore_mem>>) src(%dma_wait3A_141 : memref<10112x128xf32, #tpu.memory_space<hbm>>) dst(%arg15 : memref<128x128xf32, #tpu.memory_space<vmem>>)
        %dma_start3A_142 = arith.constant 0 : i32
        %dma_start3A_143 = arith.constant 0 : i32
        %dma_start3A_144 = tpu.memref_slice %arg16[%dma_start3A_142, %dma_start3A_143] : memref<10112x128xf32, #tpu.memory_space<vmem_shared>> -> memref<10112x128xf32, #tpu.memory_space<vmem_shared>>
        tpu.enqueue_indirect_dma source(%arg15 : memref<128x128xf32, #tpu.memory_space<vmem>>) target(%dma_start3A_144 : memref<10112x128xf32, #tpu.memory_space<vmem_shared>>) offsets(%arg12 : memref<128xi32, #tpu.memory_space<vmem>>) semaphore(%arg25 : memref<!tpu.dma_semaphore, #tpu.memory_space<semaphore_mem>>) {add = true}
      } else {
      }
      %add3A_129 = arith.constant 3 : i32
      %add3A_130 = arith.addi %add3A_120, %add3A_129 : i32
      %mul3A_131 = arith.constant 32 : i32
      %mul3A_132 = arith.muli %mul3A_131, %add3A_130 : i32
      %add3A_133 = arith.addi %add3A, %mul3A_132 : i32
      %lt3A_134 = arith.constant 2500 : i32
      %lt3A_135 = arith.cmpi slt, %add3A_133, %lt3A_134 : i32
      %convert_element_type3A_136 = arith.extui %lt3A_135 : i1 to i32
      %cond3A_137 = arith.constant 0 : i32
      %cond3A_138 = arith.cmpi ne, %convert_element_type3A_136, %cond3A_137 : i32
      scf.if %cond3A_138 {
        %dma_wait3A_139 = arith.constant 0 : i32
        %dma_wait3A_140 = arith.constant 0 : i32
        %dma_wait3A_141 = tpu.memref_slice %arg16[%dma_wait3A_139, %dma_wait3A_140] : memref<10112x128xf32, #tpu.memory_space<vmem_shared>> -> memref<10112x128xf32, #tpu.memory_space<vmem_shared>>
        tpu.wait_indirect_dma semaphore(%arg25 : memref<!tpu.dma_semaphore, #tpu.memory_space<semaphore_mem>>) src(%arg15 : memref<128x128xf32, #tpu.memory_space<vmem>>) dst(%dma_wait3A_141 : memref<10112x128xf32, #tpu.memory_space<vmem_shared>>)
        %add3A_142 = arith.constant 3 : i32
        %add3A_143 = arith.addi %add3A_120, %add3A_142 : i32
        %mul3A_144 = arith.constant 32 : i32
        %mul3A_145 = arith.muli %mul3A_144, %add3A_143 : i32
        %add3A_146 = arith.addi %add3A, %mul3A_145 : i32
        %mul3A_147 = arith.constant 128 : i32
        %mul3A_148 = arith.muli %add3A_146, %mul3A_147 : i32
        %multiple_of3A_149 = tpu.assume_multiple %mul3A_148, 8 : i32
        %dma_start3A_150 = tpu.memref_slice %arg2[%multiple_of3A_149] : memref<320000xi32, #tpu.memory_space<hbm>> -> memref<128xi32, #tpu.memory_space<hbm>>
        %dma_start3A_151 = tpu.memref_slice %arg2[%multiple_of3A_149] : memref<320000xi32, #tpu.memory_space<hbm>> -> memref<128xi32, #tpu.memory_space<hbm>>
        tpu.enqueue_dma source(%dma_start3A_151 : memref<128xi32, #tpu.memory_space<hbm>>) target(%arg9 : memref<128xi32, #tpu.memory_space<vmem>>) target_semaphore(%arg19 : memref<!tpu.dma_semaphore, #tpu.memory_space<semaphore_mem>>)
        %dma_start3A_152 = tpu.memref_slice %arg3[%multiple_of3A_149] : memref<320000xi32, #tpu.memory_space<hbm>> -> memref<128xi32, #tpu.memory_space<hbm>>
        %dma_start3A_153 = tpu.memref_slice %arg3[%multiple_of3A_149] : memref<320000xi32, #tpu.memory_space<hbm>> -> memref<128xi32, #tpu.memory_space<hbm>>
        tpu.enqueue_dma source(%dma_start3A_153 : memref<128xi32, #tpu.memory_space<hbm>>) target(%arg12 : memref<128xi32, #tpu.memory_space<vmem>>) target_semaphore(%arg19 : memref<!tpu.dma_semaphore, #tpu.memory_space<semaphore_mem>>)
        %dma_wait3A_154 = arith.constant 0 : i32
        %dma_wait3A_155 = tpu.memref_slice %arg2[%dma_wait3A_154] : memref<320000xi32, #tpu.memory_space<hbm>> -> memref<128xi32, #tpu.memory_space<hbm>>
        %dma_wait3A_156 = arith.constant 0 : i32
        %dma_wait3A_157 = tpu.memref_slice %arg2[%dma_wait3A_156] : memref<320000xi32, #tpu.memory_space<hbm>> -> memref<128xi32, #tpu.memory_space<hbm>>
        tpu.wait_dma2 semaphore(%arg19 : memref<!tpu.dma_semaphore, #tpu.memory_space<semaphore_mem>>) src(%dma_wait3A_157 : memref<128xi32, #tpu.memory_space<hbm>>) dst(%arg9 : memref<128xi32, #tpu.memory_space<vmem>>)
        %dma_wait3A_158 = arith.constant 0 : i32
        %dma_wait3A_159 = tpu.memref_slice %arg3[%dma_wait3A_158] : memref<320000xi32, #tpu.memory_space<hbm>> -> memref<128xi32, #tpu.memory_space<hbm>>
        %dma_wait3A_160 = arith.constant 0 : i32
        %dma_wait3A_161 = tpu.memref_slice %arg3[%dma_wait3A_160] : memref<320000xi32, #tpu.memory_space<hbm>> -> memref<128xi32, #tpu.memory_space<hbm>>
        tpu.wait_dma2 semaphore(%arg19 : memref<!tpu.dma_semaphore, #tpu.memory_space<semaphore_mem>>) src(%dma_wait3A_161 : memref<128xi32, #tpu.memory_space<hbm>>) dst(%arg12 : memref<128xi32, #tpu.memory_space<vmem>>)
        %dma_start3A_162 = arith.constant 0 : i32
        %dma_start3A_163 = arith.constant 0 : i32
        %dma_start3A_164 = tpu.memref_slice %arg4[%dma_start3A_162, %dma_start3A_163] : memref<10112x128xf32, #tpu.memory_space<hbm>> -> memref<10112x128xf32, #tpu.memory_space<hbm>>
        tpu.enqueue_indirect_dma source(%dma_start3A_164 : memref<10112x128xf32, #tpu.memory_space<hbm>>) target(%arg15 : memref<128x128xf32, #tpu.memory_space<vmem>>) offsets(%arg9 : memref<128xi32, #tpu.memory_space<vmem>>) semaphore(%arg22 : memref<!tpu.dma_semaphore, #tpu.memory_space<semaphore_mem>>)
      } else {
      }
    }
    %scan3A_64 = arith.constant 27 : i32
    %dma_wait3A_65 = arith.constant 0 : i32
    %dma_wait3A_66 = arith.constant 0 : i32
    %dma_wait3A_67 = tpu.memref_slice %arg16[%dma_wait3A_65, %dma_wait3A_66] : memref<10112x128xf32, #tpu.memory_space<vmem_shared>> -> memref<10112x128xf32, #tpu.memory_space<vmem_shared>>
    tpu.wait_indirect_dma semaphore(%arg23 : memref<!tpu.dma_semaphore, #tpu.memory_space<semaphore_mem>>) src(%arg13 : memref<128x128xf32, #tpu.memory_space<vmem>>) dst(%dma_wait3A_67 : memref<10112x128xf32, #tpu.memory_space<vmem_shared>>)
    %dma_wait3A_68 = arith.constant 0 : i32
    %dma_wait3A_69 = arith.constant 0 : i32
    %dma_wait3A_70 = tpu.memref_slice %arg16[%dma_wait3A_68, %dma_wait3A_69] : memref<10112x128xf32, #tpu.memory_space<vmem_shared>> -> memref<10112x128xf32, #tpu.memory_space<vmem_shared>>
    tpu.wait_indirect_dma semaphore(%arg24 : memref<!tpu.dma_semaphore, #tpu.memory_space<semaphore_mem>>) src(%arg14 : memref<128x128xf32, #tpu.memory_space<vmem>>) dst(%dma_wait3A_70 : memref<10112x128xf32, #tpu.memory_space<vmem_shared>>)
    %dma_wait3A_71 = arith.constant 0 : i32
    %dma_wait3A_72 = arith.constant 0 : i32
    %dma_wait3A_73 = tpu.memref_slice %arg16[%dma_wait3A_71, %dma_wait3A_72] : memref<10112x128xf32, #tpu.memory_space<vmem_shared>> -> memref<10112x128xf32, #tpu.memory_space<vmem_shared>>
    tpu.wait_indirect_dma semaphore(%arg25 : memref<!tpu.dma_semaphore, #tpu.memory_space<semaphore_mem>>) src(%arg15 : memref<128x128xf32, #tpu.memory_space<vmem>>) dst(%dma_wait3A_73 : memref<10112x128xf32, #tpu.memory_space<vmem_shared>>)
    %barrier3A_74 = arith.constant 0 : index
    tpu.barrier barrier_id(%barrier3A_74)
    "tpu.region"() ({
      %run_scoped3A = tpu.sem_alloc : memref<!tpu.dma_semaphore, #tpu.memory_space<semaphore_mem>>
      %dma_start3A_75 = arith.constant 0 : i32
      %dma_start3A_76 = tpu.memref_slice %arg6[%arg0, %mul3A_2, %dma_start3A_75] : memref<2x10112x128xf32, #tpu.memory_space<hbm>> -> memref<1x632x128xf32, #tpu.memory_space<hbm>>
      %dma_start3A_77 = tpu.memref_squeeze %dma_start3A_76 : memref<1x632x128xf32, #tpu.memory_space<hbm>> -> memref<632x128xf32, #tpu.memory_space<hbm>>
      %dma_start3A_78 = arith.constant 0 : i32
      %dma_start3A_79 = tpu.memref_slice %arg16[%mul3A_2, %dma_start3A_78] : memref<10112x128xf32, #tpu.memory_space<vmem_shared>> -> memref<632x128xf32, #tpu.memory_space<vmem_shared>>
      tpu.enqueue_dma source(%dma_start3A_79 : memref<632x128xf32, #tpu.memory_space<vmem_shared>>) target(%dma_start3A_77 : memref<632x128xf32, #tpu.memory_space<hbm>>) target_semaphore(%run_scoped3A : memref<!tpu.dma_semaphore, #tpu.memory_space<semaphore_mem>>)
      %dma_wait3A_80 = arith.constant 0 : i32
      %dma_wait3A_81 = tpu.memref_slice %arg6[%arg0, %mul3A_2, %dma_wait3A_80] : memref<2x10112x128xf32, #tpu.memory_space<hbm>> -> memref<1x632x128xf32, #tpu.memory_space<hbm>>
      %dma_wait3A_82 = tpu.memref_squeeze %dma_wait3A_81 : memref<1x632x128xf32, #tpu.memory_space<hbm>> -> memref<632x128xf32, #tpu.memory_space<hbm>>
      %dma_wait3A_83 = arith.constant 0 : i32
      %dma_wait3A_84 = tpu.memref_slice %arg16[%mul3A_2, %dma_wait3A_83] : memref<10112x128xf32, #tpu.memory_space<vmem_shared>> -> memref<632x128xf32, #tpu.memory_space<vmem_shared>>
      tpu.wait_dma2 semaphore(%run_scoped3A : memref<!tpu.dma_semaphore, #tpu.memory_space<semaphore_mem>>) src(%dma_wait3A_84 : memref<632x128xf32, #tpu.memory_space<vmem_shared>>) dst(%dma_wait3A_82 : memref<632x128xf32, #tpu.memory_space<hbm>>)
      tpu.yield
    }) : () -> ()
    return
  }
}

module attributes {stable_mosaic.version = 14 : i64} {
  func.func @_tc_a_body(%arg0: i32, %arg1: memref<1264x128xf32, #tpu.memory_space<vmem>>, %arg2: memref<128x128xf32, #tpu.memory_space<vmem>>, %arg3: memref<2x1264x128xf32, #tpu.memory_space<vmem>>, %arg4: memref<1264x128xf32, #tpu.memory_space<vmem>>) attributes {dimension_semantics = [#tpu.dimension_semantics<arbitrary>], iteration_bounds = array<i64: 8>, scalar_prefetch = 0 : i64, scratch_operands = 0 : i64, tpu.core_type = #tpu.core_type<tc>, window_params = [{transform_indices = @transform_0, window_bounds = array<i64: 1264, 128>}, {pipeline_mode = #tpu.pipeline_mode<synchronous>, transform_indices = @transform_1, window_bounds = array<i64: 128, 128>}, {transform_indices = @transform_2, window_bounds = array<i64: 2, 1264, 128>}, {transform_indices = @transform_3, window_bounds = array<i64: 1264, 128>}]} {
    %get3A = arith.constant 0 : index
    %get3A_0 = arith.constant 0 : index
    %get3A_1 = arith.constant 0 : index
    %get3A_2 = vector.load %arg3[%get3A, %get3A_0, %get3A_1] : memref<2x1264x128xf32, #tpu.memory_space<vmem>>, vector<1x1264x128xf32>
    %get3A_3 = vector.shape_cast %get3A_2 : vector<1x1264x128xf32> to vector<1264x128xf32>
    %reduce_sum3A = arith.constant dense<0.000000e+00> : vector<1264xf32>
    %reduce_sum3A_4 = vector.multi_reduction <add>, %get3A_3, %reduce_sum3A [1] : vector<1264x128xf32> to vector<1264xf32>
    %get3A_5 = arith.constant 1 : index
    %get3A_6 = arith.constant 0 : index
    %get3A_7 = arith.constant 0 : index
    %get3A_8 = vector.load %arg3[%get3A_5, %get3A_6, %get3A_7] : memref<2x1264x128xf32, #tpu.memory_space<vmem>>, vector<1x1264x128xf32>
    %get3A_9 = vector.shape_cast %get3A_8 : vector<1x1264x128xf32> to vector<1264x128xf32>
    %reduce_sum3A_10 = arith.constant dense<0.000000e+00> : vector<1264xf32>
    %reduce_sum3A_11 = vector.multi_reduction <add>, %get3A_9, %reduce_sum3A_10 [1] : vector<1264x128xf32> to vector<1264xf32>
    %add3A = arith.addf %reduce_sum3A_4, %reduce_sum3A_11 : vector<1264xf32>
    %mul3A = arith.constant 7.812500e-03 : f32
    %mul3A_12 = vector.broadcast %mul3A : f32 to vector<1264xf32>
    %mul3A_13 = arith.mulf %add3A, %mul3A_12 : vector<1264xf32>
    %add3A_14 = arith.constant 1.000000e+00 : f32
    %add3A_15 = vector.broadcast %add3A_14 : f32 to vector<1264xf32>
    %add3A_16 = arith.addf %mul3A_13, %add3A_15 : vector<1264xf32>
    %rsqrt3A = math.rsqrt %add3A_16 : vector<1264xf32>
    %get3A_17 = arith.constant 0 : index
    %get3A_18 = arith.constant 0 : index
    %get3A_19 = vector.load %arg1[%get3A_17, %get3A_18] : memref<1264x128xf32, #tpu.memory_space<vmem>>, vector<1264x128xf32>
    %get3A_20 = arith.constant 0 : index
    %get3A_21 = arith.constant 0 : index
    %get3A_22 = vector.load %arg2[%get3A_20, %get3A_21] : memref<128x128xf32, #tpu.memory_space<vmem>>, vector<128x128xf32>
    %dot_general3A = arith.constant dense<0.000000e+00> : vector<1264x128xf32>
    %dot_general3A_23 = tpu.matmul %get3A_19, %get3A_22, %dot_general3A {dimension_numbers = #tpu.dot_dimension_numbers<[1], [0], [0], [1], [0, 0, 1, 1], [], []>, precision = #tpu.contract_precision<fp32>, transpose_lhs_hint = false} : vector<1264x128xf32>, vector<128x128xf32>, vector<1264x128xf32> -> vector<1264x128xf32>
    %broadcast_in_dim3A = vector.shape_cast %rsqrt3A : vector<1264xf32> to vector<1264x1xf32>
    %mul3A_24 = vector.broadcast %broadcast_in_dim3A : vector<1264x1xf32> to vector<1264x128xf32>
    %mul3A_25 = arith.mulf %dot_general3A_23, %mul3A_24 : vector<1264x128xf32>
    %swap3A = arith.constant 0 : index
    %swap3A_26 = arith.constant 0 : index
    %swap3A_27 = vector.load %arg4[%swap3A, %swap3A_26] : memref<1264x128xf32, #tpu.memory_space<vmem>>, vector<1264x128xf32>
    tpu.vector_store %arg4[%swap3A, %swap3A_26], %mul3A_25 {strides = array<i32>} : memref<1264x128xf32, #tpu.memory_space<vmem>>, vector<1264x128xf32>,
    return
  }
  func.func @transform_0(%arg0: i32) -> (i32, i32) {
    %c0_i32 = arith.constant 0 : i32
    %c0_i32_0 = arith.constant 0 : i32
    return %arg0, %c0_i32 : i32, i32
  }
  func.func @transform_1(%arg0: i32) -> (i32, i32) {
    %c0_i32 = arith.constant 0 : i32
    %c0_i32_0 = arith.constant 0 : i32
    %c0_i32_1 = arith.constant 0 : i32
    return %c0_i32, %c0_i32_0 : i32, i32
  }
  func.func @transform_2(%arg0: i32) -> (i32, i32, i32) {
    %c0_i32 = arith.constant 0 : i32
    %c0_i32_0 = arith.constant 0 : i32
    %c0_i32_1 = arith.constant 0 : i32
    return %c0_i32, %arg0, %c0_i32_0 : i32, i32, i32
  }
  func.func @transform_3(%arg0: i32) -> (i32, i32) {
    %c0_i32 = arith.constant 0 : i32
    %c0_i32_0 = arith.constant 0 : i32
    return %arg0, %c0_i32 : i32, i32
  }
}

module attributes {stable_mosaic.version = 14 : i64} {
  func.func @_tc_b_body(%arg0: i32, %arg1: memref<2x1264x128xf32, #tpu.memory_space<vmem>>, %arg2: memref<1264x128xf32, #tpu.memory_space<vmem>>, %arg3: memref<2x1264x128xf32, #tpu.memory_space<vmem>>, %arg4: memref<1x128xf32, #tpu.memory_space<vmem>>, %arg5: memref<128x128xf32, #tpu.memory_space<vmem>>, %arg6: memref<1264x128xf32, #tpu.memory_space<vmem>>) attributes {dimension_semantics = [#tpu.dimension_semantics<arbitrary>], iteration_bounds = array<i64: 8>, scalar_prefetch = 0 : i64, scratch_operands = 0 : i64, tpu.core_type = #tpu.core_type<tc>, window_params = [{transform_indices = @transform_0, window_bounds = array<i64: 2, 1264, 128>}, {transform_indices = @transform_1, window_bounds = array<i64: 1264, 128>}, {transform_indices = @transform_2, window_bounds = array<i64: 2, 1264, 128>}, {pipeline_mode = #tpu.pipeline_mode<synchronous>, transform_indices = @transform_3, window_bounds = array<i64: 1, 128>}, {pipeline_mode = #tpu.pipeline_mode<synchronous>, transform_indices = @transform_4, window_bounds = array<i64: 128, 128>}, {transform_indices = @transform_5, window_bounds = array<i64: 1264, 128>}]} {
    %get3A = arith.constant 0 : index
    %get3A_0 = arith.constant 0 : index
    %get3A_1 = arith.constant 0 : index
    %get3A_2 = vector.load %arg3[%get3A, %get3A_0, %get3A_1] : memref<2x1264x128xf32, #tpu.memory_space<vmem>>, vector<1x1264x128xf32>
    %get3A_3 = vector.shape_cast %get3A_2 : vector<1x1264x128xf32> to vector<1264x128xf32>
    %reduce_sum3A = arith.constant dense<0.000000e+00> : vector<1264xf32>
    %reduce_sum3A_4 = vector.multi_reduction <add>, %get3A_3, %reduce_sum3A [1] : vector<1264x128xf32> to vector<1264xf32>
    %get3A_5 = arith.constant 1 : index
    %get3A_6 = arith.constant 0 : index
    %get3A_7 = arith.constant 0 : index
    %get3A_8 = vector.load %arg3[%get3A_5, %get3A_6, %get3A_7] : memref<2x1264x128xf32, #tpu.memory_space<vmem>>, vector<1x1264x128xf32>
    %get3A_9 = vector.shape_cast %get3A_8 : vector<1x1264x128xf32> to vector<1264x128xf32>
    %reduce_sum3A_10 = arith.constant dense<0.000000e+00> : vector<1264xf32>
    %reduce_sum3A_11 = vector.multi_reduction <add>, %get3A_9, %reduce_sum3A_10 [1] : vector<1264x128xf32> to vector<1264xf32>
    %add3A = arith.addf %reduce_sum3A_4, %reduce_sum3A_11 : vector<1264xf32>
    %mul3A = arith.constant 7.812500e-03 : f32
    %mul3A_12 = vector.broadcast %mul3A : f32 to vector<1264xf32>
    %mul3A_13 = arith.mulf %add3A, %mul3A_12 : vector<1264xf32>
    %add3A_14 = arith.constant 1.000000e+00 : f32
    %add3A_15 = vector.broadcast %add3A_14 : f32 to vector<1264xf32>
    %add3A_16 = arith.addf %mul3A_13, %add3A_15 : vector<1264xf32>
    %rsqrt3A = math.rsqrt %add3A_16 : vector<1264xf32>
    %get3A_17 = arith.constant 0 : index
    %get3A_18 = arith.constant 0 : index
    %get3A_19 = arith.constant 0 : index
    %get3A_20 = vector.load %arg1[%get3A_17, %get3A_18, %get3A_19] : memref<2x1264x128xf32, #tpu.memory_space<vmem>>, vector<1x1264x128xf32>
    %get3A_21 = vector.shape_cast %get3A_20 : vector<1x1264x128xf32> to vector<1264x128xf32>
    %get3A_22 = arith.constant 1 : index
    %get3A_23 = arith.constant 0 : index
    %get3A_24 = arith.constant 0 : index
    %get3A_25 = vector.load %arg1[%get3A_22, %get3A_23, %get3A_24] : memref<2x1264x128xf32, #tpu.memory_space<vmem>>, vector<1x1264x128xf32>
    %get3A_26 = vector.shape_cast %get3A_25 : vector<1x1264x128xf32> to vector<1264x128xf32>
    %add3A_27 = arith.addf %get3A_21, %get3A_26 : vector<1264x128xf32>
    %get3A_28 = arith.constant 0 : index
    %get3A_29 = arith.constant 0 : index
    %get3A_30 = vector.load %arg2[%get3A_28, %get3A_29] : memref<1264x128xf32, #tpu.memory_space<vmem>>, vector<1264x128xf32>
    %add3A_31 = arith.addf %add3A_27, %get3A_30 : vector<1264x128xf32>
    %broadcast_in_dim3A = vector.shape_cast %rsqrt3A : vector<1264xf32> to vector<1264x1xf32>
    %mul3A_32 = vector.broadcast %broadcast_in_dim3A : vector<1264x1xf32> to vector<1264x128xf32>
    %mul3A_33 = arith.mulf %add3A_31, %mul3A_32 : vector<1264x128xf32>
    %get3A_34 = arith.constant 0 : index
    %get3A_35 = arith.constant 0 : index
    %get3A_36 = vector.load %arg4[%get3A_34, %get3A_35] : memref<1x128xf32, #tpu.memory_space<vmem>>, vector<1x128xf32>
    %add3A_37 = vector.broadcast %get3A_36 : vector<1x128xf32> to vector<1264x128xf32>
    %add3A_38 = arith.addf %mul3A_33, %add3A_37 : vector<1264x128xf32>
    %max3A = arith.constant 0.000000e+00 : f32
    %max3A_39 = vector.broadcast %max3A : f32 to vector<1264x128xf32>
    %max3A_40 = arith.maximumf %add3A_38, %max3A_39 : vector<1264x128xf32>
    %get3A_41 = arith.constant 0 : index
    %get3A_42 = arith.constant 0 : index
    %get3A_43 = vector.load %arg5[%get3A_41, %get3A_42] : memref<128x128xf32, #tpu.memory_space<vmem>>, vector<128x128xf32>
    %dot_general3A = arith.constant dense<0.000000e+00> : vector<1264x128xf32>
    %dot_general3A_44 = tpu.matmul %max3A_40, %get3A_43, %dot_general3A {dimension_numbers = #tpu.dot_dimension_numbers<[1], [0], [0], [1], [0, 0, 1, 1], [], []>, precision = #tpu.contract_precision<fp32>, transpose_lhs_hint = false} : vector<1264x128xf32>, vector<128x128xf32>, vector<1264x128xf32> -> vector<1264x128xf32>
    %broadcast_in_dim3A_45 = vector.shape_cast %rsqrt3A : vector<1264xf32> to vector<1264x1xf32>
    %mul3A_46 = vector.broadcast %broadcast_in_dim3A_45 : vector<1264x1xf32> to vector<1264x128xf32>
    %mul3A_47 = arith.mulf %dot_general3A_44, %mul3A_46 : vector<1264x128xf32>
    %swap3A = arith.constant 0 : index
    %swap3A_48 = arith.constant 0 : index
    %swap3A_49 = vector.load %arg6[%swap3A, %swap3A_48] : memref<1264x128xf32, #tpu.memory_space<vmem>>, vector<1264x128xf32>
    tpu.vector_store %arg6[%swap3A, %swap3A_48], %mul3A_47 {strides = array<i32>} : memref<1264x128xf32, #tpu.memory_space<vmem>>, vector<1264x128xf32>,
    return
  }
  func.func @transform_0(%arg0: i32) -> (i32, i32, i32) {
    %c0_i32 = arith.constant 0 : i32
    %c0_i32_0 = arith.constant 0 : i32
    %c0_i32_1 = arith.constant 0 : i32
    return %c0_i32, %arg0, %c0_i32_0 : i32, i32, i32
  }
  func.func @transform_1(%arg0: i32) -> (i32, i32) {
    %c0_i32 = arith.constant 0 : i32
    %c0_i32_0 = arith.constant 0 : i32
    return %arg0, %c0_i32 : i32, i32
  }
  func.func @transform_2(%arg0: i32) -> (i32, i32, i32) {
    %c0_i32 = arith.constant 0 : i32
    %c0_i32_0 = arith.constant 0 : i32
    %c0_i32_1 = arith.constant 0 : i32
    return %c0_i32, %arg0, %c0_i32_0 : i32, i32, i32
  }
  func.func @transform_3(%arg0: i32) -> (i32, i32) {
    %c0_i32 = arith.constant 0 : i32
    %c0_i32_0 = arith.constant 0 : i32
    %c0_i32_1 = arith.constant 0 : i32
    return %c0_i32, %c0_i32_0 : i32, i32
  }
  func.func @transform_4(%arg0: i32) -> (i32, i32) {
    %c0_i32 = arith.constant 0 : i32
    %c0_i32_0 = arith.constant 0 : i32
    %c0_i32_1 = arith.constant 0 : i32
    return %c0_i32, %c0_i32_0 : i32, i32
  }
  func.func @transform_5(%arg0: i32) -> (i32, i32) {
    %c0_i32 = arith.constant 0 : i32
    %c0_i32_0 = arith.constant 0 : i32
    return %arg0, %c0_i32 : i32, i32
  }
}

module attributes {stable_mosaic.version = 14 : i64} {
  func.func @_tc_c_body(%arg0: i32, %arg1: memref<2x1264x128xf32, #tpu.memory_space<vmem>>, %arg2: memref<1264x128xf32, #tpu.memory_space<vmem>>, %arg3: memref<2x1264x128xf32, #tpu.memory_space<vmem>>, %arg4: memref<1x128xf32, #tpu.memory_space<vmem>>, %arg5: memref<1264x128xf32, #tpu.memory_space<vmem>>) attributes {dimension_semantics = [#tpu.dimension_semantics<arbitrary>], iteration_bounds = array<i64: 8>, scalar_prefetch = 0 : i64, scratch_operands = 0 : i64, tpu.core_type = #tpu.core_type<tc>, window_params = [{transform_indices = @transform_0, window_bounds = array<i64: 2, 1264, 128>}, {transform_indices = @transform_1, window_bounds = array<i64: 1264, 128>}, {transform_indices = @transform_2, window_bounds = array<i64: 2, 1264, 128>}, {pipeline_mode = #tpu.pipeline_mode<synchronous>, transform_indices = @transform_3, window_bounds = array<i64: 1, 128>}, {transform_indices = @transform_4, window_bounds = array<i64: 1264, 128>}]} {
    %get3A = arith.constant 0 : index
    %get3A_0 = arith.constant 0 : index
    %get3A_1 = arith.constant 0 : index
    %get3A_2 = vector.load %arg3[%get3A, %get3A_0, %get3A_1] : memref<2x1264x128xf32, #tpu.memory_space<vmem>>, vector<1x1264x128xf32>
    %get3A_3 = vector.shape_cast %get3A_2 : vector<1x1264x128xf32> to vector<1264x128xf32>
    %reduce_sum3A = arith.constant dense<0.000000e+00> : vector<1264xf32>
    %reduce_sum3A_4 = vector.multi_reduction <add>, %get3A_3, %reduce_sum3A [1] : vector<1264x128xf32> to vector<1264xf32>
    %get3A_5 = arith.constant 1 : index
    %get3A_6 = arith.constant 0 : index
    %get3A_7 = arith.constant 0 : index
    %get3A_8 = vector.load %arg3[%get3A_5, %get3A_6, %get3A_7] : memref<2x1264x128xf32, #tpu.memory_space<vmem>>, vector<1x1264x128xf32>
    %get3A_9 = vector.shape_cast %get3A_8 : vector<1x1264x128xf32> to vector<1264x128xf32>
    %reduce_sum3A_10 = arith.constant dense<0.000000e+00> : vector<1264xf32>
    %reduce_sum3A_11 = vector.multi_reduction <add>, %get3A_9, %reduce_sum3A_10 [1] : vector<1264x128xf32> to vector<1264xf32>
    %add3A = arith.addf %reduce_sum3A_4, %reduce_sum3A_11 : vector<1264xf32>
    %mul3A = arith.constant 7.812500e-03 : f32
    %mul3A_12 = vector.broadcast %mul3A : f32 to vector<1264xf32>
    %mul3A_13 = arith.mulf %add3A, %mul3A_12 : vector<1264xf32>
    %add3A_14 = arith.constant 1.000000e+00 : f32
    %add3A_15 = vector.broadcast %add3A_14 : f32 to vector<1264xf32>
    %add3A_16 = arith.addf %mul3A_13, %add3A_15 : vector<1264xf32>
    %rsqrt3A = math.rsqrt %add3A_16 : vector<1264xf32>
    %get3A_17 = arith.constant 0 : index
    %get3A_18 = arith.constant 0 : index
    %get3A_19 = arith.constant 0 : index
    %get3A_20 = vector.load %arg1[%get3A_17, %get3A_18, %get3A_19] : memref<2x1264x128xf32, #tpu.memory_space<vmem>>, vector<1x1264x128xf32>
    %get3A_21 = vector.shape_cast %get3A_20 : vector<1x1264x128xf32> to vector<1264x128xf32>
    %get3A_22 = arith.constant 1 : index
    %get3A_23 = arith.constant 0 : index
    %get3A_24 = arith.constant 0 : index
    %get3A_25 = vector.load %arg1[%get3A_22, %get3A_23, %get3A_24] : memref<2x1264x128xf32, #tpu.memory_space<vmem>>, vector<1x1264x128xf32>
    %get3A_26 = vector.shape_cast %get3A_25 : vector<1x1264x128xf32> to vector<1264x128xf32>
    %add3A_27 = arith.addf %get3A_21, %get3A_26 : vector<1264x128xf32>
    %get3A_28 = arith.constant 0 : index
    %get3A_29 = arith.constant 0 : index
    %get3A_30 = vector.load %arg2[%get3A_28, %get3A_29] : memref<1264x128xf32, #tpu.memory_space<vmem>>, vector<1264x128xf32>
    %add3A_31 = arith.addf %add3A_27, %get3A_30 : vector<1264x128xf32>
    %broadcast_in_dim3A = vector.shape_cast %rsqrt3A : vector<1264xf32> to vector<1264x1xf32>
    %mul3A_32 = vector.broadcast %broadcast_in_dim3A : vector<1264x1xf32> to vector<1264x128xf32>
    %mul3A_33 = arith.mulf %add3A_31, %mul3A_32 : vector<1264x128xf32>
    %get3A_34 = arith.constant 0 : index
    %get3A_35 = arith.constant 0 : index
    %get3A_36 = vector.load %arg4[%get3A_34, %get3A_35] : memref<1x128xf32, #tpu.memory_space<vmem>>, vector<1x128xf32>
    %add3A_37 = vector.broadcast %get3A_36 : vector<1x128xf32> to vector<1264x128xf32>
    %add3A_38 = arith.addf %mul3A_33, %add3A_37 : vector<1264x128xf32>
    %swap3A = arith.constant 0 : index
    %swap3A_39 = arith.constant 0 : index
    %swap3A_40 = vector.load %arg5[%swap3A, %swap3A_39] : memref<1264x128xf32, #tpu.memory_space<vmem>>, vector<1264x128xf32>
    tpu.vector_store %arg5[%swap3A, %swap3A_39], %add3A_38 {strides = array<i32>} : memref<1264x128xf32, #tpu.memory_space<vmem>>, vector<1264x128xf32>,
    return
  }
  func.func @transform_0(%arg0: i32) -> (i32, i32, i32) {
    %c0_i32 = arith.constant 0 : i32
    %c0_i32_0 = arith.constant 0 : i32
    %c0_i32_1 = arith.constant 0 : i32
    return %c0_i32, %arg0, %c0_i32_0 : i32, i32, i32
  }
  func.func @transform_1(%arg0: i32) -> (i32, i32) {
    %c0_i32 = arith.constant 0 : i32
    %c0_i32_0 = arith.constant 0 : i32
    return %arg0, %c0_i32 : i32, i32
  }
  func.func @transform_2(%arg0: i32) -> (i32, i32, i32) {
    %c0_i32 = arith.constant 0 : i32
    %c0_i32_0 = arith.constant 0 : i32
    %c0_i32_1 = arith.constant 0 : i32
    return %c0_i32, %arg0, %c0_i32_0 : i32, i32, i32
  }
  func.func @transform_3(%arg0: i32) -> (i32, i32) {
    %c0_i32 = arith.constant 0 : i32
    %c0_i32_0 = arith.constant 0 : i32
    %c0_i32_1 = arith.constant 0 : i32
    return %c0_i32, %c0_i32_0 : i32, i32
  }
  func.func @transform_4(%arg0: i32) -> (i32, i32) {
    %c0_i32 = arith.constant 0 : i32
    %c0_i32_0 = arith.constant 0 : i32
    return %arg0, %c0_i32 : i32, i32
  }
}

</mosaic_0001>

<sc_bundles>
// kernel: kernel.11.cloned.1.call-start
scs
__scs_entry_jumppad:
0x0: {  	(pc) =	sbr.rel $0x88, $3  }
0x1: {  	(tag) =	ssettag $0x0;
	lr =	simm.s32 $0x1  }
0x2: {  	[smem:$0x3F9B] =	sst lr;
	_ =	strace $0xD0000000  }
0x3: {  	_ = 	snop  }
0x4: {  	_ = 	snop  }
0x5: {  	_ = 	snop  }
0x6: {  	_ = 	snop  }
0x7: {  	_ = 	snop  }
__scs_overlays_trampoline_lowered:
0x8: {  	[smem:$0x3FAA] =	sst s0  }
0x9: {  	[smem:$0x3FAB] =	sst s1  }
0xa: {  	[smem:$0x3FAC] =	sst s2  }
0xb: {  	[smem:$0x3FAD] =	sst s3  }
0xc: {  	[smem:$0x3FAE] =	sst s4  }
0xd: {  	[smem:$0x3FAF] =	sst s5  }
0xe: {  	[smem:$0x3FB0] =	sst s6  }
0xf: {  	[smem:$0x3FB1] =	sst s7  }
0x10: {  	[smem:$0x3FB2] =	sst s8  }
0x11: {  	[smem:$0x3FB3] =	sst s9;
	s0 =	simm.s32 @!p0 $0x0  }
0x12: {  	s1 =	sld [smem:$0x3F99];
	s0 =	simm.s32 @p0 $0x1  }
0x13: {  	[smem:$0x3FB4] =	sst s0;
	s0 =	simm.s32 @!p1 $0x0  }
0x14: {  	s2 =	sld [smem:$0x3F98];
	s0 =	simm.s32 @p1 $0x1  }
0x15: {  	[smem:$0x3FB5] =	sst s0;
	s0 =	simm.s32 @!p2 $0x0  }
0x16: {  	s3 =	sld [smem:$0x3FDB];
	s0 =	simm.s32 @p2 $0x1  }
0x17: {  	s4 =	simm.s32 $0x1BF5;
	[smem:$0x3FB7] =	sst s0  }
0x18: {  	s0 =	sld [smem:$0x3F9A];
	_ =	swait.ge [sflag:s4], $0x0  }
0x19: {  	s7 =	sld [smem:$0x3F9B]  }
0x1a: {  	s8 =	sadd.s32 $0xFFFFE003, lr  }
0x1b: {  	s9 =	sadd.s32 $0xFFFFFEF7, lr;
	s5 =	simm.s32 $0xFFFFFFFF;
	p2 =	slt.u32 s8, $0xFFFFF086  }
0x1c: {  	p1 =	slt.u32 s9, $0xF7A;
	s5 =	simm.s32 @!p2 $0x0  }
0x1d: {  	s5 =	simm.s32 @p1 $0x1;
	p0 =	seq.s32 s7, s2  }
0x1e: {  	s7 =	smul.u32 @!p0 $0xF7A, s2;
	p2 =	seq.s32 @!p0 s5, $0x0  }
0x1f: {  	s9 =	smul.u32 $0xF7A, s1;
	s8 =	simm.s32 @!p0 $0x1BF5;
	p2 =	por !p2, p0  }
0x20: {  	[sflag:s8] =	ssyncset.s32 @!p0 $0xFFFFF086;
	s6 =	sadd.s32 @!p0 s3, s7;
	s7 =	simm.s32 @!p0 $0x108  }
0x21: {  	s3 =	sadd.s32 s3, s9;
	s6 =	sadd.s32 @!p0 $0x88, s6;
	s7 =	simm.s32 @p2 $0x1082  }
0x22: {  	[simem:s7], [sflag:s8] =	dma.local @!p0 [hbm:s6], $0xF7A  }
0x23: {  	s9 =	sor.u32 $0xD0000000, s2;
	s6 =	simm.s32 $0x108;
	_ =	swait.ge @!p0 [sflag:s8], $0x0  }
0x24: {  	s3 =	sadd.s32 $0x88, s3;
	s6 =	simm.s32 @!p1 $0x1082;
	[sflag:s4] =	ssyncset.s32 $0xFFFFF086  }
0x25: {  	[simem:s6], [sflag:s4] =	dma.local [hbm:s3], $0xF7A  }
0x26: {  	[smem:$0x3F9B] =	sst s1;
	(tag) =	ssettag s2;
	_ =	strace s9  }
0x27: {  	s1 =	sld [smem:$0x3FAB]  }
0x28: {  	s2 =	sld [smem:$0x3FAC]  }
0x29: {  	s4 =	sld [smem:$0x3FAE]  }
0x2a: {  	p0 =	seq.s32 s5, $0x0;
	s5 =	sld [smem:$0x3FAF]  }
0x2b: {  	s6 =	sld [smem:$0x3FB0]  }
0x2c: {  	s7 =	sld [smem:$0x3FB1]  }
0x2d: {  	s3 =	simm.s32 $0x108;
	s8 =	sld [smem:$0x3FB2]  }
0x2e: {  	s3 =	simm.s32 @!p0 $0x1082;
	s9 =	sld [smem:$0x3FB3]  }
0x2f: {  	lr =	sadd.s32 s0, s3;
	s0 =	sld [smem:$0x3FAA]  }
0x30: {  	s3 =	sld [smem:$0x3FAD]  }
0x31: {  	[smem:$0x3FB6] =	sst s10  }
0x32: {  	s10 =	sld [smem:$0x3FB4];
	_ =	sdelay $0x3  }
0x33: {  	p0 =	seq.s32 s10, $0x1;
	s10 =	sld [smem:$0x3FB6];
	_ =	sdelay $0x3  }
0x34: {  	[smem:$0x3FB6] =	sst s10  }
0x35: {  	s10 =	sld [smem:$0x3FB5];
	_ =	sdelay $0x3  }
0x36: {  	p1 =	seq.s32 s10, $0x1;
	s10 =	sld [smem:$0x3FB6];
	_ =	sdelay $0x3  }
0x37: {  	[smem:$0x3FB6] =	sst s10  }
0x38: {  	s10 =	sld [smem:$0x3FB7]  }
0x39: {  	_ = 	snop;
	(pc) =	sbr.ind lr, $3  }
0x3a: {  	_ = 	snop  }
0x3b: {  	_ = 	snop  }
0x3c: {  	p2 =	seq.s32 s10, $0x1;
	s10 =	sld [smem:$0x3FB6]  }
0x3d: {  	_ =	shalt  }
0x3e: {  	_ =	shalt  }
0x3f: {  	_ =	shalt  }
0x40: {  	_ =	shalt  }
0x41: {  	_ =	shalt  }
0x42: {  	_ =	shalt  }
0x43: {  	_ =	shalt  }
0x44: {  	_ =	shalt  }
0x45: {  	_ =	shalt  }
0x46: {  	_ =	shalt  }
0x47: {  	_ =	shalt  }
0x48: {  	_ =	shalt  }
0x49: {  	_ =	shalt  }
0x4a: {  	_ =	shalt  }
0x4b: {  	_ =	shalt  }
0x4c: {  	_ =	shalt  }
0x4d: {  	_ =	shalt  }
0x4e: {  	_ =	shalt  }
0x4f: {  	_ =	shalt  }
0x50: {  	_ =	shalt  }
0x51: {  	_ =	shalt  }
0x52: {  	_ =	shalt  }
0x53: {  	_ =	shalt  }
0x54: {  	_ =	shalt  }
0x55: {  	_ =	shalt  }
0x56: {  	_ =	shalt  }
0x57: {  	_ =	shalt  }
0x58: {  	_ =	shalt  }
0x59: {  	_ =	shalt  }
0x5a: {  	_ =	shalt  }
0x5b: {  	_ =	shalt  }
0x5c: {  	_ =	shalt  }
0x5d: {  	_ =	shalt  }
0x5e: {  	_ =	shalt  }
0x5f: {  	_ =	shalt  }
0x60: {  	_ =	shalt  }
0x61: {  	_ =	shalt  }
0x62: {  	_ =	shalt  }
0x63: {  	_ =	shalt  }
0x64: {  	_ =	shalt  }
0x65: {  	_ =	shalt  }
0x66: {  	_ =	shalt  }
0x67: {  	_ =	shalt  }
0x68: {  	_ =	shalt  }
0x69: {  	_ =	shalt  }
0x6a: {  	_ =	shalt  }
0x6b: {  	_ =	shalt  }
0x6c: {  	_ =	shalt  }
0x6d: {  	_ =	shalt  }
0x6e: {  	_ =	shalt  }
0x6f: {  	_ =	shalt  }
0x70: {  	_ =	shalt  }
0x71: {  	_ =	shalt  }
0x72: {  	_ =	shalt  }
0x73: {  	_ =	shalt  }
0x74: {  	_ =	shalt  }
0x75: {  	_ =	shalt  }
0x76: {  	_ =	shalt  }
0x77: {  	_ =	shalt  }
0x78: {  	_ =	shalt  }
0x79: {  	_ =	shalt  }
0x7a: {  	_ =	shalt  }
0x7b: {  	_ =	shalt  }
0x7c: {  	_ =	shalt  }
0x7d: {  	_ =	shalt  }
0x7e: {  	_ =	shalt  }
0x7f: {  	_ =	shalt  }
0x80: {  	_ =	shalt  }
0x81: {  	_ =	shalt  }
0x82: {  	_ =	shalt  }
0x83: {  	_ =	shalt  }
0x84: {  	_ =	shalt  }
0x85: {  	_ =	shalt  }
0x86: {  	_ =	shalt  }
0x87: {  	_ =	shalt  }
.Lfunc_end0:
.L_simem_size_0:
called_computation.1_lowered:
.L_overlay_start_0:
0x88: {  	s2 =	sld [smem:$0x3FD9]  }
0x89: {  	s3 =	sld [smem:$0x3FFE];
	_ =	sdelay $0x1  }
0x8a: {  	s1 =	srdreg.scid  }
0x8b: {  	s0 =	sand.u32 $0x1, s1  }
0x8c: {  	s17 =	sshll.u32 s0, $0xA;
	s2 =	sadd.s32 s3, s2  }
0x8d: {  	s2 =	sadd.s32 s2, s17  }
0x8e: {  	[smem:$0x3FC2] =	sst s2  }
0x8f: {  	_ = 	snop  }
0x90: {  	s2 =	sld [smem:$0x3FD0];
	(tm) =	ssettm $0x1  }
0x91: {  	s18 =	sld [smem:$0x3FFB];
	_ =	sdelay $0x3  }
0x92: {  	_ =	strace s18  }
0x93: {  	s3 =	sld [smem:$0x3FFC];
	_ =	sdelay $0x3  }
0x94: {  	_ =	strace s3  }
0x95: {  	s3 =	sld [smem:$0x3FFD];
	_ =	sdelay $0x3  }
0x96: {  	_ =	strace s3  }
0x97: {  	_ =	strace $0x8FFFFFFF  }
0x98: {  	s19 =	sld [smem:$0x3FDB];
	_ =	sdelay $0x1  }
0x99: {  	s4 =	simm.s32 $_scs_section_size  }
0x9a: {  	s5 =	simm.s32 $_size__tile_overlayer_lowered;
	s6 =	simm.s32 $_tile_overlayer_lowered  }
0x9b: {  	s22 =	simm.s32 $0x1BFF;
	s21 =	sshll.u32 s6, $0x1;
	s3 =	sadd.s32 s4, s19  }
0x9c: {  	s7 =	simm.s32 $0x0;
	s20 =	sshll.u32 s5, $0x1;
	s5 =	sadd.s32 s21, s3  }
0x9d: {  	[timem:s7], [sflag:s22] =	dma.local [hbm:s5], s20  }
0x9e: {  	_ =	swait.ge [sflag:s22], s20  }
0x9f: {  	s4 =	ssub.s32 $0x0, s20;
	[sflag:s22] =	ssyncset.done $0x0  }
0xa0: {  	[sflag:s22] =	ssyncadd.s32 s4;
	_ =	sdelay $0x1  }
0xa1: {  	s23 =	simm.s32 $0x1B8B  }
0xa2: {  	_ =	swait.ge [sflag:s23], $0x1  }
0xa3: {  	[sflag:s23] =	ssyncset.done $0x0  }
0xa4: {  	s25 =	simm.s32 $0x1B8E;
	s24 =	sld [smem:$0x3FFE];
	[sflag:s23] =	ssyncadd.s32 $0xFFFFFFFF  }
0xa5: {  	s26 =	simm.s32 $execute0_lowered;
	[smem:$0x3FD2] =	sst s25  }
0xa6: {  	s5 =	sshll.u32 s26, $0x1;
	_ =	strace $0x80000049;
	[dreg:$0x1] =	wrdreg $0xFFFFFFFF  }
0xa7: {  	s28 =	simm.s32 $_size_execute0_lowered;
	s3 =	sadd.s32 s3, s5;
	[dreg:$0x0] =	wrdreg $0x0  }
0xa8: {  	s5 =	sshll.u32 s28, $0x1;
	[dreg:$0x2] =	wrdreg s3  }
0xa9: {  	[dreg:$0x3] =	wrdreg s5  }
0xaa: {  	[dreg:$0x4] =	wrdreg $0xC0  }
0xab: {  	_ =	task [dreg:s7], $0x5FFFF  }
0xac: {  	[dreg:$0x1] =	wrdreg $0xFFFFFFFF  }
0xad: {  	[dreg:$0x0] =	wrdreg $0x60  }
0xae: {  	[dreg:$0x2] =	wrdreg s24  }
0xaf: {  	[dreg:$0x3] =	wrdreg s2  }
0xb0: {  	[dreg:$0x4] =	wrdreg $0xC3000  }
0xb1: {  	[dreg:$0x5] =	wrdreg $0x9  }
0xb2: {  	_ =	task.clear_ibuf [dreg:s7], $0x6FFFF;
	_ =	strace $0x90000049  }
0xb3: {  	s29 =	simm.s32 $0x9;
	_ =	strace $0x8000004B  }
0xb4: {  	_ =	swait.ge [sflag:s29], $0x1  }
0xb5: {  	[sflag:s29] =	ssyncadd.s32 $0xFFFFFFFF  }
0xb6: {  	_ =	strace $0x9000004B  }
0xb7: {  	_ =	sfence  }
0xb8: {  	s30 =	sld [smem:$0x0];
	_ =	sdelay $0x2  }
0xb9: {  	s31 =	sshll.u32 s1, $0xD;
	s1 =	sshrl.u32 s1, $0x2  }
0xba: {  	s3 =	sand.u32 $0x4000, s31;
	s1 =	sadd.s32 s1, s30  }
0xbb: {  	s0 =	sor.u32 s3, s0;
	s1 =	sshll.u32 s1, $0x11  }
0xbc: {  	s0 =	sor.u32 s1, s0  }
0xbd: {  	s0 =	sadd.s32 $0x8F2B, s0  }
0xbe: {  	[sflag:s0] =	ssyncadd.remote.s32 $0x1  }
0xbf: {  	_ =	sfence.sel $0xFFFF  }
0xc0: {  	[dreg:$0x0] =	wrdreg $0xFFFFFFFF;
	(pc) =	sbr.abs _section_cstart, $3  }
0xc1: {  	[dreg:$0x1] =	wrdreg $0xFFFFFFFF  }
0xc2: {  	_ =	task.clear_ibuf [dreg:s7], $0x2FFFF;
	_ =	strace $0x9FFFFFFF  }
0xc3: {  	(tm) =	ssettm $0x7FFFFFFF  }
tec
execute0_lowered:
.L_overlay_start_1:
0x0: {  	(tag) =	ssettag $0x1  }
0x1: {  	s0 =	rddreg [dreg:$0x0]  }
0x2: {  	s1 =	rddreg [dreg:$0x1]  }
0x3: {  	s2 =	rddreg [dreg:$0x2];
	s16 =	stileid.u32;
	s3 =	simm.s32 $0x0  }
0x4: {  	s4 =	srdreg.scid;
	s28 =	simm.s32 $0x3;
	s30 =	simm.s32 $0xA  }
0x5: {  	s31 =	simm.s32 $0x7;
	s5 =	smul.u32 $0x13C00, s16;
	[smem:$0x7FF] =	sst s3  }
0x6: {  	s6 =	sand.u32 $0x1, s4;
	s9 =	sadd.s32 $0x2200, s0;
	s4 =	sadd.s32 $0x83000, s0  }
0x7: {  	s10 =	sshll.u32 s16, $0x1;
	s23 =	smul.u32 $0x4F000, s16;
	s29 =	sshll.u32 s16, $0x5  }
0x8: {  	_ =	strace $0x8000004A;
	s8 =	smul.u32 $0x13C000, s6;
	s24 =	ssub.s32 $0x9C4, s10  }
0x9: {  	s17 =	ssub.s32 $0x2, s6;
	s25 =	ssub.s32 $0x9A4, s10;
	[dreg:$0x4] =	wrdreg s24  }
0xa: {  	s7 =	sshrl.u32 s5, $0x3;
	s12 =	sshrl.u32 s17, $0x1;
	[dreg:$0x5] =	wrdreg s25  }
0xb: {  	s25 =	simm.s32 $0x2;
	s7 =	sadd.s32 s7, s0;
	s5 =	sadd.s32 s5, s8  }
0xc: {  	s8 =	ssub.s32 s17, s12;
	s11 =	sshrl.u32 s5, $0x3;
	s5 =	sor.u32 s6, s10  }
0xd: {  	s10 =	ssub.s32 $0x984, s10;
	s7 =	sadd.s32 $0xC800, s7;
	s15 =	smax.u32 s8, $0x1  }
0xe: {  	s6 =	sshll.u32 s6, $0x4;
	s18 =	sshll.u32 s5, $0x4;
	[dreg:$0xe] =	wrdreg s7  }
0xf: {  	s0 =	sadd.s32 s11, s0;
	[dreg:$0x6] =	wrdreg s10;
	s19 =	sadd.s32 s9, s18  }
0x10: {  	s20 =	sadd.s32 s1, s18;
	s21 =	sor.u32 $0x200, s18;
	s11 =	sor.u32 $0x400, s18  }
0x11: {  	s14 =	sadd.s32 $0xAA800, s0;
	s0 =	sadd.s32 s29, s9;
	[dreg:$0x7] =	wrdreg s19  }
0x12: {  	s18 =	simm.s32 $0x9;
	[dreg:$0x8] =	wrdreg s20;
	s13 =	sadd.s32 s9, s21  }
0x13: {  	s12 =	sadd.s32 s1, s21;
	s22 =	sadd.s32 s9, s11;
	s11 =	sadd.s32 s1, s11  }
0x14: {  	s1 =	sadd.s32 s29, s1;
	s17 =	sadd.s32 s6, s0;
	[dreg:$0x9] =	wrdreg s13  }
0x15: {  	s19 =	simm.s32 $0x80;
	s21 =	simm.s32 $0x100;
	[dreg:$0xa] =	wrdreg s12  }
0x16: {  	s0 =	simm.s32 $0x8;
	[dreg:$0xb] =	wrdreg s22;
	s12 =	sshrl.u32 s23, $0x2  }
0x17: {  	s20 =	simm.s32 $0x0;
	[dreg:$0xc] =	wrdreg s11;
	s26 =	sadd.s32 s12, s2  }
0x18: {  	s16 =	sadd.s32 s6, s1;
	s23 =	simm.s32 $0x1;
	[dreg:$0xd] =	wrdreg s26  }
.LBB2_1:
0x19: {  	s1 =	rddreg [dreg:$0x7]  }
0x1a: {  	[tilespmem:s3], [sflag:$0x1] =	stream.linear.gather [hbm4b:s1+s3], $0x80, $0x38;
	[tilespmem:$0x1FF00] =	vst v63  }
0x1b: {  	s8 =	rddreg [dreg:$0x8];
	s6 =	simm.s32 $0x180  }
0x1c: {  	[tilespmem:s6], [sflag:$0x1] =	stream.linear.gather [hbm4b:s8+s3], $0x80, $0x38;
	[tilespmem:$0x1FF00] =	vst v63  }
0x1d: {  	s9 =	rddreg [dreg:$0x9]  }
0x1e: {  	[tilespmem:s19], [sflag:$0x2] =	stream.linear.gather [hbm4b:s9+s3], $0x80, $0x38;
	[tilespmem:$0x1FF00] =	vst v63  }
0x1f: {  	s10 =	rddreg [dreg:$0xa];
	s11 =	simm.s32 $0x200  }
0x20: {  	[tilespmem:s11], [sflag:$0x2] =	stream.linear.gather [hbm4b:s10+s3], $0x80, $0x38;
	[tilespmem:$0x1FF00] =	vst v63  }
0x21: {  	s12 =	rddreg [dreg:$0xb]  }
0x22: {  	[tilespmem:s21], [sflag:$0x3] =	stream.linear.gather [hbm4b:s12+s3], $0x80, $0x38;
	[tilespmem:$0x1FF00] =	vst v63  }
0x23: {  	s13 =	rddreg [dreg:$0xc];
	s22 =	simm.s32 $0x280  }
0x24: {  	[tilespmem:s22], [sflag:$0x3] =	stream.linear.gather [hbm4b:s13+s3], $0x80, $0x38;
	[tilespmem:$0x1FF00] =	vst v63  }
0x25: {  	_ =	swait.ge [sflag:s23], $0x80  }
0x26: {  	[sflag:s23] =	ssyncset.done $0x0  }
0x27: {  	[sflag:s23] =	ssyncadd.s32 $0xFFFFFF80  }
0x28: {  	_ =	swait.ge [sflag:s23], $0x80  }
0x29: {  	[sflag:s23] =	ssyncset.done $0x0  }
0x2a: {  	s24 =	simm.s32 $0x300;
	[sflag:s23] =	ssyncadd.s32 $0xFFFFFF80  }
0x2b: {  	[tilespmem:s24], [sflag:$0x4] =	stream.indirect.gather [hbm4b:s4+s19], $0x80, s3, s19, $0xb8;
	[tilespmem:$0x1FF00] =	vst v63  }
0x2c: {  	_ =	swait.ge [sflag:s25], $0x80  }
0x2d: {  	[sflag:s25] =	ssyncset.done $0x0  }
0x2e: {  	[sflag:s25] =	ssyncadd.s32 $0xFFFFFF80  }
0x2f: {  	_ =	swait.ge [sflag:s25], $0x80  }
0x30: {  	[sflag:s25] =	ssyncset.done $0x0  }
0x31: {  	s26 =	simm.s32 $0x4300;
	[sflag:s25] =	ssyncadd.s32 $0xFFFFFF80  }
0x32: {  	[tilespmem:s26], [sflag:$0x5] =	stream.indirect.gather [hbm4b:s4+s19], $0x80, s19, s19, $0xb8;
	[tilespmem:$0x1FF00] =	vst v63  }
0x33: {  	_ =	swait.ge [sflag:s28], $0x80  }
0x34: {  	[sflag:s28] =	ssyncset.done $0x0  }
0x35: {  	s7 =	stileid.u32;
	[sflag:s28] =	ssyncadd.s32 $0xFFFFFF80  }
0x36: {  	s1 =	sshll.u32 s7, $0x6;
	s6 =	simm.s32 $0x8300;
	_ =	swait.ge [sflag:s28], $0x80  }
0x37: {  	s22 =	sor.u32 $0x1C0A, s1;
	[sflag:s28] =	ssyncset.done $0x0;
	s8 =	rddreg [dreg:$0xd]  }
0x38: {  	s9 =	rddreg [dreg:$0xe];
	[sflag:s28] =	ssyncadd.s32 $0xFFFFFF80;
	s24 =	sshrl.u32 s8, $0x3  }
0x39: {  	[tilespmem:s6], [sflag:$0x6] =	stream.indirect.gather [hbm4b:s4+s19], $0x80, s21, s19, $0xb8;
	[tilespmem:$0x1FF00] =	vst v63  }
0x3a: {  	[spmem:s24], [sflag:s22] =	dma.local [hbm:s9], $0x2780  }
0x3b: {  	_ =	swait.ge [sflag:s30], $0x2780  }
0x3c: {  	[sflag:s30] =	ssyncset.done $0x0  }
0x3d: {  	[sflag:s30] =	ssyncadd.s32 $0xFFFFD880  }
0x3e: {  	[bflag:$0x0] =	sbarrier.arrive $0xFFFF  }
0x3f: {  	s10 =	rddreg [dreg:$0x4]  }
0x40: {  	s11 =	sadd.s32 $0x0, s5;
	p1 =	sle.u32 s10, $0x0  }
0x41: {  	s8 =	sadd.s32 $0x60, s11;
	s6 =	simm.s32 @!p1 $0x4  }
0x42: {  	p0 =	sgt.u32 s8, $0x9C3;
	_ =	swait.ge @!p1 [sflag:s6], $0x4000  }
0x43: {  	s7 =	simm.s32 @!p1 $0x180;
	s9 =	simm.s32 @!p1 $0x300;
	[sflag:s6] =	ssyncset.done @!p1 $0x0  }
0x44: {  	s8 =	simm.s32 @!p1 $0x80;
	[sflag:s6] =	ssyncadd.s32 @!p1 $0xFFFFC000;
	s6 =	simm.s32 @!p0 $0x7  }
0x45: {  	[spmem:s2] =	stream.indirect.scatter.add.f32 @!p1 [tilespmem:s9], [sflag:$0x7], $0x80, s7, s8, $0xb8;
	[tilespmem:$0x1FF00] =	vst v63  }
0x46: {  	_ =	swait.ge @!p0 [sflag:s6], $0x4000  }
0x47: {  	s7 =	sadd.s32 @!p0 $0x0, s17;
	s8 =	sadd.s32 @!p0 $0x0, s16;
	[sflag:s6] =	ssyncset.done @!p0 $0x0  }
0x48: {  	s9 =	simm.s32 @!p0 $0x0;
	s7 =	sadd.s32 @!p0 $0x600, s7;
	[sflag:s6] =	ssyncadd.s32 @!p0 $0xFFFFC000  }
0x49: {  	[tilespmem:s9], [sflag:$0x1] =	stream.linear.gather @!p0 [hbm4b:s7+s9], $0x80, $0x38;
	[tilespmem:$0x1FF00] =	vst v63  }
0x4a: {  	s6 =	sadd.s32 @!p0 $0x600, s8;
	s8 =	simm.s32 @!p0 $0x1;
	s7 =	simm.s32 @!p0 $0x180  }
0x4b: {  	[tilespmem:s7], [sflag:$0x1] =	stream.linear.gather @!p0 [hbm4b:s6+s9], $0x80, $0x38;
	[tilespmem:$0x1FF00] =	vst v63  }
0x4c: {  	_ =	swait.ge @!p0 [sflag:s8], $0x80  }
0x4d: {  	[sflag:s8] =	ssyncset.done @!p0 $0x0  }
0x4e: {  	[sflag:s8] =	ssyncadd.s32 @!p0 $0xFFFFFF80  }
0x4f: {  	_ =	swait.ge @!p0 [sflag:s8], $0x80  }
0x50: {  	s7 =	simm.s32 @!p0 $0x80;
	[sflag:s8] =	ssyncset.done @!p0 $0x0;
	s12 =	rddreg [dreg:$0x5]  }
0x51: {  	[sflag:s8] =	ssyncadd.s32 @!p0 $0xFFFFFF80;
	s8 =	simm.s32 @!p0 $0x300;
	p1 =	sle.u32 s12, $0x0  }
0x52: {  	[tilespmem:s8], [sflag:$0x4] =	stream.indirect.gather @!p0 [hbm4b:s4+s7], $0x80, s9, s7, $0xb8;
	[tilespmem:$0x1FF00] =	vst v63  }
0x53: {  	s6 =	simm.s32 @!p1 $0x5  }
0x54: {  	s13 =	sadd.s32 $0x80, s11;
	s8 =	simm.s32 @!p1 $0x4300;
	_ =	swait.ge @!p1 [sflag:s6], $0x4000  }
0x55: {  	p0 =	sgt.u32 s13, $0x9C3;
	s7 =	simm.s32 @!p1 $0x80;
	[sflag:s6] =	ssyncset.done @!p1 $0x0  }
0x56: {  	s9 =	simm.s32 @!p1 $0x200;
	[sflag:s6] =	ssyncadd.s32 @!p1 $0xFFFFC000;
	s6 =	simm.s32 @!p0 $0x8  }
0x57: {  	[spmem:s2] =	stream.indirect.scatter.add.f32 @!p1 [tilespmem:s8], [sflag:$0x8], $0x80, s9, s7, $0xb8;
	[tilespmem:$0x1FF00] =	vst v63  }
0x58: {  	s10 =	simm.s32 @!p0 $0x80;
	_ =	swait.ge @!p0 [sflag:s6], $0x4000  }
0x59: {  	s7 =	sadd.s32 @!p0 $0x0, s17;
	s8 =	sadd.s32 @!p0 $0x0, s16;
	[sflag:s6] =	ssyncset.done @!p0 $0x0  }
0x5a: {  	s9 =	simm.s32 @!p0 $0x0;
	s7 =	sadd.s32 @!p0 $0x800, s7;
	[sflag:s6] =	ssyncadd.s32 @!p0 $0xFFFFC000  }
0x5b: {  	[tilespmem:s10], [sflag:$0x2] =	stream.linear.gather @!p0 [hbm4b:s7+s9], $0x80, $0x38;
	[tilespmem:$0x1FF00] =	vst v63  }
0x5c: {  	s6 =	sadd.s32 @!p0 $0x800, s8;
	s8 =	simm.s32 @!p0 $0x2;
	s7 =	simm.s32 @!p0 $0x200  }
0x5d: {  	[tilespmem:s7], [sflag:$0x2] =	stream.linear.gather @!p0 [hbm4b:s6+s9], $0x80, $0x38;
	[tilespmem:$0x1FF00] =	vst v63  }
0x5e: {  	_ =	swait.ge @!p0 [sflag:s8], $0x80  }
0x5f: {  	[sflag:s8] =	ssyncset.done @!p0 $0x0  }
0x60: {  	[sflag:s8] =	ssyncadd.s32 @!p0 $0xFFFFFF80  }
0x61: {  	_ =	swait.ge @!p0 [sflag:s8], $0x80  }
0x62: {  	[sflag:s8] =	ssyncset.done @!p0 $0x0  }
0x63: {  	s7 =	simm.s32 @!p0 $0x4300;
	s26 =	rddreg [dreg:$0x6];
	[sflag:s8] =	ssyncadd.s32 @!p0 $0xFFFFFF80  }
0x64: {  	[tilespmem:s7], [sflag:$0x5] =	stream.indirect.gather @!p0 [hbm4b:s4+s10], $0x80, s10, s10, $0xb8;
	[tilespmem:$0x1FF00] =	vst v63  }
0x65: {  	p0 =	sle.u32 s26, $0x0  }
0x66: {  	s1 =	sadd.s32 $0xA0, s11;
	s6 =	simm.s32 @!p0 $0x6  }
0x67: {  	p1 =	sgt.u32 s1, $0x9C3;
	_ =	swait.ge @!p0 [sflag:s6], $0x4000  }
0x68: {  	s7 =	simm.s32 @!p0 $0x8300;
	s1 =	simm.s32 @!p0 $0x80;
	[sflag:s6] =	ssyncset.done @!p0 $0x0  }
0x69: {  	s8 =	simm.s32 @!p0 $0x280;
	[sflag:s6] =	ssyncadd.s32 @!p0 $0xFFFFC000;
	s6 =	simm.s32 @!p1 $0x9  }
0x6a: {  	[spmem:s2] =	stream.indirect.scatter.add.f32 @!p0 [tilespmem:s7], [sflag:$0x9], $0x80, s8, s1, $0xb8;
	[tilespmem:$0x1FF00] =	vst v63  }
0x6b: {  	s9 =	simm.s32 @!p1 $0x0;
	_ =	swait.ge @!p1 [sflag:s6], $0x4000  }
0x6c: {  	s1 =	sadd.s32 @!p1 $0x0, s17;
	s8 =	sadd.s32 @!p1 $0x0, s16;
	[sflag:s6] =	ssyncset.done @!p1 $0x0  }
0x6d: {  	s7 =	simm.s32 @!p1 $0x100;
	s1 =	sadd.s32 @!p1 $0xA00, s1;
	[sflag:s6] =	ssyncadd.s32 @!p1 $0xFFFFC000  }
0x6e: {  	[tilespmem:s7], [sflag:$0x3] =	stream.linear.gather @!p1 [hbm4b:s1+s9], $0x80, $0x38;
	[tilespmem:$0x1FF00] =	vst v63  }
0x6f: {  	s6 =	simm.s32 @!p1 $0x280;
	s1 =	sadd.s32 @!p1 $0xA00, s8;
	s8 =	simm.s32 @!p1 $0x3  }
0x70: {  	[tilespmem:s6], [sflag:$0x3] =	stream.linear.gather @!p1 [hbm4b:s1+s9], $0x80, $0x38;
	[tilespmem:$0x1FF00] =	vst v63  }
0x71: {  	_ =	swait.ge @!p1 [sflag:s8], $0x80  }
0x72: {  	[sflag:s8] =	ssyncset.done @!p1 $0x0  }
0x73: {  	s29 =	simm.s32 $0xC00;
	s11 =	simm.s32 @!p1 $0x80;
	[sflag:s8] =	ssyncadd.s32 @!p1 $0xFFFFFF80  }
0x74: {  	s26 =	simm.s32 $0x600;
	s10 =	simm.s32 @!p1 $0x8300;
	_ =	swait.ge @!p1 [sflag:s8], $0x80  }
0x75: {  	s1 =	simm.s32 $0x0;
	s9 =	rddreg [dreg:$0x4];
	[sflag:s8] =	ssyncset.done @!p1 $0x0  }
.LBB2_2:
0x76: {  	[sflag:s8] =	ssyncadd.s32 @!p1 $0xFFFFFF80;
	s1 =	sadd.s32 $0x60, s1  }
0x77: {  	[tilespmem:s10], [sflag:$0x6] =	stream.indirect.gather @!p1 [hbm4b:s4+s11], $0x80, s7, s11, $0xb8;
	[tilespmem:$0x1FF00] =	vst v63  }
0x78: {  	p2 =	sge.u32 s1, s9  }
0x79: {  	s9 =	sadd.s32 s1, s5;
	s7 =	simm.s32 @!p2 $0x4  }
0x7a: {  	s8 =	simm.s32 @!p2 $0x180;
	s13 =	sadd.s32 $0x60, s9;
	_ =	swait.ge @!p2 [sflag:s7], $0x4000  }
0x7b: {  	s10 =	simm.s32 @!p2 $0x300;
	p1 =	sgt.u32 s13, $0x9C3;
	[sflag:s7] =	ssyncset.done @!p2 $0x0  }
0x7c: {  	s12 =	simm.s32 @!p2 $0x80;
	[sflag:s7] =	ssyncadd.s32 @!p2 $0xFFFFC000;
	s7 =	simm.s32 @!p1 $0x7  }
0x7d: {  	[spmem:s2] =	stream.indirect.scatter.add.f32 @!p2 [tilespmem:s10], [sflag:$0x7], $0x80, s8, s12, $0xb8;
	[tilespmem:$0x1FF00] =	vst v63  }
0x7e: {  	s11 =	sadd.s32 @!p1 s26, s17;
	_ =	swait.ge @!p1 [sflag:s7], $0x4000  }
0x7f: {  	s8 =	sadd.s32 @!p1 $0x600, s11;
	[sflag:s7] =	ssyncset.done @!p1 $0x0  }
0x80: {  	s10 =	sadd.s32 @!p1 s26, s16;
	s11 =	simm.s32 @!p1 $0x0;
	[sflag:s7] =	ssyncadd.s32 @!p1 $0xFFFFC000  }
0x81: {  	[tilespmem:s11], [sflag:$0x1] =	stream.linear.gather @!p1 [hbm4b:s8+s11], $0x80, $0x38;
	[tilespmem:$0x1FF00] =	vst v63  }
0x82: {  	s12 =	simm.s32 @!p1 $0x180;
	s10 =	sadd.s32 @!p1 $0x600, s10;
	s8 =	simm.s32 @!p1 $0x1  }
0x83: {  	[tilespmem:s12], [sflag:$0x1] =	stream.linear.gather @!p1 [hbm4b:s10+s11], $0x80, $0x38;
	[tilespmem:$0x1FF00] =	vst v63  }
0x84: {  	_ =	swait.ge @!p1 [sflag:s8], $0x80  }
0x85: {  	[sflag:s8] =	ssyncset.done @!p1 $0x0  }
0x86: {  	[sflag:s8] =	ssyncadd.s32 @!p1 $0xFFFFFF80  }
0x87: {  	_ =	swait.ge @!p1 [sflag:s8], $0x80  }
0x88: {  	s10 =	simm.s32 @!p1 $0x300;
	[sflag:s8] =	ssyncset.done @!p1 $0x0;
	s12 =	rddreg [dreg:$0x5]  }
0x89: {  	[sflag:s8] =	ssyncadd.s32 @!p1 $0xFFFFFF80;
	s8 =	simm.s32 @!p1 $0x80;
	p2 =	sge.u32 s1, s12  }
0x8a: {  	[tilespmem:s10], [sflag:$0x4] =	stream.indirect.gather @!p1 [hbm4b:s4+s8], $0x80, s11, s8, $0xb8;
	[tilespmem:$0x1FF00] =	vst v63  }
0x8b: {  	s13 =	sadd.s32 $0x80, s9;
	s8 =	simm.s32 @!p2 $0x5  }
0x8c: {  	s7 =	sadd.s32 $0xA0, s9;
	s9 =	simm.s32 @!p2 $0x4300;
	_ =	swait.ge @!p2 [sflag:s8], $0x4000  }
0x8d: {  	p1 =	sgt.u32 s13, $0x9C3;
	s10 =	simm.s32 @!p2 $0x80;
	[sflag:s8] =	ssyncset.done @!p2 $0x0  }
0x8e: {  	s11 =	simm.s32 @!p2 $0x200;
	[sflag:s8] =	ssyncadd.s32 @!p2 $0xFFFFC000;
	s8 =	simm.s32 @!p1 $0x8  }
0x8f: {  	[spmem:s2] =	stream.indirect.scatter.add.f32 @!p2 [tilespmem:s9], [sflag:$0x8], $0x80, s11, s10, $0xb8;
	[tilespmem:$0x1FF00] =	vst v63  }
0x90: {  	s12 =	sadd.s32 @!p1 s26, s17;
	_ =	swait.ge @!p1 [sflag:s8], $0x4000  }
0x91: {  	s9 =	sadd.s32 @!p1 $0x800, s12;
	s10 =	sadd.s32 @!p1 s26, s16;
	[sflag:s8] =	ssyncset.done @!p1 $0x0  }
0x92: {  	s11 =	simm.s32 @!p1 $0x0;
	s12 =	simm.s32 @!p1 $0x80;
	[sflag:s8] =	ssyncadd.s32 @!p1 $0xFFFFC000  }
0x93: {  	[tilespmem:s12], [sflag:$0x2] =	stream.linear.gather @!p1 [hbm4b:s9+s11], $0x80, $0x38;
	[tilespmem:$0x1FF00] =	vst v63  }
0x94: {  	s8 =	sadd.s32 @!p1 $0x800, s10;
	s10 =	simm.s32 @!p1 $0x200;
	s9 =	simm.s32 @!p1 $0x2  }
0x95: {  	[tilespmem:s10], [sflag:$0x2] =	stream.linear.gather @!p1 [hbm4b:s8+s11], $0x80, $0x38;
	[tilespmem:$0x1FF00] =	vst v63  }
0x96: {  	_ =	swait.ge @!p1 [sflag:s9], $0x80  }
0x97: {  	[sflag:s9] =	ssyncset.done @!p1 $0x0  }
0x98: {  	[sflag:s9] =	ssyncadd.s32 @!p1 $0xFFFFFF80  }
0x99: {  	_ =	swait.ge @!p1 [sflag:s9], $0x80  }
0x9a: {  	[sflag:s9] =	ssyncset.done @!p1 $0x0;
	s13 =	rddreg [dreg:$0x6]  }
0x9b: {  	[sflag:s9] =	ssyncadd.s32 @!p1 $0xFFFFFF80;
	s9 =	simm.s32 @!p1 $0x4300;
	p2 =	sge.u32 s1, s13  }
0x9c: {  	[tilespmem:s9], [sflag:$0x5] =	stream.indirect.gather @!p1 [hbm4b:s4+s12], $0x80, s12, s12, $0xb8;
	[tilespmem:$0x1FF00] =	vst v63  }
0x9d: {  	s6 =	smov.u32 s29;
	s8 =	simm.s32 @!p2 $0x6  }
0x9e: {  	s29 =	sadd.s32 $0x600, s29;
	s9 =	simm.s32 @!p2 $0x8300;
	_ =	swait.ge @!p2 [sflag:s8], $0x4000  }
0x9f: {  	p1 =	sgt.u32 s7, $0x9C3;
	s7 =	simm.s32 @!p2 $0x80;
	[sflag:s8] =	ssyncset.done @!p2 $0x0  }
0xa0: {  	s10 =	simm.s32 @!p2 $0x280;
	[sflag:s8] =	ssyncadd.s32 @!p2 $0xFFFFC000;
	s8 =	simm.s32 @!p1 $0x9  }
0xa1: {  	[spmem:s2] =	stream.indirect.scatter.add.f32 @!p2 [tilespmem:s9], [sflag:$0x9], $0x80, s10, s7, $0xb8;
	[tilespmem:$0x1FF00] =	vst v63  }
0xa2: {  	p0 =	sne.s32 s29, $0xA200;
	s11 =	sadd.s32 @!p1 s26, s17;
	_ =	swait.ge @!p1 [sflag:s8], $0x4000  }
0xa3: {  	s9 =	sadd.s32 @!p1 $0xA00, s11;
	s10 =	sadd.s32 @!p1 s26, s16;
	[sflag:s8] =	ssyncset.done @!p1 $0x0  }
0xa4: {  	s11 =	simm.s32 @!p1 $0x0;
	s7 =	simm.s32 @!p1 $0x100;
	[sflag:s8] =	ssyncadd.s32 @!p1 $0xFFFFC000  }
0xa5: {  	[tilespmem:s7], [sflag:$0x3] =	stream.linear.gather @!p1 [hbm4b:s9+s11], $0x80, $0x38;
	[tilespmem:$0x1FF00] =	vst v63  }
0xa6: {  	s12 =	simm.s32 @!p1 $0x280;
	s10 =	sadd.s32 @!p1 $0xA00, s10;
	s8 =	simm.s32 @!p1 $0x3  }
0xa7: {  	[tilespmem:s12], [sflag:$0x3] =	stream.linear.gather @!p1 [hbm4b:s10+s11], $0x80, $0x38;
	[tilespmem:$0x1FF00] =	vst v63  }
.Ltmp0:
0xa8: {  	_ =	swait.ge @!p1 [sflag:s8], $0x80;
	(pc) =	sbr.rel @p0 .LBB2_2-.Ltmp0, $4  }
0xa9: {  	[sflag:s8] =	ssyncset.done @!p1 $0x0  }
0xaa: {  	[sflag:s8] =	ssyncadd.s32 @!p1 $0xFFFFFF80  }
0xab: {  	s26 =	smov.u32 s6;
	s10 =	simm.s32 @!p1 $0x8300;
	_ =	swait.ge @!p1 [sflag:s8], $0x80  }
0xac: {  	s11 =	simm.s32 @!p1 $0x80;
	s9 =	rddreg [dreg:$0x4];
	[sflag:s8] =	ssyncset.done @!p1 $0x0  }
0xad: {  	[sflag:s8] =	ssyncadd.s32 @!p1 $0xFFFFFF80;
	s1 =	sadd.s32 $0x60, s1  }
0xae: {  	[tilespmem:s10], [sflag:$0x6] =	stream.indirect.gather @!p1 [hbm4b:s4+s11], $0x80, s7, s11, $0xb8;
	[tilespmem:$0x1FF00] =	vst v63  }
0xaf: {  	p1 =	sge.u32 s1, s9  }
0xb0: {  	s6 =	sadd.s32 s1, s5;
	s7 =	simm.s32 @!p1 $0x4  }
0xb1: {  	s8 =	simm.s32 @!p1 $0x180;
	s11 =	sadd.s32 $0x60, s6;
	_ =	swait.ge @!p1 [sflag:s7], $0x4000  }
0xb2: {  	s10 =	simm.s32 @!p1 $0x300;
	p0 =	sgt.u32 s11, $0x9C3;
	[sflag:s7] =	ssyncset.done @!p1 $0x0  }
0xb3: {  	s9 =	simm.s32 @!p1 $0x80;
	[sflag:s7] =	ssyncadd.s32 @!p1 $0xFFFFC000;
	s7 =	simm.s32 @!p0 $0x7  }
0xb4: {  	[spmem:s2] =	stream.indirect.scatter.add.f32 @!p1 [tilespmem:s10], [sflag:$0x7], $0x80, s8, s9, $0xb8;
	[tilespmem:$0x1FF00] =	vst v63  }
0xb5: {  	_ =	swait.ge @!p0 [sflag:s7], $0x4000  }
0xb6: {  	s8 =	sadd.s32 @!p0 s26, s17;
	s9 =	sadd.s32 @!p0 s26, s16;
	[sflag:s7] =	ssyncset.done @!p0 $0x0  }
0xb7: {  	s10 =	simm.s32 @!p0 $0x0;
	s8 =	sadd.s32 @!p0 $0x600, s8;
	[sflag:s7] =	ssyncadd.s32 @!p0 $0xFFFFC000  }
0xb8: {  	[tilespmem:s10], [sflag:$0x1] =	stream.linear.gather @!p0 [hbm4b:s8+s10], $0x80, $0x38;
	[tilespmem:$0x1FF00] =	vst v63  }
0xb9: {  	s7 =	sadd.s32 @!p0 $0x600, s9;
	s9 =	simm.s32 @!p0 $0x1;
	s8 =	simm.s32 @!p0 $0x180  }
0xba: {  	[tilespmem:s8], [sflag:$0x1] =	stream.linear.gather @!p0 [hbm4b:s7+s10], $0x80, $0x38;
	[tilespmem:$0x1FF00] =	vst v63  }
0xbb: {  	_ =	swait.ge @!p0 [sflag:s9], $0x80  }
0xbc: {  	[sflag:s9] =	ssyncset.done @!p0 $0x0  }
0xbd: {  	[sflag:s9] =	ssyncadd.s32 @!p0 $0xFFFFFF80  }
0xbe: {  	_ =	swait.ge @!p0 [sflag:s9], $0x80  }
0xbf: {  	s8 =	simm.s32 @!p0 $0x80;
	[sflag:s9] =	ssyncset.done @!p0 $0x0;
	s12 =	rddreg [dreg:$0x5]  }
0xc0: {  	[sflag:s9] =	ssyncadd.s32 @!p0 $0xFFFFFF80;
	s9 =	simm.s32 @!p0 $0x300;
	p1 =	sge.u32 s1, s12  }
0xc1: {  	[tilespmem:s9], [sflag:$0x4] =	stream.indirect.gather @!p0 [hbm4b:s4+s8], $0x80, s10, s8, $0xb8;
	[tilespmem:$0x1FF00] =	vst v63  }
0xc2: {  	s7 =	simm.s32 @!p1 $0x5  }
0xc3: {  	s13 =	sadd.s32 $0x80, s6;
	s9 =	simm.s32 @!p1 $0x4300;
	_ =	swait.ge @!p1 [sflag:s7], $0x4000  }
0xc4: {  	p0 =	sgt.u32 s13, $0x9C3;
	s8 =	simm.s32 @!p1 $0x80;
	[sflag:s7] =	ssyncset.done @!p1 $0x0  }
0xc5: {  	s10 =	simm.s32 @!p1 $0x200;
	[sflag:s7] =	ssyncadd.s32 @!p1 $0xFFFFC000;
	s7 =	simm.s32 @!p0 $0x8  }
0xc6: {  	[spmem:s2] =	stream.indirect.scatter.add.f32 @!p1 [tilespmem:s9], [sflag:$0x8], $0x80, s10, s8, $0xb8;
	[tilespmem:$0x1FF00] =	vst v63  }
0xc7: {  	s11 =	simm.s32 @!p0 $0x80;
	_ =	swait.ge @!p0 [sflag:s7], $0x4000  }
0xc8: {  	s8 =	sadd.s32 @!p0 s26, s17;
	s9 =	sadd.s32 @!p0 s26, s16;
	[sflag:s7] =	ssyncset.done @!p0 $0x0  }
0xc9: {  	s10 =	simm.s32 @!p0 $0x0;
	s8 =	sadd.s32 @!p0 $0x800, s8;
	[sflag:s7] =	ssyncadd.s32 @!p0 $0xFFFFC000  }
0xca: {  	[tilespmem:s11], [sflag:$0x2] =	stream.linear.gather @!p0 [hbm4b:s8+s10], $0x80, $0x38;
	[tilespmem:$0x1FF00] =	vst v63  }
0xcb: {  	s7 =	sadd.s32 @!p0 $0x800, s9;
	s9 =	simm.s32 @!p0 $0x2;
	s8 =	simm.s32 @!p0 $0x200  }
0xcc: {  	[tilespmem:s8], [sflag:$0x2] =	stream.linear.gather @!p0 [hbm4b:s7+s10], $0x80, $0x38;
	[tilespmem:$0x1FF00] =	vst v63  }
0xcd: {  	_ =	swait.ge @!p0 [sflag:s9], $0x80  }
0xce: {  	[sflag:s9] =	ssyncset.done @!p0 $0x0  }
0xcf: {  	[sflag:s9] =	ssyncadd.s32 @!p0 $0xFFFFFF80  }
0xd0: {  	_ =	swait.ge @!p0 [sflag:s9], $0x80  }
0xd1: {  	[sflag:s9] =	ssyncset.done @!p0 $0x0;
	s29 =	rddreg [dreg:$0x6]  }
0xd2: {  	s8 =	simm.s32 @!p0 $0x4300;
	[sflag:s9] =	ssyncadd.s32 @!p0 $0xFFFFFF80;
	p1 =	sge.u32 s1, s29  }
0xd3: {  	[tilespmem:s8], [sflag:$0x5] =	stream.indirect.gather @!p0 [hbm4b:s4+s11], $0x80, s11, s11, $0xb8;
	[tilespmem:$0x1FF00] =	vst v63  }
0xd4: {  	s1 =	simm.s32 @!p1 $0x6  }
0xd5: {  	s6 =	sadd.s32 $0xA0, s6;
	s7 =	simm.s32 @!p1 $0x8300;
	_ =	swait.ge @!p1 [sflag:s1], $0x4000  }
0xd6: {  	p0 =	sgt.u32 s6, $0x9C3;
	s6 =	simm.s32 @!p1 $0x80;
	[sflag:s1] =	ssyncset.done @!p1 $0x0  }
0xd7: {  	s8 =	simm.s32 @!p1 $0x280;
	[sflag:s1] =	ssyncadd.s32 @!p1 $0xFFFFC000;
	s1 =	simm.s32 @!p0 $0x9  }
0xd8: {  	[spmem:s2] =	stream.indirect.scatter.add.f32 @!p1 [tilespmem:s7], [sflag:$0x9], $0x80, s8, s6, $0xb8;
	[tilespmem:$0x1FF00] =	vst v63  }
0xd9: {  	s9 =	simm.s32 @!p0 $0x100;
	_ =	swait.ge @!p0 [sflag:s1], $0x4000  }
0xda: {  	s6 =	sadd.s32 @!p0 s26, s17;
	s7 =	sadd.s32 @!p0 s26, s16;
	[sflag:s1] =	ssyncset.done @!p0 $0x0  }
0xdb: {  	s8 =	simm.s32 @!p0 $0x0;
	s6 =	sadd.s32 @!p0 $0xA00, s6;
	[sflag:s1] =	ssyncadd.s32 @!p0 $0xFFFFC000  }
0xdc: {  	[tilespmem:s9], [sflag:$0x3] =	stream.linear.gather @!p0 [hbm4b:s6+s8], $0x80, $0x38;
	[tilespmem:$0x1FF00] =	vst v63  }
0xdd: {  	s1 =	sadd.s32 @!p0 $0xA00, s7;
	s7 =	simm.s32 @!p0 $0x3;
	s6 =	simm.s32 @!p0 $0x280  }
0xde: {  	[tilespmem:s6], [sflag:$0x3] =	stream.linear.gather @!p0 [hbm4b:s1+s8], $0x80, $0x38;
	[tilespmem:$0x1FF00] =	vst v63  }
0xdf: {  	_ =	swait.ge @!p0 [sflag:s7], $0x80  }
0xe0: {  	[sflag:s7] =	ssyncset.done @!p0 $0x0  }
0xe1: {  	[sflag:s7] =	ssyncadd.s32 @!p0 $0xFFFFFF80  }
0xe2: {  	_ =	swait.ge @!p0 [sflag:s7], $0x80  }
0xe3: {  	[sflag:s7] =	ssyncset.done @!p0 $0x0  }
0xe4: {  	s1 =	simm.s32 @!p0 $0x8300;
	s6 =	simm.s32 @!p0 $0x80;
	[sflag:s7] =	ssyncadd.s32 @!p0 $0xFFFFFF80  }
0xe5: {  	[tilespmem:s1], [sflag:$0x6] =	stream.indirect.gather @!p0 [hbm4b:s4+s6], $0x80, s9, s6, $0xb8;
	[tilespmem:$0x1FF00] =	vst v63  }
0xe6: {  	_ =	swait.ge [sflag:s31], $0x4000  }
0xe7: {  	[sflag:s31] =	ssyncset.done $0x0  }
0xe8: {  	[sflag:s31] =	ssyncadd.s32 $0xFFFFC000  }
0xe9: {  	_ =	swait.ge [sflag:s0], $0x4000  }
0xea: {  	[sflag:s0] =	ssyncset.done $0x0  }
0xeb: {  	[sflag:s0] =	ssyncadd.s32 $0xFFFFC000  }
0xec: {  	_ =	swait.ge [sflag:s18], $0x4000  }
0xed: {  	s20 =	sadd.s32 $0x1, s20;
	[sflag:s18] =	ssyncset.done $0x0  }
0xee: {  	p0 =	sne.s32 s20, s15;
	[sflag:s18] =	ssyncadd.s32 $0xFFFFC000  }
.Ltmp1:
0xef: {  	[bflag:$0x0] =	sbarrier.arrive $0xFFFF;
	(pc) =	sbr.rel @p0 .LBB2_1-.Ltmp1, $4  }
0xf0: {  	[hbm:s14], [sflag:s22] =	dma.local [spmem:s24], $0x2780  }
0xf1: {  	_ =	swait.ge [sflag:s30], $0x2780  }
0xf2: {  	[sflag:s30] =	ssyncset.done $0x0  }
0xf3: {  	[sflag:s30] =	ssyncadd.s32 $0xFFFFD880  }
0xf4: {  	_ =	sfence.sel $0x180000  }
0xf5: {  	[bflag:$0x0] =	sbarrier.arrive $0xFFFF  }
0xf6: {  	_ =	strace $0x9000004A  }
0xf7: {  	s0 =	stileid.u32;
	[bflag:$0x2] =	sbarrier.arrive $0xFFFF  }
0xf8: {  	p0 =	sne.s32 s0, $0x0;
	s0 =	rddreg [dreg:$0x3]  }
0xf9: {  	s0 =	sadd.s32 @!p0 $0x100000, s0  }
0xfa: {  	[sflag:s0] =	ssyncadd.tile.s32 @!p0 $0x1;
	_ =	shalt  }
.Lfunc_end2:
_tile_overlayer_lowered:
.L_overlay_start_2:
0xfb: {  	(tag) =	ssettag $0x2  }
0xfc: {  	s0 =	rddreg [dreg:$0x0];
	s2 =	stileid.u32  }
0xfd: {  	s1 =	rddreg [dreg:$0x1];
	p0 =	sne.s32 s2, $0x0  }
0xfe: {  	s3 =	rddreg [dreg:$0x2];
	[bflag:$0x3] =	sbarrier.arrive $0xFFFF;
	s2 =	simm.s32 @!p0 $0x1C0A  }
0xff: {  	[timem:s3], [sflag:s2] =	dma.local @!p0 [hbm:s0], s1  }
0x100: {  	s0 =	simm.s32 @!p0 $0xA  }
0x101: {  	_ =	swait.ge @!p0 [sflag:s0], s1  }
0x102: {  	s1 =	ssub.s32 @!p0 $0x0, s1;
	[sflag:s0] =	ssyncset.done @!p0 $0x0  }
0x103: {  	[sflag:s0] =	ssyncadd.s32 @!p0 s1  }
0x104: {  	[bflag:$0x3] =	sbarrier.arrive $0xFFFF  }
0x105: {  	_ =	shalt  }

// kernel: kernel.14.cloned.1.call-start
scs
__scs_entry_jumppad:
0x0: {  	(pc) =	sbr.rel $0x88, $3  }
0x1: {  	(tag) =	ssettag $0x0;
	lr =	simm.s32 $0x1  }
0x2: {  	[smem:$0x3F9B] =	sst lr;
	_ =	strace $0xD0000000  }
0x3: {  	_ = 	snop  }
0x4: {  	_ = 	snop  }
0x5: {  	_ = 	snop  }
0x6: {  	_ = 	snop  }
0x7: {  	_ = 	snop  }
__scs_overlays_trampoline_lowered:
0x8: {  	[smem:$0x3FAA] =	sst s0  }
0x9: {  	[smem:$0x3FAB] =	sst s1  }
0xa: {  	[smem:$0x3FAC] =	sst s2  }
0xb: {  	[smem:$0x3FAD] =	sst s3  }
0xc: {  	[smem:$0x3FAE] =	sst s4  }
0xd: {  	[smem:$0x3FAF] =	sst s5  }
0xe: {  	[smem:$0x3FB0] =	sst s6  }
0xf: {  	[smem:$0x3FB1] =	sst s7  }
0x10: {  	[smem:$0x3FB2] =	sst s8  }
0x11: {  	[smem:$0x3FB3] =	sst s9;
	s0 =	simm.s32 @!p0 $0x0  }
0x12: {  	s1 =	sld [smem:$0x3F99];
	s0 =	simm.s32 @p0 $0x1  }
0x13: {  	[smem:$0x3FB4] =	sst s0;
	s0 =	simm.s32 @!p1 $0x0  }
0x14: {  	s2 =	sld [smem:$0x3F98];
	s0 =	simm.s32 @p1 $0x1  }
0x15: {  	[smem:$0x3FB5] =	sst s0;
	s0 =	simm.s32 @!p2 $0x0  }
0x16: {  	s3 =	sld [smem:$0x3FDB];
	s0 =	simm.s32 @p2 $0x1  }
0x17: {  	s4 =	simm.s32 $0x1BF5;
	[smem:$0x3FB7] =	sst s0  }
0x18: {  	s0 =	sld [smem:$0x3F9A];
	_ =	swait.ge [sflag:s4], $0x0  }
0x19: {  	s7 =	sld [smem:$0x3F9B]  }
0x1a: {  	s8 =	sadd.s32 $0xFFFFE003, lr  }
0x1b: {  	s9 =	sadd.s32 $0xFFFFFEF7, lr;
	s5 =	simm.s32 $0xFFFFFFFF;
	p2 =	slt.u32 s8, $0xFFFFF086  }
0x1c: {  	p1 =	slt.u32 s9, $0xF7A;
	s5 =	simm.s32 @!p2 $0x0  }
0x1d: {  	s5 =	simm.s32 @p1 $0x1;
	p0 =	seq.s32 s7, s2  }
0x1e: {  	s7 =	smul.u32 @!p0 $0xF7A, s2;
	p2 =	seq.s32 @!p0 s5, $0x0  }
0x1f: {  	s9 =	smul.u32 $0xF7A, s1;
	s8 =	simm.s32 @!p0 $0x1BF5;
	p2 =	por !p2, p0  }
0x20: {  	[sflag:s8] =	ssyncset.s32 @!p0 $0xFFFFF086;
	s6 =	sadd.s32 @!p0 s3, s7;
	s7 =	simm.s32 @!p0 $0x108  }
0x21: {  	s3 =	sadd.s32 s3, s9;
	s6 =	sadd.s32 @!p0 $0x88, s6;
	s7 =	simm.s32 @p2 $0x1082  }
0x22: {  	[simem:s7], [sflag:s8] =	dma.local @!p0 [hbm:s6], $0xF7A  }
0x23: {  	s9 =	sor.u32 $0xD0000000, s2;
	s6 =	simm.s32 $0x108;
	_ =	swait.ge @!p0 [sflag:s8], $0x0  }
0x24: {  	s3 =	sadd.s32 $0x88, s3;
	s6 =	simm.s32 @!p1 $0x1082;
	[sflag:s4] =	ssyncset.s32 $0xFFFFF086  }
0x25: {  	[simem:s6], [sflag:s4] =	dma.local [hbm:s3], $0xF7A  }
0x26: {  	[smem:$0x3F9B] =	sst s1;
	(tag) =	ssettag s2;
	_ =	strace s9  }
0x27: {  	s1 =	sld [smem:$0x3FAB]  }
0x28: {  	s2 =	sld [smem:$0x3FAC]  }
0x29: {  	s4 =	sld [smem:$0x3FAE]  }
0x2a: {  	p0 =	seq.s32 s5, $0x0;
	s5 =	sld [smem:$0x3FAF]  }
0x2b: {  	s6 =	sld [smem:$0x3FB0]  }
0x2c: {  	s7 =	sld [smem:$0x3FB1]  }
0x2d: {  	s3 =	simm.s32 $0x108;
	s8 =	sld [smem:$0x3FB2]  }
0x2e: {  	s3 =	simm.s32 @!p0 $0x1082;
	s9 =	sld [smem:$0x3FB3]  }
0x2f: {  	lr =	sadd.s32 s0, s3;
	s0 =	sld [smem:$0x3FAA]  }
0x30: {  	s3 =	sld [smem:$0x3FAD]  }
0x31: {  	[smem:$0x3FB6] =	sst s10  }
0x32: {  	s10 =	sld [smem:$0x3FB4];
	_ =	sdelay $0x3  }
0x33: {  	p0 =	seq.s32 s10, $0x1;
	s10 =	sld [smem:$0x3FB6];
	_ =	sdelay $0x3  }
0x34: {  	[smem:$0x3FB6] =	sst s10  }
0x35: {  	s10 =	sld [smem:$0x3FB5];
	_ =	sdelay $0x3  }
0x36: {  	p1 =	seq.s32 s10, $0x1;
	s10 =	sld [smem:$0x3FB6];
	_ =	sdelay $0x3  }
0x37: {  	[smem:$0x3FB6] =	sst s10  }
0x38: {  	s10 =	sld [smem:$0x3FB7]  }
0x39: {  	_ = 	snop;
	(pc) =	sbr.ind lr, $3  }
0x3a: {  	_ = 	snop  }
0x3b: {  	_ = 	snop  }
0x3c: {  	p2 =	seq.s32 s10, $0x1;
	s10 =	sld [smem:$0x3FB6]  }
0x3d: {  	_ =	shalt  }
0x3e: {  	_ =	shalt  }
0x3f: {  	_ =	shalt  }
0x40: {  	_ =	shalt  }
0x41: {  	_ =	shalt  }
0x42: {  	_ =	shalt  }
0x43: {  	_ =	shalt  }
0x44: {  	_ =	shalt  }
0x45: {  	_ =	shalt  }
0x46: {  	_ =	shalt  }
0x47: {  	_ =	shalt  }
0x48: {  	_ =	shalt  }
0x49: {  	_ =	shalt  }
0x4a: {  	_ =	shalt  }
0x4b: {  	_ =	shalt  }
0x4c: {  	_ =	shalt  }
0x4d: {  	_ =	shalt  }
0x4e: {  	_ =	shalt  }
0x4f: {  	_ =	shalt  }
0x50: {  	_ =	shalt  }
0x51: {  	_ =	shalt  }
0x52: {  	_ =	shalt  }
0x53: {  	_ =	shalt  }
0x54: {  	_ =	shalt  }
0x55: {  	_ =	shalt  }
0x56: {  	_ =	shalt  }
0x57: {  	_ =	shalt  }
0x58: {  	_ =	shalt  }
0x59: {  	_ =	shalt  }
0x5a: {  	_ =	shalt  }
0x5b: {  	_ =	shalt  }
0x5c: {  	_ =	shalt  }
0x5d: {  	_ =	shalt  }
0x5e: {  	_ =	shalt  }
0x5f: {  	_ =	shalt  }
0x60: {  	_ =	shalt  }
0x61: {  	_ =	shalt  }
0x62: {  	_ =	shalt  }
0x63: {  	_ =	shalt  }
0x64: {  	_ =	shalt  }
0x65: {  	_ =	shalt  }
0x66: {  	_ =	shalt  }
0x67: {  	_ =	shalt  }
0x68: {  	_ =	shalt  }
0x69: {  	_ =	shalt  }
0x6a: {  	_ =	shalt  }
0x6b: {  	_ =	shalt  }
0x6c: {  	_ =	shalt  }
0x6d: {  	_ =	shalt  }
0x6e: {  	_ =	shalt  }
0x6f: {  	_ =	shalt  }
0x70: {  	_ =	shalt  }
0x71: {  	_ =	shalt  }
0x72: {  	_ =	shalt  }
0x73: {  	_ =	shalt  }
0x74: {  	_ =	shalt  }
0x75: {  	_ =	shalt  }
0x76: {  	_ =	shalt  }
0x77: {  	_ =	shalt  }
0x78: {  	_ =	shalt  }
0x79: {  	_ =	shalt  }
0x7a: {  	_ =	shalt  }
0x7b: {  	_ =	shalt  }
0x7c: {  	_ =	shalt  }
0x7d: {  	_ =	shalt  }
0x7e: {  	_ =	shalt  }
0x7f: {  	_ =	shalt  }
0x80: {  	_ =	shalt  }
0x81: {  	_ =	shalt  }
0x82: {  	_ =	shalt  }
0x83: {  	_ =	shalt  }
0x84: {  	_ =	shalt  }
0x85: {  	_ =	shalt  }
0x86: {  	_ =	shalt  }
0x87: {  	_ =	shalt  }
.Lfunc_end0:
.L_simem_size_0:
called_computation.2_lowered:
.L_overlay_start_0:
0x88: {  	s2 =	sld [smem:$0x3FD9]  }
0x89: {  	s3 =	sld [smem:$0x3FFE];
	_ =	sdelay $0x1  }
0x8a: {  	s1 =	srdreg.scid  }
0x8b: {  	s0 =	sand.u32 $0x1, s1  }
0x8c: {  	s17 =	sshll.u32 s0, $0xA;
	s2 =	sadd.s32 s3, s2  }
0x8d: {  	s2 =	sadd.s32 s2, s17  }
0x8e: {  	[smem:$0x3FC2] =	sst s2  }
0x8f: {  	_ = 	snop  }
0x90: {  	s2 =	sld [smem:$0x3FD0];
	(tm) =	ssettm $0x1  }
0x91: {  	s18 =	sld [smem:$0x3FFB];
	_ =	sdelay $0x3  }
0x92: {  	_ =	strace s18  }
0x93: {  	s3 =	sld [smem:$0x3FFC];
	_ =	sdelay $0x3  }
0x94: {  	_ =	strace s3  }
0x95: {  	s3 =	sld [smem:$0x3FFD];
	_ =	sdelay $0x3  }
0x96: {  	_ =	strace s3  }
0x97: {  	_ =	strace $0x8FFFFFFF  }
0x98: {  	s19 =	sld [smem:$0x3FDB];
	_ =	sdelay $0x1  }
0x99: {  	s4 =	simm.s32 $_scs_section_size  }
0x9a: {  	s5 =	simm.s32 $_size__tile_overlayer_lowered;
	s6 =	simm.s32 $_tile_overlayer_lowered  }
0x9b: {  	s22 =	simm.s32 $0x1BFF;
	s21 =	sshll.u32 s6, $0x1;
	s3 =	sadd.s32 s4, s19  }
0x9c: {  	s7 =	simm.s32 $0x0;
	s20 =	sshll.u32 s5, $0x1;
	s5 =	sadd.s32 s21, s3  }
0x9d: {  	[timem:s7], [sflag:s22] =	dma.local [hbm:s5], s20  }
0x9e: {  	_ =	swait.ge [sflag:s22], s20  }
0x9f: {  	s4 =	ssub.s32 $0x0, s20;
	[sflag:s22] =	ssyncset.done $0x0  }
0xa0: {  	[sflag:s22] =	ssyncadd.s32 s4;
	_ =	sdelay $0x1  }
0xa1: {  	s23 =	simm.s32 $0x1B8B  }
0xa2: {  	_ =	swait.ge [sflag:s23], $0x1  }
0xa3: {  	[sflag:s23] =	ssyncset.done $0x0  }
0xa4: {  	s25 =	simm.s32 $0x1B8E;
	s24 =	sld [smem:$0x3FFE];
	[sflag:s23] =	ssyncadd.s32 $0xFFFFFFFF  }
0xa5: {  	s26 =	simm.s32 $execute0_lowered;
	[smem:$0x3FD2] =	sst s25  }
0xa6: {  	s5 =	sshll.u32 s26, $0x1;
	_ =	strace $0x8000004C;
	[dreg:$0x1] =	wrdreg $0xFFFFFFFF  }
0xa7: {  	s28 =	simm.s32 $_size_execute0_lowered;
	s3 =	sadd.s32 s3, s5;
	[dreg:$0x0] =	wrdreg $0x0  }
0xa8: {  	s5 =	sshll.u32 s28, $0x1;
	[dreg:$0x2] =	wrdreg s3  }
0xa9: {  	[dreg:$0x3] =	wrdreg s5  }
0xaa: {  	[dreg:$0x4] =	wrdreg $0xC0  }
0xab: {  	_ =	task [dreg:s7], $0x5FFFF  }
0xac: {  	[dreg:$0x1] =	wrdreg $0xFFFFFFFF  }
0xad: {  	[dreg:$0x0] =	wrdreg $0x60  }
0xae: {  	[dreg:$0x2] =	wrdreg s24  }
0xaf: {  	[dreg:$0x3] =	wrdreg s2  }
0xb0: {  	[dreg:$0x4] =	wrdreg $0xC3000  }
0xb1: {  	[dreg:$0x5] =	wrdreg $0x9  }
0xb2: {  	_ =	task.clear_ibuf [dreg:s7], $0x6FFFF;
	_ =	strace $0x9000004C  }
0xb3: {  	s29 =	simm.s32 $0x9;
	_ =	strace $0x8000004E  }
0xb4: {  	_ =	swait.ge [sflag:s29], $0x1  }
0xb5: {  	[sflag:s29] =	ssyncadd.s32 $0xFFFFFFFF  }
0xb6: {  	_ =	strace $0x9000004E  }
0xb7: {  	_ =	sfence  }
0xb8: {  	s30 =	sld [smem:$0x0];
	_ =	sdelay $0x2  }
0xb9: {  	s31 =	sshll.u32 s1, $0xD;
	s1 =	sshrl.u32 s1, $0x2  }
0xba: {  	s3 =	sand.u32 $0x4000, s31;
	s1 =	sadd.s32 s1, s30  }
0xbb: {  	s0 =	sor.u32 s3, s0;
	s1 =	sshll.u32 s1, $0x11  }
0xbc: {  	s0 =	sor.u32 s1, s0  }
0xbd: {  	s0 =	sadd.s32 $0x8F2B, s0  }
0xbe: {  	[sflag:s0] =	ssyncadd.remote.s32 $0x1  }
0xbf: {  	_ =	sfence.sel $0xFFFF  }
0xc0: {  	[dreg:$0x0] =	wrdreg $0xFFFFFFFF;
	(pc) =	sbr.abs _section_cstart, $3  }
0xc1: {  	[dreg:$0x1] =	wrdreg $0xFFFFFFFF  }
0xc2: {  	_ =	task.clear_ibuf [dreg:s7], $0x2FFFF;
	_ =	strace $0x9FFFFFFF  }
0xc3: {  	(tm) =	ssettm $0x7FFFFFFF  }
tec
execute0_lowered:
.L_overlay_start_1:
0x0: {  	(tag) =	ssettag $0x1  }
0x1: {  	s0 =	rddreg [dreg:$0x0]  }
0x2: {  	s1 =	rddreg [dreg:$0x1]  }
0x3: {  	s2 =	rddreg [dreg:$0x2];
	s16 =	stileid.u32;
	s3 =	simm.s32 $0x0  }
0x4: {  	s4 =	srdreg.scid;
	s28 =	simm.s32 $0x3;
	s30 =	simm.s32 $0xA  }
0x5: {  	s31 =	simm.s32 $0x7;
	s5 =	smul.u32 $0x13C00, s16;
	[smem:$0x7FF] =	sst s3  }
0x6: {  	s6 =	sand.u32 $0x1, s4;
	s9 =	sadd.s32 $0x2200, s0;
	s4 =	sadd.s32 $0x83000, s0  }
0x7: {  	s10 =	sshll.u32 s16, $0x1;
	s23 =	smul.u32 $0x4F000, s16;
	s29 =	sshll.u32 s16, $0x5  }
0x8: {  	_ =	strace $0x8000004D;
	s8 =	smul.u32 $0x13C000, s6;
	s24 =	ssub.s32 $0x9C4, s10  }
0x9: {  	s17 =	ssub.s32 $0x2, s6;
	s25 =	ssub.s32 $0x9A4, s10;
	[dreg:$0x4] =	wrdreg s24  }
0xa: {  	s7 =	sshrl.u32 s5, $0x3;
	s12 =	sshrl.u32 s17, $0x1;
	[dreg:$0x5] =	wrdreg s25  }
0xb: {  	s25 =	simm.s32 $0x2;
	s7 =	sadd.s32 s7, s0;
	s5 =	sadd.s32 s5, s8  }
0xc: {  	s8 =	ssub.s32 s17, s12;
	s11 =	sshrl.u32 s5, $0x3;
	s5 =	sor.u32 s6, s10  }
0xd: {  	s10 =	ssub.s32 $0x984, s10;
	s7 =	sadd.s32 $0xC800, s7;
	s15 =	smax.u32 s8, $0x1  }
0xe: {  	s6 =	sshll.u32 s6, $0x4;
	s18 =	sshll.u32 s5, $0x4;
	[dreg:$0xe] =	wrdreg s7  }
0xf: {  	s0 =	sadd.s32 s11, s0;
	[dreg:$0x6] =	wrdreg s10;
	s19 =	sadd.s32 s9, s18  }
0x10: {  	s20 =	sadd.s32 s1, s18;
	s21 =	sor.u32 $0x200, s18;
	s11 =	sor.u32 $0x400, s18  }
0x11: {  	s14 =	sadd.s32 $0xAA800, s0;
	s0 =	sadd.s32 s29, s9;
	[dreg:$0x7] =	wrdreg s19  }
0x12: {  	s18 =	simm.s32 $0x9;
	[dreg:$0x8] =	wrdreg s20;
	s13 =	sadd.s32 s9, s21  }
0x13: {  	s12 =	sadd.s32 s1, s21;
	s22 =	sadd.s32 s9, s11;
	s11 =	sadd.s32 s1, s11  }
0x14: {  	s1 =	sadd.s32 s29, s1;
	s17 =	sadd.s32 s6, s0;
	[dreg:$0x9] =	wrdreg s13  }
0x15: {  	s19 =	simm.s32 $0x80;
	s21 =	simm.s32 $0x100;
	[dreg:$0xa] =	wrdreg s12  }
0x16: {  	s0 =	simm.s32 $0x8;
	[dreg:$0xb] =	wrdreg s22;
	s12 =	sshrl.u32 s23, $0x2  }
0x17: {  	s20 =	simm.s32 $0x0;
	[dreg:$0xc] =	wrdreg s11;
	s26 =	sadd.s32 s12, s2  }
0x18: {  	s16 =	sadd.s32 s6, s1;
	s23 =	simm.s32 $0x1;
	[dreg:$0xd] =	wrdreg s26  }
.LBB2_1:
0x19: {  	s1 =	rddreg [dreg:$0x7]  }
0x1a: {  	[tilespmem:s3], [sflag:$0x1] =	stream.linear.gather [hbm4b:s1+s3], $0x80, $0x38;
	[tilespmem:$0x1FF00] =	vst v63  }
0x1b: {  	s8 =	rddreg [dreg:$0x8];
	s6 =	simm.s32 $0x180  }
0x1c: {  	[tilespmem:s6], [sflag:$0x1] =	stream.linear.gather [hbm4b:s8+s3], $0x80, $0x38;
	[tilespmem:$0x1FF00] =	vst v63  }
0x1d: {  	s9 =	rddreg [dreg:$0x9]  }
0x1e: {  	[tilespmem:s19], [sflag:$0x2] =	stream.linear.gather [hbm4b:s9+s3], $0x80, $0x38;
	[tilespmem:$0x1FF00] =	vst v63  }
0x1f: {  	s10 =	rddreg [dreg:$0xa];
	s11 =	simm.s32 $0x200  }
0x20: {  	[tilespmem:s11], [sflag:$0x2] =	stream.linear.gather [hbm4b:s10+s3], $0x80, $0x38;
	[tilespmem:$0x1FF00] =	vst v63  }
0x21: {  	s12 =	rddreg [dreg:$0xb]  }
0x22: {  	[tilespmem:s21], [sflag:$0x3] =	stream.linear.gather [hbm4b:s12+s3], $0x80, $0x38;
	[tilespmem:$0x1FF00] =	vst v63  }
0x23: {  	s13 =	rddreg [dreg:$0xc];
	s22 =	simm.s32 $0x280  }
0x24: {  	[tilespmem:s22], [sflag:$0x3] =	stream.linear.gather [hbm4b:s13+s3], $0x80, $0x38;
	[tilespmem:$0x1FF00] =	vst v63  }
0x25: {  	_ =	swait.ge [sflag:s23], $0x80  }
0x26: {  	[sflag:s23] =	ssyncset.done $0x0  }
0x27: {  	[sflag:s23] =	ssyncadd.s32 $0xFFFFFF80  }
0x28: {  	_ =	swait.ge [sflag:s23], $0x80  }
0x29: {  	[sflag:s23] =	ssyncset.done $0x0  }
0x2a: {  	s24 =	simm.s32 $0x300;
	[sflag:s23] =	ssyncadd.s32 $0xFFFFFF80  }
0x2b: {  	[tilespmem:s24], [sflag:$0x4] =	stream.indirect.gather [hbm4b:s4+s19], $0x80, s3, s19, $0xb8;
	[tilespmem:$0x1FF00] =	vst v63  }
0x2c: {  	_ =	swait.ge [sflag:s25], $0x80  }
0x2d: {  	[sflag:s25] =	ssyncset.done $0x0  }
0x2e: {  	[sflag:s25] =	ssyncadd.s32 $0xFFFFFF80  }
0x2f: {  	_ =	swait.ge [sflag:s25], $0x80  }
0x30: {  	[sflag:s25] =	ssyncset.done $0x0  }
0x31: {  	s26 =	simm.s32 $0x4300;
	[sflag:s25] =	ssyncadd.s32 $0xFFFFFF80  }
0x32: {  	[tilespmem:s26], [sflag:$0x5] =	stream.indirect.gather [hbm4b:s4+s19], $0x80, s19, s19, $0xb8;
	[tilespmem:$0x1FF00] =	vst v63  }
0x33: {  	_ =	swait.ge [sflag:s28], $0x80  }
0x34: {  	[sflag:s28] =	ssyncset.done $0x0  }
0x35: {  	s7 =	stileid.u32;
	[sflag:s28] =	ssyncadd.s32 $0xFFFFFF80  }
0x36: {  	s1 =	sshll.u32 s7, $0x6;
	s6 =	simm.s32 $0x8300;
	_ =	swait.ge [sflag:s28], $0x80  }
0x37: {  	s22 =	sor.u32 $0x1C0A, s1;
	[sflag:s28] =	ssyncset.done $0x0;
	s8 =	rddreg [dreg:$0xd]  }
0x38: {  	s9 =	rddreg [dreg:$0xe];
	[sflag:s28] =	ssyncadd.s32 $0xFFFFFF80;
	s24 =	sshrl.u32 s8, $0x3  }
0x39: {  	[tilespmem:s6], [sflag:$0x6] =	stream.indirect.gather [hbm4b:s4+s19], $0x80, s21, s19, $0xb8;
	[tilespmem:$0x1FF00] =	vst v63  }
0x3a: {  	[spmem:s24], [sflag:s22] =	dma.local [hbm:s9], $0x2780  }
0x3b: {  	_ =	swait.ge [sflag:s30], $0x2780  }
0x3c: {  	[sflag:s30] =	ssyncset.done $0x0  }
0x3d: {  	[sflag:s30] =	ssyncadd.s32 $0xFFFFD880  }
0x3e: {  	[bflag:$0x0] =	sbarrier.arrive $0xFFFF  }
0x3f: {  	s10 =	rddreg [dreg:$0x4]  }
0x40: {  	s11 =	sadd.s32 $0x0, s5;
	p1 =	sle.u32 s10, $0x0  }
0x41: {  	s8 =	sadd.s32 $0x60, s11;
	s6 =	simm.s32 @!p1 $0x4  }
0x42: {  	p0 =	sgt.u32 s8, $0x9C3;
	_ =	swait.ge @!p1 [sflag:s6], $0x4000  }
0x43: {  	s7 =	simm.s32 @!p1 $0x180;
	s9 =	simm.s32 @!p1 $0x300;
	[sflag:s6] =	ssyncset.done @!p1 $0x0  }
0x44: {  	s8 =	simm.s32 @!p1 $0x80;
	[sflag:s6] =	ssyncadd.s32 @!p1 $0xFFFFC000;
	s6 =	simm.s32 @!p0 $0x7  }
0x45: {  	[spmem:s2] =	stream.indirect.scatter.add.f32 @!p1 [tilespmem:s9], [sflag:$0x7], $0x80, s7, s8, $0xb8;
	[tilespmem:$0x1FF00] =	vst v63  }
0x46: {  	_ =	swait.ge @!p0 [sflag:s6], $0x4000  }
0x47: {  	s7 =	sadd.s32 @!p0 $0x0, s17;
	s8 =	sadd.s32 @!p0 $0x0, s16;
	[sflag:s6] =	ssyncset.done @!p0 $0x0  }
0x48: {  	s9 =	simm.s32 @!p0 $0x0;
	s7 =	sadd.s32 @!p0 $0x600, s7;
	[sflag:s6] =	ssyncadd.s32 @!p0 $0xFFFFC000  }
0x49: {  	[tilespmem:s9], [sflag:$0x1] =	stream.linear.gather @!p0 [hbm4b:s7+s9], $0x80, $0x38;
	[tilespmem:$0x1FF00] =	vst v63  }
0x4a: {  	s6 =	sadd.s32 @!p0 $0x600, s8;
	s8 =	simm.s32 @!p0 $0x1;
	s7 =	simm.s32 @!p0 $0x180  }
0x4b: {  	[tilespmem:s7], [sflag:$0x1] =	stream.linear.gather @!p0 [hbm4b:s6+s9], $0x80, $0x38;
	[tilespmem:$0x1FF00] =	vst v63  }
0x4c: {  	_ =	swait.ge @!p0 [sflag:s8], $0x80  }
0x4d: {  	[sflag:s8] =	ssyncset.done @!p0 $0x0  }
0x4e: {  	[sflag:s8] =	ssyncadd.s32 @!p0 $0xFFFFFF80  }
0x4f: {  	_ =	swait.ge @!p0 [sflag:s8], $0x80  }
0x50: {  	s7 =	simm.s32 @!p0 $0x80;
	[sflag:s8] =	ssyncset.done @!p0 $0x0;
	s12 =	rddreg [dreg:$0x5]  }
0x51: {  	[sflag:s8] =	ssyncadd.s32 @!p0 $0xFFFFFF80;
	s8 =	simm.s32 @!p0 $0x300;
	p1 =	sle.u32 s12, $0x0  }
0x52: {  	[tilespmem:s8], [sflag:$0x4] =	stream.indirect.gather @!p0 [hbm4b:s4+s7], $0x80, s9, s7, $0xb8;
	[tilespmem:$0x1FF00] =	vst v63  }
0x53: {  	s6 =	simm.s32 @!p1 $0x5  }
0x54: {  	s13 =	sadd.s32 $0x80, s11;
	s8 =	simm.s32 @!p1 $0x4300;
	_ =	swait.ge @!p1 [sflag:s6], $0x4000  }
0x55: {  	p0 =	sgt.u32 s13, $0x9C3;
	s7 =	simm.s32 @!p1 $0x80;
	[sflag:s6] =	ssyncset.done @!p1 $0x0  }
0x56: {  	s9 =	simm.s32 @!p1 $0x200;
	[sflag:s6] =	ssyncadd.s32 @!p1 $0xFFFFC000;
	s6 =	simm.s32 @!p0 $0x8  }
0x57: {  	[spmem:s2] =	stream.indirect.scatter.add.f32 @!p1 [tilespmem:s8], [sflag:$0x8], $0x80, s9, s7, $0xb8;
	[tilespmem:$0x1FF00] =	vst v63  }
0x58: {  	s10 =	simm.s32 @!p0 $0x80;
	_ =	swait.ge @!p0 [sflag:s6], $0x4000  }
0x59: {  	s7 =	sadd.s32 @!p0 $0x0, s17;
	s8 =	sadd.s32 @!p0 $0x0, s16;
	[sflag:s6] =	ssyncset.done @!p0 $0x0  }
0x5a: {  	s9 =	simm.s32 @!p0 $0x0;
	s7 =	sadd.s32 @!p0 $0x800, s7;
	[sflag:s6] =	ssyncadd.s32 @!p0 $0xFFFFC000  }
0x5b: {  	[tilespmem:s10], [sflag:$0x2] =	stream.linear.gather @!p0 [hbm4b:s7+s9], $0x80, $0x38;
	[tilespmem:$0x1FF00] =	vst v63  }
0x5c: {  	s6 =	sadd.s32 @!p0 $0x800, s8;
	s8 =	simm.s32 @!p0 $0x2;
	s7 =	simm.s32 @!p0 $0x200  }
0x5d: {  	[tilespmem:s7], [sflag:$0x2] =	stream.linear.gather @!p0 [hbm4b:s6+s9], $0x80, $0x38;
	[tilespmem:$0x1FF00] =	vst v63  }
0x5e: {  	_ =	swait.ge @!p0 [sflag:s8], $0x80  }
0x5f: {  	[sflag:s8] =	ssyncset.done @!p0 $0x0  }
0x60: {  	[sflag:s8] =	ssyncadd.s32 @!p0 $0xFFFFFF80  }
0x61: {  	_ =	swait.ge @!p0 [sflag:s8], $0x80  }
0x62: {  	[sflag:s8] =	ssyncset.done @!p0 $0x0  }
0x63: {  	s7 =	simm.s32 @!p0 $0x4300;
	s26 =	rddreg [dreg:$0x6];
	[sflag:s8] =	ssyncadd.s32 @!p0 $0xFFFFFF80  }
0x64: {  	[tilespmem:s7], [sflag:$0x5] =	stream.indirect.gather @!p0 [hbm4b:s4+s10], $0x80, s10, s10, $0xb8;
	[tilespmem:$0x1FF00] =	vst v63  }
0x65: {  	p0 =	sle.u32 s26, $0x0  }
0x66: {  	s1 =	sadd.s32 $0xA0, s11;
	s6 =	simm.s32 @!p0 $0x6  }
0x67: {  	p1 =	sgt.u32 s1, $0x9C3;
	_ =	swait.ge @!p0 [sflag:s6], $0x4000  }
0x68: {  	s7 =	simm.s32 @!p0 $0x8300;
	s1 =	simm.s32 @!p0 $0x80;
	[sflag:s6] =	ssyncset.done @!p0 $0x0  }
0x69: {  	s8 =	simm.s32 @!p0 $0x280;
	[sflag:s6] =	ssyncadd.s32 @!p0 $0xFFFFC000;
	s6 =	simm.s32 @!p1 $0x9  }
0x6a: {  	[spmem:s2] =	stream.indirect.scatter.add.f32 @!p0 [tilespmem:s7], [sflag:$0x9], $0x80, s8, s1, $0xb8;
	[tilespmem:$0x1FF00] =	vst v63  }
0x6b: {  	s9 =	simm.s32 @!p1 $0x0;
	_ =	swait.ge @!p1 [sflag:s6], $0x4000  }
0x6c: {  	s1 =	sadd.s32 @!p1 $0x0, s17;
	s8 =	sadd.s32 @!p1 $0x0, s16;
	[sflag:s6] =	ssyncset.done @!p1 $0x0  }
0x6d: {  	s7 =	simm.s32 @!p1 $0x100;
	s1 =	sadd.s32 @!p1 $0xA00, s1;
	[sflag:s6] =	ssyncadd.s32 @!p1 $0xFFFFC000  }
0x6e: {  	[tilespmem:s7], [sflag:$0x3] =	stream.linear.gather @!p1 [hbm4b:s1+s9], $0x80, $0x38;
	[tilespmem:$0x1FF00] =	vst v63  }
0x6f: {  	s6 =	simm.s32 @!p1 $0x280;
	s1 =	sadd.s32 @!p1 $0xA00, s8;
	s8 =	simm.s32 @!p1 $0x3  }
0x70: {  	[tilespmem:s6], [sflag:$0x3] =	stream.linear.gather @!p1 [hbm4b:s1+s9], $0x80, $0x38;
	[tilespmem:$0x1FF00] =	vst v63  }
0x71: {  	_ =	swait.ge @!p1 [sflag:s8], $0x80  }
0x72: {  	[sflag:s8] =	ssyncset.done @!p1 $0x0  }
0x73: {  	s29 =	simm.s32 $0xC00;
	s11 =	simm.s32 @!p1 $0x80;
	[sflag:s8] =	ssyncadd.s32 @!p1 $0xFFFFFF80  }
0x74: {  	s26 =	simm.s32 $0x600;
	s10 =	simm.s32 @!p1 $0x8300;
	_ =	swait.ge @!p1 [sflag:s8], $0x80  }
0x75: {  	s1 =	simm.s32 $0x0;
	s9 =	rddreg [dreg:$0x4];
	[sflag:s8] =	ssyncset.done @!p1 $0x0  }
.LBB2_2:
0x76: {  	[sflag:s8] =	ssyncadd.s32 @!p1 $0xFFFFFF80;
	s1 =	sadd.s32 $0x60, s1  }
0x77: {  	[tilespmem:s10], [sflag:$0x6] =	stream.indirect.gather @!p1 [hbm4b:s4+s11], $0x80, s7, s11, $0xb8;
	[tilespmem:$0x1FF00] =	vst v63  }
0x78: {  	p2 =	sge.u32 s1, s9  }
0x79: {  	s9 =	sadd.s32 s1, s5;
	s7 =	simm.s32 @!p2 $0x4  }
0x7a: {  	s8 =	simm.s32 @!p2 $0x180;
	s13 =	sadd.s32 $0x60, s9;
	_ =	swait.ge @!p2 [sflag:s7], $0x4000  }
0x7b: {  	s10 =	simm.s32 @!p2 $0x300;
	p1 =	sgt.u32 s13, $0x9C3;
	[sflag:s7] =	ssyncset.done @!p2 $0x0  }
0x7c: {  	s12 =	simm.s32 @!p2 $0x80;
	[sflag:s7] =	ssyncadd.s32 @!p2 $0xFFFFC000;
	s7 =	simm.s32 @!p1 $0x7  }
0x7d: {  	[spmem:s2] =	stream.indirect.scatter.add.f32 @!p2 [tilespmem:s10], [sflag:$0x7], $0x80, s8, s12, $0xb8;
	[tilespmem:$0x1FF00] =	vst v63  }
0x7e: {  	s11 =	sadd.s32 @!p1 s26, s17;
	_ =	swait.ge @!p1 [sflag:s7], $0x4000  }
0x7f: {  	s8 =	sadd.s32 @!p1 $0x600, s11;
	[sflag:s7] =	ssyncset.done @!p1 $0x0  }
0x80: {  	s10 =	sadd.s32 @!p1 s26, s16;
	s11 =	simm.s32 @!p1 $0x0;
	[sflag:s7] =	ssyncadd.s32 @!p1 $0xFFFFC000  }
0x81: {  	[tilespmem:s11], [sflag:$0x1] =	stream.linear.gather @!p1 [hbm4b:s8+s11], $0x80, $0x38;
	[tilespmem:$0x1FF00] =	vst v63  }
0x82: {  	s12 =	simm.s32 @!p1 $0x180;
	s10 =	sadd.s32 @!p1 $0x600, s10;
	s8 =	simm.s32 @!p1 $0x1  }
0x83: {  	[tilespmem:s12], [sflag:$0x1] =	stream.linear.gather @!p1 [hbm4b:s10+s11], $0x80, $0x38;
	[tilespmem:$0x1FF00] =	vst v63  }
0x84: {  	_ =	swait.ge @!p1 [sflag:s8], $0x80  }
0x85: {  	[sflag:s8] =	ssyncset.done @!p1 $0x0  }
0x86: {  	[sflag:s8] =	ssyncadd.s32 @!p1 $0xFFFFFF80  }
0x87: {  	_ =	swait.ge @!p1 [sflag:s8], $0x80  }
0x88: {  	s10 =	simm.s32 @!p1 $0x300;
	[sflag:s8] =	ssyncset.done @!p1 $0x0;
	s12 =	rddreg [dreg:$0x5]  }
0x89: {  	[sflag:s8] =	ssyncadd.s32 @!p1 $0xFFFFFF80;
	s8 =	simm.s32 @!p1 $0x80;
	p2 =	sge.u32 s1, s12  }
0x8a: {  	[tilespmem:s10], [sflag:$0x4] =	stream.indirect.gather @!p1 [hbm4b:s4+s8], $0x80, s11, s8, $0xb8;
	[tilespmem:$0x1FF00] =	vst v63  }
0x8b: {  	s13 =	sadd.s32 $0x80, s9;
	s8 =	simm.s32 @!p2 $0x5  }
0x8c: {  	s7 =	sadd.s32 $0xA0, s9;
	s9 =	simm.s32 @!p2 $0x4300;
	_ =	swait.ge @!p2 [sflag:s8], $0x4000  }
0x8d: {  	p1 =	sgt.u32 s13, $0x9C3;
	s10 =	simm.s32 @!p2 $0x80;
	[sflag:s8] =	ssyncset.done @!p2 $0x0  }
0x8e: {  	s11 =	simm.s32 @!p2 $0x200;
	[sflag:s8] =	ssyncadd.s32 @!p2 $0xFFFFC000;
	s8 =	simm.s32 @!p1 $0x8  }
0x8f: {  	[spmem:s2] =	stream.indirect.scatter.add.f32 @!p2 [tilespmem:s9], [sflag:$0x8], $0x80, s11, s10, $0xb8;
	[tilespmem:$0x1FF00] =	vst v63  }
0x90: {  	s12 =	sadd.s32 @!p1 s26, s17;
	_ =	swait.ge @!p1 [sflag:s8], $0x4000  }
0x91: {  	s9 =	sadd.s32 @!p1 $0x800, s12;
	s10 =	sadd.s32 @!p1 s26, s16;
	[sflag:s8] =	ssyncset.done @!p1 $0x0  }
0x92: {  	s11 =	simm.s32 @!p1 $0x0;
	s12 =	simm.s32 @!p1 $0x80;
	[sflag:s8] =	ssyncadd.s32 @!p1 $0xFFFFC000  }
0x93: {  	[tilespmem:s12], [sflag:$0x2] =	stream.linear.gather @!p1 [hbm4b:s9+s11], $0x80, $0x38;
	[tilespmem:$0x1FF00] =	vst v63  }
0x94: {  	s8 =	sadd.s32 @!p1 $0x800, s10;
	s10 =	simm.s32 @!p1 $0x200;
	s9 =	simm.s32 @!p1 $0x2  }
0x95: {  	[tilespmem:s10], [sflag:$0x2] =	stream.linear.gather @!p1 [hbm4b:s8+s11], $0x80, $0x38;
	[tilespmem:$0x1FF00] =	vst v63  }
0x96: {  	_ =	swait.ge @!p1 [sflag:s9], $0x80  }
0x97: {  	[sflag:s9] =	ssyncset.done @!p1 $0x0  }
0x98: {  	[sflag:s9] =	ssyncadd.s32 @!p1 $0xFFFFFF80  }
0x99: {  	_ =	swait.ge @!p1 [sflag:s9], $0x80  }
0x9a: {  	[sflag:s9] =	ssyncset.done @!p1 $0x0;
	s13 =	rddreg [dreg:$0x6]  }
0x9b: {  	[sflag:s9] =	ssyncadd.s32 @!p1 $0xFFFFFF80;
	s9 =	simm.s32 @!p1 $0x4300;
	p2 =	sge.u32 s1, s13  }
0x9c: {  	[tilespmem:s9], [sflag:$0x5] =	stream.indirect.gather @!p1 [hbm4b:s4+s12], $0x80, s12, s12, $0xb8;
	[tilespmem:$0x1FF00] =	vst v63  }
0x9d: {  	s6 =	smov.u32 s29;
	s8 =	simm.s32 @!p2 $0x6  }
0x9e: {  	s29 =	sadd.s32 $0x600, s29;
	s9 =	simm.s32 @!p2 $0x8300;
	_ =	swait.ge @!p2 [sflag:s8], $0x4000  }
0x9f: {  	p1 =	sgt.u32 s7, $0x9C3;
	s7 =	simm.s32 @!p2 $0x80;
	[sflag:s8] =	ssyncset.done @!p2 $0x0  }
0xa0: {  	s10 =	simm.s32 @!p2 $0x280;
	[sflag:s8] =	ssyncadd.s32 @!p2 $0xFFFFC000;
	s8 =	simm.s32 @!p1 $0x9  }
0xa1: {  	[spmem:s2] =	stream.indirect.scatter.add.f32 @!p2 [tilespmem:s9], [sflag:$0x9], $0x80, s10, s7, $0xb8;
	[tilespmem:$0x1FF00] =	vst v63  }
0xa2: {  	p0 =	sne.s32 s29, $0xA200;
	s11 =	sadd.s32 @!p1 s26, s17;
	_ =	swait.ge @!p1 [sflag:s8], $0x4000  }
0xa3: {  	s9 =	sadd.s32 @!p1 $0xA00, s11;
	s10 =	sadd.s32 @!p1 s26, s16;
	[sflag:s8] =	ssyncset.done @!p1 $0x0  }
0xa4: {  	s11 =	simm.s32 @!p1 $0x0;
	s7 =	simm.s32 @!p1 $0x100;
	[sflag:s8] =	ssyncadd.s32 @!p1 $0xFFFFC000  }
0xa5: {  	[tilespmem:s7], [sflag:$0x3] =	stream.linear.gather @!p1 [hbm4b:s9+s11], $0x80, $0x38;
	[tilespmem:$0x1FF00] =	vst v63  }
0xa6: {  	s12 =	simm.s32 @!p1 $0x280;
	s10 =	sadd.s32 @!p1 $0xA00, s10;
	s8 =	simm.s32 @!p1 $0x3  }
0xa7: {  	[tilespmem:s12], [sflag:$0x3] =	stream.linear.gather @!p1 [hbm4b:s10+s11], $0x80, $0x38;
	[tilespmem:$0x1FF00] =	vst v63  }
.Ltmp0:
0xa8: {  	_ =	swait.ge @!p1 [sflag:s8], $0x80;
	(pc) =	sbr.rel @p0 .LBB2_2-.Ltmp0, $4  }
0xa9: {  	[sflag:s8] =	ssyncset.done @!p1 $0x0  }
0xaa: {  	[sflag:s8] =	ssyncadd.s32 @!p1 $0xFFFFFF80  }
0xab: {  	s26 =	smov.u32 s6;
	s10 =	simm.s32 @!p1 $0x8300;
	_ =	swait.ge @!p1 [sflag:s8], $0x80  }
0xac: {  	s11 =	simm.s32 @!p1 $0x80;
	s9 =	rddreg [dreg:$0x4];
	[sflag:s8] =	ssyncset.done @!p1 $0x0  }
0xad: {  	[sflag:s8] =	ssyncadd.s32 @!p1 $0xFFFFFF80;
	s1 =	sadd.s32 $0x60, s1  }
0xae: {  	[tilespmem:s10], [sflag:$0x6] =	stream.indirect.gather @!p1 [hbm4b:s4+s11], $0x80, s7, s11, $0xb8;
	[tilespmem:$0x1FF00] =	vst v63  }
0xaf: {  	p1 =	sge.u32 s1, s9  }
0xb0: {  	s6 =	sadd.s32 s1, s5;
	s7 =	simm.s32 @!p1 $0x4  }
0xb1: {  	s8 =	simm.s32 @!p1 $0x180;
	s11 =	sadd.s32 $0x60, s6;
	_ =	swait.ge @!p1 [sflag:s7], $0x4000  }
0xb2: {  	s10 =	simm.s32 @!p1 $0x300;
	p0 =	sgt.u32 s11, $0x9C3;
	[sflag:s7] =	ssyncset.done @!p1 $0x0  }
0xb3: {  	s9 =	simm.s32 @!p1 $0x80;
	[sflag:s7] =	ssyncadd.s32 @!p1 $0xFFFFC000;
	s7 =	simm.s32 @!p0 $0x7  }
0xb4: {  	[spmem:s2] =	stream.indirect.scatter.add.f32 @!p1 [tilespmem:s10], [sflag:$0x7], $0x80, s8, s9, $0xb8;
	[tilespmem:$0x1FF00] =	vst v63  }
0xb5: {  	_ =	swait.ge @!p0 [sflag:s7], $0x4000  }
0xb6: {  	s8 =	sadd.s32 @!p0 s26, s17;
	s9 =	sadd.s32 @!p0 s26, s16;
	[sflag:s7] =	ssyncset.done @!p0 $0x0  }
0xb7: {  	s10 =	simm.s32 @!p0 $0x0;
	s8 =	sadd.s32 @!p0 $0x600, s8;
	[sflag:s7] =	ssyncadd.s32 @!p0 $0xFFFFC000  }
0xb8: {  	[tilespmem:s10], [sflag:$0x1] =	stream.linear.gather @!p0 [hbm4b:s8+s10], $0x80, $0x38;
	[tilespmem:$0x1FF00] =	vst v63  }
0xb9: {  	s7 =	sadd.s32 @!p0 $0x600, s9;
	s9 =	simm.s32 @!p0 $0x1;
	s8 =	simm.s32 @!p0 $0x180  }
0xba: {  	[tilespmem:s8], [sflag:$0x1] =	stream.linear.gather @!p0 [hbm4b:s7+s10], $0x80, $0x38;
	[tilespmem:$0x1FF00] =	vst v63  }
0xbb: {  	_ =	swait.ge @!p0 [sflag:s9], $0x80  }
0xbc: {  	[sflag:s9] =	ssyncset.done @!p0 $0x0  }
0xbd: {  	[sflag:s9] =	ssyncadd.s32 @!p0 $0xFFFFFF80  }
0xbe: {  	_ =	swait.ge @!p0 [sflag:s9], $0x80  }
0xbf: {  	s8 =	simm.s32 @!p0 $0x80;
	[sflag:s9] =	ssyncset.done @!p0 $0x0;
	s12 =	rddreg [dreg:$0x5]  }
0xc0: {  	[sflag:s9] =	ssyncadd.s32 @!p0 $0xFFFFFF80;
	s9 =	simm.s32 @!p0 $0x300;
	p1 =	sge.u32 s1, s12  }
0xc1: {  	[tilespmem:s9], [sflag:$0x4] =	stream.indirect.gather @!p0 [hbm4b:s4+s8], $0x80, s10, s8, $0xb8;
	[tilespmem:$0x1FF00] =	vst v63  }
0xc2: {  	s7 =	simm.s32 @!p1 $0x5  }
0xc3: {  	s13 =	sadd.s32 $0x80, s6;
	s9 =	simm.s32 @!p1 $0x4300;
	_ =	swait.ge @!p1 [sflag:s7], $0x4000  }
0xc4: {  	p0 =	sgt.u32 s13, $0x9C3;
	s8 =	simm.s32 @!p1 $0x80;
	[sflag:s7] =	ssyncset.done @!p1 $0x0  }
0xc5: {  	s10 =	simm.s32 @!p1 $0x200;
	[sflag:s7] =	ssyncadd.s32 @!p1 $0xFFFFC000;
	s7 =	simm.s32 @!p0 $0x8  }
0xc6: {  	[spmem:s2] =	stream.indirect.scatter.add.f32 @!p1 [tilespmem:s9], [sflag:$0x8], $0x80, s10, s8, $0xb8;
	[tilespmem:$0x1FF00] =	vst v63  }
0xc7: {  	s11 =	simm.s32 @!p0 $0x80;
	_ =	swait.ge @!p0 [sflag:s7], $0x4000  }
0xc8: {  	s8 =	sadd.s32 @!p0 s26, s17;
	s9 =	sadd.s32 @!p0 s26, s16;
	[sflag:s7] =	ssyncset.done @!p0 $0x0  }
0xc9: {  	s10 =	simm.s32 @!p0 $0x0;
	s8 =	sadd.s32 @!p0 $0x800, s8;
	[sflag:s7] =	ssyncadd.s32 @!p0 $0xFFFFC000  }
0xca: {  	[tilespmem:s11], [sflag:$0x2] =	stream.linear.gather @!p0 [hbm4b:s8+s10], $0x80, $0x38;
	[tilespmem:$0x1FF00] =	vst v63  }
0xcb: {  	s7 =	sadd.s32 @!p0 $0x800, s9;
	s9 =	simm.s32 @!p0 $0x2;
	s8 =	simm.s32 @!p0 $0x200  }
0xcc: {  	[tilespmem:s8], [sflag:$0x2] =	stream.linear.gather @!p0 [hbm4b:s7+s10], $0x80, $0x38;
	[tilespmem:$0x1FF00] =	vst v63  }
0xcd: {  	_ =	swait.ge @!p0 [sflag:s9], $0x80  }
0xce: {  	[sflag:s9] =	ssyncset.done @!p0 $0x0  }
0xcf: {  	[sflag:s9] =	ssyncadd.s32 @!p0 $0xFFFFFF80  }
0xd0: {  	_ =	swait.ge @!p0 [sflag:s9], $0x80  }
0xd1: {  	[sflag:s9] =	ssyncset.done @!p0 $0x0;
	s29 =	rddreg [dreg:$0x6]  }
0xd2: {  	s8 =	simm.s32 @!p0 $0x4300;
	[sflag:s9] =	ssyncadd.s32 @!p0 $0xFFFFFF80;
	p1 =	sge.u32 s1, s29  }
0xd3: {  	[tilespmem:s8], [sflag:$0x5] =	stream.indirect.gather @!p0 [hbm4b:s4+s11], $0x80, s11, s11, $0xb8;
	[tilespmem:$0x1FF00] =	vst v63  }
0xd4: {  	s1 =	simm.s32 @!p1 $0x6  }
0xd5: {  	s6 =	sadd.s32 $0xA0, s6;
	s7 =	simm.s32 @!p1 $0x8300;
	_ =	swait.ge @!p1 [sflag:s1], $0x4000  }
0xd6: {  	p0 =	sgt.u32 s6, $0x9C3;
	s6 =	simm.s32 @!p1 $0x80;
	[sflag:s1] =	ssyncset.done @!p1 $0x0  }
0xd7: {  	s8 =	simm.s32 @!p1 $0x280;
	[sflag:s1] =	ssyncadd.s32 @!p1 $0xFFFFC000;
	s1 =	simm.s32 @!p0 $0x9  }
0xd8: {  	[spmem:s2] =	stream.indirect.scatter.add.f32 @!p1 [tilespmem:s7], [sflag:$0x9], $0x80, s8, s6, $0xb8;
	[tilespmem:$0x1FF00] =	vst v63  }
0xd9: {  	s9 =	simm.s32 @!p0 $0x100;
	_ =	swait.ge @!p0 [sflag:s1], $0x4000  }
0xda: {  	s6 =	sadd.s32 @!p0 s26, s17;
	s7 =	sadd.s32 @!p0 s26, s16;
	[sflag:s1] =	ssyncset.done @!p0 $0x0  }
0xdb: {  	s8 =	simm.s32 @!p0 $0x0;
	s6 =	sadd.s32 @!p0 $0xA00, s6;
	[sflag:s1] =	ssyncadd.s32 @!p0 $0xFFFFC000  }
0xdc: {  	[tilespmem:s9], [sflag:$0x3] =	stream.linear.gather @!p0 [hbm4b:s6+s8], $0x80, $0x38;
	[tilespmem:$0x1FF00] =	vst v63  }
0xdd: {  	s1 =	sadd.s32 @!p0 $0xA00, s7;
	s7 =	simm.s32 @!p0 $0x3;
	s6 =	simm.s32 @!p0 $0x280  }
0xde: {  	[tilespmem:s6], [sflag:$0x3] =	stream.linear.gather @!p0 [hbm4b:s1+s8], $0x80, $0x38;
	[tilespmem:$0x1FF00] =	vst v63  }
0xdf: {  	_ =	swait.ge @!p0 [sflag:s7], $0x80  }
0xe0: {  	[sflag:s7] =	ssyncset.done @!p0 $0x0  }
0xe1: {  	[sflag:s7] =	ssyncadd.s32 @!p0 $0xFFFFFF80  }
0xe2: {  	_ =	swait.ge @!p0 [sflag:s7], $0x80  }
0xe3: {  	[sflag:s7] =	ssyncset.done @!p0 $0x0  }
0xe4: {  	s1 =	simm.s32 @!p0 $0x8300;
	s6 =	simm.s32 @!p0 $0x80;
	[sflag:s7] =	ssyncadd.s32 @!p0 $0xFFFFFF80  }
0xe5: {  	[tilespmem:s1], [sflag:$0x6] =	stream.indirect.gather @!p0 [hbm4b:s4+s6], $0x80, s9, s6, $0xb8;
	[tilespmem:$0x1FF00] =	vst v63  }
0xe6: {  	_ =	swait.ge [sflag:s31], $0x4000  }
0xe7: {  	[sflag:s31] =	ssyncset.done $0x0  }
0xe8: {  	[sflag:s31] =	ssyncadd.s32 $0xFFFFC000  }
0xe9: {  	_ =	swait.ge [sflag:s0], $0x4000  }
0xea: {  	[sflag:s0] =	ssyncset.done $0x0  }
0xeb: {  	[sflag:s0] =	ssyncadd.s32 $0xFFFFC000  }
0xec: {  	_ =	swait.ge [sflag:s18], $0x4000  }
0xed: {  	s20 =	sadd.s32 $0x1, s20;
	[sflag:s18] =	ssyncset.done $0x0  }
0xee: {  	p0 =	sne.s32 s20, s15;
	[sflag:s18] =	ssyncadd.s32 $0xFFFFC000  }
.Ltmp1:
0xef: {  	[bflag:$0x0] =	sbarrier.arrive $0xFFFF;
	(pc) =	sbr.rel @p0 .LBB2_1-.Ltmp1, $4  }
0xf0: {  	[hbm:s14], [sflag:s22] =	dma.local [spmem:s24], $0x2780  }
0xf1: {  	_ =	swait.ge [sflag:s30], $0x2780  }
0xf2: {  	[sflag:s30] =	ssyncset.done $0x0  }
0xf3: {  	[sflag:s30] =	ssyncadd.s32 $0xFFFFD880  }
0xf4: {  	_ =	sfence.sel $0x180000  }
0xf5: {  	[bflag:$0x0] =	sbarrier.arrive $0xFFFF  }
0xf6: {  	_ =	strace $0x9000004D  }
0xf7: {  	s0 =	stileid.u32;
	[bflag:$0x2] =	sbarrier.arrive $0xFFFF  }
0xf8: {  	p0 =	sne.s32 s0, $0x0;
	s0 =	rddreg [dreg:$0x3]  }
0xf9: {  	s0 =	sadd.s32 @!p0 $0x100000, s0  }
0xfa: {  	[sflag:s0] =	ssyncadd.tile.s32 @!p0 $0x1;
	_ =	shalt  }
.Lfunc_end2:
_tile_overlayer_lowered:
.L_overlay_start_2:
0xfb: {  	(tag) =	ssettag $0x2  }
0xfc: {  	s0 =	rddreg [dreg:$0x0];
	s2 =	stileid.u32  }
0xfd: {  	s1 =	rddreg [dreg:$0x1];
	p0 =	sne.s32 s2, $0x0  }
0xfe: {  	s3 =	rddreg [dreg:$0x2];
	[bflag:$0x3] =	sbarrier.arrive $0xFFFF;
	s2 =	simm.s32 @!p0 $0x1C0A  }
0xff: {  	[timem:s3], [sflag:s2] =	dma.local @!p0 [hbm:s0], s1  }
0x100: {  	s0 =	simm.s32 @!p0 $0xA  }
0x101: {  	_ =	swait.ge @!p0 [sflag:s0], s1  }
0x102: {  	s1 =	ssub.s32 @!p0 $0x0, s1;
	[sflag:s0] =	ssyncset.done @!p0 $0x0  }
0x103: {  	[sflag:s0] =	ssyncadd.s32 @!p0 s1  }
0x104: {  	[bflag:$0x3] =	sbarrier.arrive $0xFFFF  }
0x105: {  	_ =	shalt  }

// kernel: kernel.8.cloned.1.call-start
scs
__scs_entry_jumppad:
0x0: {  	(pc) =	sbr.rel $0x88, $3  }
0x1: {  	(tag) =	ssettag $0x0;
	lr =	simm.s32 $0x1  }
0x2: {  	[smem:$0x3F9B] =	sst lr;
	_ =	strace $0xD0000000  }
0x3: {  	_ = 	snop  }
0x4: {  	_ = 	snop  }
0x5: {  	_ = 	snop  }
0x6: {  	_ = 	snop  }
0x7: {  	_ = 	snop  }
__scs_overlays_trampoline_lowered:
0x8: {  	[smem:$0x3FAA] =	sst s0  }
0x9: {  	[smem:$0x3FAB] =	sst s1  }
0xa: {  	[smem:$0x3FAC] =	sst s2  }
0xb: {  	[smem:$0x3FAD] =	sst s3  }
0xc: {  	[smem:$0x3FAE] =	sst s4  }
0xd: {  	[smem:$0x3FAF] =	sst s5  }
0xe: {  	[smem:$0x3FB0] =	sst s6  }
0xf: {  	[smem:$0x3FB1] =	sst s7  }
0x10: {  	[smem:$0x3FB2] =	sst s8  }
0x11: {  	[smem:$0x3FB3] =	sst s9;
	s0 =	simm.s32 @!p0 $0x0  }
0x12: {  	s1 =	sld [smem:$0x3F99];
	s0 =	simm.s32 @p0 $0x1  }
0x13: {  	[smem:$0x3FB4] =	sst s0;
	s0 =	simm.s32 @!p1 $0x0  }
0x14: {  	s2 =	sld [smem:$0x3F98];
	s0 =	simm.s32 @p1 $0x1  }
0x15: {  	[smem:$0x3FB5] =	sst s0;
	s0 =	simm.s32 @!p2 $0x0  }
0x16: {  	s3 =	sld [smem:$0x3FDB];
	s0 =	simm.s32 @p2 $0x1  }
0x17: {  	s4 =	simm.s32 $0x1BF5;
	[smem:$0x3FB7] =	sst s0  }
0x18: {  	s0 =	sld [smem:$0x3F9A];
	_ =	swait.ge [sflag:s4], $0x0  }
0x19: {  	s7 =	sld [smem:$0x3F9B]  }
0x1a: {  	s8 =	sadd.s32 $0xFFFFE003, lr  }
0x1b: {  	s9 =	sadd.s32 $0xFFFFFEF7, lr;
	s5 =	simm.s32 $0xFFFFFFFF;
	p2 =	slt.u32 s8, $0xFFFFF086  }
0x1c: {  	p1 =	slt.u32 s9, $0xF7A;
	s5 =	simm.s32 @!p2 $0x0  }
0x1d: {  	s5 =	simm.s32 @p1 $0x1;
	p0 =	seq.s32 s7, s2  }
0x1e: {  	s7 =	smul.u32 @!p0 $0xF7A, s2;
	p2 =	seq.s32 @!p0 s5, $0x0  }
0x1f: {  	s9 =	smul.u32 $0xF7A, s1;
	s8 =	simm.s32 @!p0 $0x1BF5;
	p2 =	por !p2, p0  }
0x20: {  	[sflag:s8] =	ssyncset.s32 @!p0 $0xFFFFF086;
	s6 =	sadd.s32 @!p0 s3, s7;
	s7 =	simm.s32 @!p0 $0x108  }
0x21: {  	s3 =	sadd.s32 s3, s9;
	s6 =	sadd.s32 @!p0 $0x88, s6;
	s7 =	simm.s32 @p2 $0x1082  }
0x22: {  	[simem:s7], [sflag:s8] =	dma.local @!p0 [hbm:s6], $0xF7A  }
0x23: {  	s9 =	sor.u32 $0xD0000000, s2;
	s6 =	simm.s32 $0x108;
	_ =	swait.ge @!p0 [sflag:s8], $0x0  }
0x24: {  	s3 =	sadd.s32 $0x88, s3;
	s6 =	simm.s32 @!p1 $0x1082;
	[sflag:s4] =	ssyncset.s32 $0xFFFFF086  }
0x25: {  	[simem:s6], [sflag:s4] =	dma.local [hbm:s3], $0xF7A  }
0x26: {  	[smem:$0x3F9B] =	sst s1;
	(tag) =	ssettag s2;
	_ =	strace s9  }
0x27: {  	s1 =	sld [smem:$0x3FAB]  }
0x28: {  	s2 =	sld [smem:$0x3FAC]  }
0x29: {  	s4 =	sld [smem:$0x3FAE]  }
0x2a: {  	p0 =	seq.s32 s5, $0x0;
	s5 =	sld [smem:$0x3FAF]  }
0x2b: {  	s6 =	sld [smem:$0x3FB0]  }
0x2c: {  	s7 =	sld [smem:$0x3FB1]  }
0x2d: {  	s3 =	simm.s32 $0x108;
	s8 =	sld [smem:$0x3FB2]  }
0x2e: {  	s3 =	simm.s32 @!p0 $0x1082;
	s9 =	sld [smem:$0x3FB3]  }
0x2f: {  	lr =	sadd.s32 s0, s3;
	s0 =	sld [smem:$0x3FAA]  }
0x30: {  	s3 =	sld [smem:$0x3FAD]  }
0x31: {  	[smem:$0x3FB6] =	sst s10  }
0x32: {  	s10 =	sld [smem:$0x3FB4];
	_ =	sdelay $0x3  }
0x33: {  	p0 =	seq.s32 s10, $0x1;
	s10 =	sld [smem:$0x3FB6];
	_ =	sdelay $0x3  }
0x34: {  	[smem:$0x3FB6] =	sst s10  }
0x35: {  	s10 =	sld [smem:$0x3FB5];
	_ =	sdelay $0x3  }
0x36: {  	p1 =	seq.s32 s10, $0x1;
	s10 =	sld [smem:$0x3FB6];
	_ =	sdelay $0x3  }
0x37: {  	[smem:$0x3FB6] =	sst s10  }
0x38: {  	s10 =	sld [smem:$0x3FB7]  }
0x39: {  	_ = 	snop;
	(pc) =	sbr.ind lr, $3  }
0x3a: {  	_ = 	snop  }
0x3b: {  	_ = 	snop  }
0x3c: {  	p2 =	seq.s32 s10, $0x1;
	s10 =	sld [smem:$0x3FB6]  }
0x3d: {  	_ =	shalt  }
0x3e: {  	_ =	shalt  }
0x3f: {  	_ =	shalt  }
0x40: {  	_ =	shalt  }
0x41: {  	_ =	shalt  }
0x42: {  	_ =	shalt  }
0x43: {  	_ =	shalt  }
0x44: {  	_ =	shalt  }
0x45: {  	_ =	shalt  }
0x46: {  	_ =	shalt  }
0x47: {  	_ =	shalt  }
0x48: {  	_ =	shalt  }
0x49: {  	_ =	shalt  }
0x4a: {  	_ =	shalt  }
0x4b: {  	_ =	shalt  }
0x4c: {  	_ =	shalt  }
0x4d: {  	_ =	shalt  }
0x4e: {  	_ =	shalt  }
0x4f: {  	_ =	shalt  }
0x50: {  	_ =	shalt  }
0x51: {  	_ =	shalt  }
0x52: {  	_ =	shalt  }
0x53: {  	_ =	shalt  }
0x54: {  	_ =	shalt  }
0x55: {  	_ =	shalt  }
0x56: {  	_ =	shalt  }
0x57: {  	_ =	shalt  }
0x58: {  	_ =	shalt  }
0x59: {  	_ =	shalt  }
0x5a: {  	_ =	shalt  }
0x5b: {  	_ =	shalt  }
0x5c: {  	_ =	shalt  }
0x5d: {  	_ =	shalt  }
0x5e: {  	_ =	shalt  }
0x5f: {  	_ =	shalt  }
0x60: {  	_ =	shalt  }
0x61: {  	_ =	shalt  }
0x62: {  	_ =	shalt  }
0x63: {  	_ =	shalt  }
0x64: {  	_ =	shalt  }
0x65: {  	_ =	shalt  }
0x66: {  	_ =	shalt  }
0x67: {  	_ =	shalt  }
0x68: {  	_ =	shalt  }
0x69: {  	_ =	shalt  }
0x6a: {  	_ =	shalt  }
0x6b: {  	_ =	shalt  }
0x6c: {  	_ =	shalt  }
0x6d: {  	_ =	shalt  }
0x6e: {  	_ =	shalt  }
0x6f: {  	_ =	shalt  }
0x70: {  	_ =	shalt  }
0x71: {  	_ =	shalt  }
0x72: {  	_ =	shalt  }
0x73: {  	_ =	shalt  }
0x74: {  	_ =	shalt  }
0x75: {  	_ =	shalt  }
0x76: {  	_ =	shalt  }
0x77: {  	_ =	shalt  }
0x78: {  	_ =	shalt  }
0x79: {  	_ =	shalt  }
0x7a: {  	_ =	shalt  }
0x7b: {  	_ =	shalt  }
0x7c: {  	_ =	shalt  }
0x7d: {  	_ =	shalt  }
0x7e: {  	_ =	shalt  }
0x7f: {  	_ =	shalt  }
0x80: {  	_ =	shalt  }
0x81: {  	_ =	shalt  }
0x82: {  	_ =	shalt  }
0x83: {  	_ =	shalt  }
0x84: {  	_ =	shalt  }
0x85: {  	_ =	shalt  }
0x86: {  	_ =	shalt  }
0x87: {  	_ =	shalt  }
.Lfunc_end0:
.L_simem_size_0:
called_computation_lowered:
.L_overlay_start_0:
0x88: {  	s2 =	sld [smem:$0x3FD9]  }
0x89: {  	s3 =	sld [smem:$0x3FFE];
	_ =	sdelay $0x1  }
0x8a: {  	s1 =	srdreg.scid  }
0x8b: {  	s0 =	sand.u32 $0x1, s1  }
0x8c: {  	s17 =	sshll.u32 s0, $0xA;
	s2 =	sadd.s32 s3, s2  }
0x8d: {  	s2 =	sadd.s32 s2, s17  }
0x8e: {  	[smem:$0x3FC2] =	sst s2  }
0x8f: {  	_ = 	snop  }
0x90: {  	s2 =	sld [smem:$0x3FD0];
	(tm) =	ssettm $0x1  }
0x91: {  	s18 =	sld [smem:$0x3FFB];
	_ =	sdelay $0x3  }
0x92: {  	_ =	strace s18  }
0x93: {  	s3 =	sld [smem:$0x3FFC];
	_ =	sdelay $0x3  }
0x94: {  	_ =	strace s3  }
0x95: {  	s3 =	sld [smem:$0x3FFD];
	_ =	sdelay $0x3  }
0x96: {  	_ =	strace s3  }
0x97: {  	_ =	strace $0x8FFFFFFF  }
0x98: {  	s19 =	sld [smem:$0x3FDB];
	_ =	sdelay $0x1  }
0x99: {  	s4 =	simm.s32 $_scs_section_size  }
0x9a: {  	s5 =	simm.s32 $_size__tile_overlayer_lowered;
	s6 =	simm.s32 $_tile_overlayer_lowered  }
0x9b: {  	s22 =	simm.s32 $0x1BFF;
	s21 =	sshll.u32 s6, $0x1;
	s3 =	sadd.s32 s4, s19  }
0x9c: {  	s7 =	simm.s32 $0x0;
	s20 =	sshll.u32 s5, $0x1;
	s5 =	sadd.s32 s21, s3  }
0x9d: {  	[timem:s7], [sflag:s22] =	dma.local [hbm:s5], s20  }
0x9e: {  	_ =	swait.ge [sflag:s22], s20  }
0x9f: {  	s4 =	ssub.s32 $0x0, s20;
	[sflag:s22] =	ssyncset.done $0x0  }
0xa0: {  	[sflag:s22] =	ssyncadd.s32 s4;
	_ =	sdelay $0x1  }
0xa1: {  	s23 =	simm.s32 $0x1B8B  }
0xa2: {  	_ =	swait.ge [sflag:s23], $0x1  }
0xa3: {  	[sflag:s23] =	ssyncset.done $0x0  }
0xa4: {  	s25 =	simm.s32 $0x1B8E;
	s24 =	sld [smem:$0x3FFE];
	[sflag:s23] =	ssyncadd.s32 $0xFFFFFFFF  }
0xa5: {  	s26 =	simm.s32 $execute0_lowered;
	[smem:$0x3FD2] =	sst s25  }
0xa6: {  	s5 =	sshll.u32 s26, $0x1;
	_ =	strace $0x80000046;
	[dreg:$0x1] =	wrdreg $0xFFFFFFFF  }
0xa7: {  	s28 =	simm.s32 $_size_execute0_lowered;
	s3 =	sadd.s32 s3, s5;
	[dreg:$0x0] =	wrdreg $0x0  }
0xa8: {  	s5 =	sshll.u32 s28, $0x1;
	[dreg:$0x2] =	wrdreg s3  }
0xa9: {  	[dreg:$0x3] =	wrdreg s5  }
0xaa: {  	[dreg:$0x4] =	wrdreg $0xC0  }
0xab: {  	_ =	task [dreg:s7], $0x5FFFF  }
0xac: {  	[dreg:$0x1] =	wrdreg $0xFFFFFFFF  }
0xad: {  	[dreg:$0x0] =	wrdreg $0x60  }
0xae: {  	[dreg:$0x2] =	wrdreg s2  }
0xaf: {  	[dreg:$0x3] =	wrdreg s24  }
0xb0: {  	[dreg:$0x4] =	wrdreg $0x41800  }
0xb1: {  	[dreg:$0x5] =	wrdreg $0x9  }
0xb2: {  	_ =	task.clear_ibuf [dreg:s7], $0x6FFFF;
	_ =	strace $0x90000046  }
0xb3: {  	s29 =	simm.s32 $0x9;
	_ =	strace $0x80000048  }
0xb4: {  	_ =	swait.ge [sflag:s29], $0x1  }
0xb5: {  	[sflag:s29] =	ssyncadd.s32 $0xFFFFFFFF  }
0xb6: {  	_ =	strace $0x90000048  }
0xb7: {  	_ =	sfence  }
0xb8: {  	s30 =	sld [smem:$0x0];
	_ =	sdelay $0x2  }
0xb9: {  	s31 =	sshll.u32 s1, $0xD;
	s1 =	sshrl.u32 s1, $0x2  }
0xba: {  	s3 =	sand.u32 $0x4000, s31;
	s1 =	sadd.s32 s1, s30  }
0xbb: {  	s0 =	sor.u32 s3, s0;
	s1 =	sshll.u32 s1, $0x11  }
0xbc: {  	s0 =	sor.u32 s1, s0  }
0xbd: {  	s0 =	sadd.s32 $0x8F2B, s0  }
0xbe: {  	[sflag:s0] =	ssyncadd.remote.s32 $0x1  }
0xbf: {  	_ =	sfence.sel $0xFFFF  }
0xc0: {  	[dreg:$0x0] =	wrdreg $0xFFFFFFFF;
	(pc) =	sbr.abs _section_cstart, $3  }
0xc1: {  	[dreg:$0x1] =	wrdreg $0xFFFFFFFF  }
0xc2: {  	_ =	task.clear_ibuf [dreg:s7], $0x2FFFF;
	_ =	strace $0x9FFFFFFF  }
0xc3: {  	(tm) =	ssettm $0x7FFFFFFF  }
tec
execute0_lowered:
.L_overlay_start_1:
0x0: {  	(tag) =	ssettag $0x1  }
0x1: {  	s0 =	rddreg [dreg:$0x0]  }
0x2: {  	s1 =	rddreg [dreg:$0x1]  }
0x3: {  	s2 =	rddreg [dreg:$0x2];
	s16 =	stileid.u32  }
0x4: {  	s4 =	srdreg.scid;
	s3 =	simm.s32 $0x0;
	s19 =	simm.s32 $0x7  }
0x5: {  	s22 =	simm.s32 $0x4;
	s23 =	simm.s32 $0x5;
	s24 =	simm.s32 $0x6  }
0x6: {  	s25 =	simm.s32 $0x0;
	s5 =	smul.u32 $0x13C00, s16;
	s13 =	sand.u32 $0x1, s4  }
0x7: {  	[smem:$0x7FF] =	sst s3;
	s12 =	sshll.u32 s16, $0x1;
	s28 =	sadd.s32 $0xC000, s1  }
0x8: {  	s10 =	smul.u32 $0x4F000, s16;
	s15 =	sshll.u32 s16, $0x5;
	s31 =	sshll.u32 s16, $0x6  }
0x9: {  	s4 =	smul.u32 $0x13C000, s13;
	_ =	strace $0x80000047;
	[dreg:$0x4] =	wrdreg s28  }
0xa: {  	s7 =	ssub.s32 $0x2, s13;
	s30 =	sshll.u32 s13, $0x4;
	s20 =	sor.u32 $0x1C07, s31  }
0xb: {  	s6 =	sshrl.u32 s5, $0x3;
	s11 =	sshrl.u32 s7, $0x1;
	s10 =	sshrl.u32 s10, $0x2  }
0xc: {  	s9 =	sadd.s32 s6, s1;
	s5 =	sadd.s32 s5, s4;
	s14 =	ssub.s32 s7, s11  }
0xd: {  	s21 =	sadd.s32 s10, s2;
	s10 =	ssub.s32 $0x9C4, s12;
	s11 =	ssub.s32 $0x9A4, s12  }
0xe: {  	s29 =	sshrl.u32 s5, $0x3;
	s5 =	sor.u32 s13, s12;
	s9 =	sadd.s32 $0xC800, s9  }
0xf: {  	s12 =	ssub.s32 $0x984, s12;
	s14 =	smax.u32 s14, $0x1;
	s8 =	sshll.u32 s5, $0x4  }
0x10: {  	s1 =	sadd.s32 s29, s1;
	s6 =	sadd.s32 s0, s8;
	s0 =	sadd.s32 s15, s0  }
0x11: {  	s21 =	sshrl.u32 s21, $0x3;
	s13 =	sadd.s32 $0x34000, s1;
	s0 =	sadd.s32 s30, s0  }
0x12: {  	s7 =	sadd.s32 $0x200, s6;
	s8 =	sadd.s32 $0x400, s6;
	s15 =	sadd.s32 $0xA00, s0  }
.LBB2_1:
0x13: {  	[tilespmem:s3], [sflag:$0x1] =	stream.linear.gather [hbm4b:s6+s3], $0x80, $0x38;
	[tilespmem:$0x17D80] =	vst v63  }
0x14: {  	s0 =	simm.s32 $0x80  }
0x15: {  	[tilespmem:s0], [sflag:$0x2] =	stream.linear.gather [hbm4b:s7+s3], $0x80, $0x38;
	[tilespmem:$0x17D80] =	vst v63  }
0x16: {  	s4 =	simm.s32 $0x100  }
0x17: {  	[tilespmem:s4], [sflag:$0x3] =	stream.linear.gather [hbm4b:s8+s3], $0x80, $0x38;
	[tilespmem:$0x17D80] =	vst v63  }
0x18: {  	s16 =	rddreg [dreg:$0x4];
	s1 =	simm.s32 $0x180  }
0x19: {  	[tilespmem:s1], [sflag:$0x7] =	stream.linear.gather [hbm4b:s16+s3], $0x4000, $0x38;
	[tilespmem:$0x17D80] =	vst v63  }
0x1a: {  	_ =	swait.ge [sflag:s19], $0x4000  }
0x1b: {  	[sflag:s19] =	ssyncset.done $0x0  }
0x1c: {  	[sflag:s19] =	ssyncadd.s32 $0xFFFFC000  }
0x1d: {  	[spmem:s21], [sflag:s20] =	dma.local [hbm:s9], $0x2780  }
0x1e: {  	_ =	swait.ge [sflag:s19], $0x2780  }
0x1f: {  	[sflag:s19] =	ssyncset.done $0x0  }
0x20: {  	p0 =	sle.u32 s10, $0x0;
	[sflag:s19] =	ssyncadd.s32 $0xFFFFD880  }
0x21: {  	s17 =	sadd.s32 $0x0, s5;
	s0 =	simm.s32 @!p0 $0x1;
	[bflag:$0x0] =	sbarrier.arrive $0xFFFF  }
0x22: {  	s26 =	simm.s32 @!p0 $0x0;
	s28 =	sadd.s32 $0x60, s17;
	_ =	swait.ge @!p0 [sflag:s0], $0x80  }
0x23: {  	s29 =	simm.s32 @!p0 $0x180;
	p2 =	sgt.u32 s28, $0x9C3;
	[sflag:s0] =	ssyncset.done @!p0 $0x0  }
0x24: {  	s28 =	simm.s32 @!p0 $0x80;
	[sflag:s0] =	ssyncadd.s32 @!p0 $0xFFFFFF80;
	s0 =	simm.s32 @!p2 $0x4  }
0x25: {  	[spmem:s2] =	stream.indirect.scatter.add.f32 @!p0 [tilespmem:s29], [sflag:$0x4], $0x80, s26, s28, $0xb8;
	[tilespmem:$0x17D80] =	vst v63  }
0x26: {  	_ =	swait.ge @!p2 [sflag:s0], $0x4000  }
0x27: {  	p1 =	sle.u32 s11, $0x0;
	s26 =	sadd.s32 @!p2 $0xFFFFFC00, s15;
	[sflag:s0] =	ssyncset.done @!p2 $0x0  }
0x28: {  	s28 =	simm.s32 @!p2 $0x0;
	[sflag:s0] =	ssyncadd.s32 @!p2 $0xFFFFC000;
	s0 =	simm.s32 @!p1 $0x2  }
0x29: {  	[tilespmem:s28], [sflag:$0x1] =	stream.linear.gather @!p2 [hbm4b:s26+s28], $0x80, $0x38;
	[tilespmem:$0x17D80] =	vst v63  }
0x2a: {  	s18 =	sadd.s32 $0x80, s17;
	s1 =	sadd.s32 $0xA0, s17;
	_ =	swait.ge @!p1 [sflag:s0], $0x80  }
0x2b: {  	p0 =	sgt.u32 s18, $0x9C3;
	s26 =	simm.s32 @!p1 $0x80;
	[sflag:s0] =	ssyncset.done @!p1 $0x0  }
0x2c: {  	s28 =	simm.s32 @!p1 $0x180;
	[sflag:s0] =	ssyncadd.s32 @!p1 $0xFFFFFF80;
	s0 =	simm.s32 @!p0 $0x5  }
0x2d: {  	[spmem:s2] =	stream.indirect.scatter.add.f32 @!p1 [tilespmem:s28], [sflag:$0x5], $0x80, s26, s26, $0xb8;
	[tilespmem:$0x17D80] =	vst v63  }
0x2e: {  	s29 =	sadd.s32 @!p0 $0xFFFFFE00, s15;
	s30 =	simm.s32 @!p0 $0x0;
	_ =	swait.ge @!p0 [sflag:s0], $0x4000  }
0x2f: {  	p2 =	sgt.u32 s1, $0x9C3;
	p1 =	sle.u32 s12, $0x0;
	[sflag:s0] =	ssyncset.done @!p0 $0x0  }
0x30: {  	s26 =	simm.s32 @!p0 $0x80;
	[sflag:s0] =	ssyncadd.s32 @!p0 $0xFFFFC000;
	s0 =	simm.s32 @!p1 $0x3  }
0x31: {  	[tilespmem:s26], [sflag:$0x2] =	stream.linear.gather @!p0 [hbm4b:s29+s30], $0x80, $0x38;
	[tilespmem:$0x17D80] =	vst v63  }
0x32: {  	s1 =	simm.s32 @!p2 $0x100;
	s28 =	simm.s32 $0x60;
	_ =	swait.ge @!p1 [sflag:s0], $0x80  }
0x33: {  	s31 =	simm.s32 @!p1 $0x80;
	s29 =	simm.s32 $0xC0;
	[sflag:s0] =	ssyncset.done @!p1 $0x0  }
0x34: {  	s26 =	simm.s32 @!p1 $0x180;
	s30 =	simm.s32 @!p1 $0x100;
	[sflag:s0] =	ssyncadd.s32 @!p1 $0xFFFFFF80  }
0x35: {  	[spmem:s2] =	stream.indirect.scatter.add.f32 @!p1 [tilespmem:s26], [sflag:$0x6], $0x80, s30, s31, $0xb8;
	[tilespmem:$0x17D80] =	vst v63  }
0x36: {  	s0 =	simm.s32 @!p2 $0x6;
	s26 =	sadd.s32 $0x600, s15;
	s31 =	simm.s32 @!p2 $0x0  }
0x37: {  	p1 =	sle.u32 s10, $0x60;
	s30 =	smov.u32 s15;
	_ =	swait.ge @!p2 [sflag:s0], $0x4000  }
.LBB2_2:
0x38: {  	s16 =	simm.s32 @!p1 $0x1;
	[sflag:s0] =	ssyncset.done @!p2 $0x0  }
0x39: {  	s17 =	smov.u32 s28;
	s28 =	smov.u32 s29;
	s29 =	sadd.s32 $0x60, s29  }
0x3a: {  	s18 =	simm.s32 @!p1 $0x0;
	s4 =	sadd.s32 s17, s5;
	[sflag:s0] =	ssyncadd.s32 @!p2 $0xFFFFC000  }
0x3b: {  	[tilespmem:s1], [sflag:$0x3] =	stream.linear.gather @!p2 [hbm4b:s30+s31], $0x80, $0x38;
	[tilespmem:$0x17D80] =	vst v63  }
0x3c: {  	s0 =	simm.s32 @!p1 $0x180;
	s1 =	sadd.s32 $0x60, s4;
	_ =	swait.ge @!p1 [sflag:s16], $0x80  }
0x3d: {  	s30 =	simm.s32 @!p1 $0x80;
	p2 =	sgt.u32 s1, $0x9C3;
	[sflag:s16] =	ssyncset.done @!p1 $0x0  }
0x3e: {  	s1 =	simm.s32 @!p2 $0x4;
	[sflag:s16] =	ssyncadd.s32 @!p1 $0xFFFFFF80;
	s16 =	sadd.s32 $0x80, s4  }
0x3f: {  	[spmem:s2] =	stream.indirect.scatter.add.f32 @!p1 [tilespmem:s0], [sflag:$0x4], $0x80, s18, s30, $0xb8;
	[tilespmem:$0x17D80] =	vst v63  }
0x40: {  	p1 =	sge.u32 s17, s11;
	s0 =	sadd.s32 $0xA0, s4;
	_ =	swait.ge @!p2 [sflag:s1], $0x4000  }
0x41: {  	s4 =	sadd.s32 @!p2 $0xFFFFFC00, s26;
	s18 =	simm.s32 @!p2 $0x0;
	[sflag:s1] =	ssyncset.done @!p2 $0x0  }
0x42: {  	p0 =	sne.s32 s29, $0xA20;
	[sflag:s1] =	ssyncadd.s32 @!p2 $0xFFFFC000;
	s1 =	simm.s32 @!p1 $0x2  }
0x43: {  	[tilespmem:s18], [sflag:$0x1] =	stream.linear.gather @!p2 [hbm4b:s4+s18], $0x80, $0x38;
	[tilespmem:$0x17D80] =	vst v63  }
0x44: {  	s30 =	smov.u32 s26;
	p2 =	sgt.u32 s16, $0x9C3;
	_ =	swait.ge @!p1 [sflag:s1], $0x80  }
0x45: {  	s4 =	simm.s32 @!p1 $0x80;
	s16 =	simm.s32 @!p1 $0x180;
	[sflag:s1] =	ssyncset.done @!p1 $0x0  }
0x46: {  	s26 =	sadd.s32 $0x600, s26;
	[sflag:s1] =	ssyncadd.s32 @!p1 $0xFFFFFF80;
	s1 =	simm.s32 @!p2 $0x5  }
0x47: {  	[spmem:s2] =	stream.indirect.scatter.add.f32 @!p1 [tilespmem:s16], [sflag:$0x5], $0x80, s4, s4, $0xb8;
	[tilespmem:$0x17D80] =	vst v63  }
0x48: {  	s4 =	simm.s32 @!p2 $0x80;
	p1 =	sge.u32 s17, s12;
	_ =	swait.ge @!p2 [sflag:s1], $0x4000  }
0x49: {  	s16 =	sadd.s32 @!p2 $0xFFFFFE00, s30;
	s17 =	simm.s32 @!p2 $0x0;
	[sflag:s1] =	ssyncset.done @!p2 $0x0  }
0x4a: {  	s18 =	simm.s32 @!p1 $0x180;
	[sflag:s1] =	ssyncadd.s32 @!p2 $0xFFFFC000;
	s1 =	simm.s32 @!p1 $0x3  }
0x4b: {  	[tilespmem:s4], [sflag:$0x2] =	stream.linear.gather @!p2 [hbm4b:s16+s17], $0x80, $0x38;
	[tilespmem:$0x17D80] =	vst v63  }
.Ltmp0:
0x4c: {  	s4 =	simm.s32 @!p1 $0x100;
	_ =	swait.ge @!p1 [sflag:s1], $0x80;
	(pc) =	sbr.rel @p0 .LBB2_2-.Ltmp0, $4  }
0x4d: {  	s16 =	simm.s32 @!p1 $0x80;
	p2 =	sgt.u32 s0, $0x9C3;
	[sflag:s1] =	ssyncset.done @!p1 $0x0  }
0x4e: {  	s0 =	simm.s32 @!p2 $0x6;
	s31 =	simm.s32 @!p2 $0x0;
	[sflag:s1] =	ssyncadd.s32 @!p1 $0xFFFFFF80  }
0x4f: {  	[spmem:s2] =	stream.indirect.scatter.add.f32 @!p1 [tilespmem:s18], [sflag:$0x6], $0x80, s4, s16, $0xb8;
	[tilespmem:$0x17D80] =	vst v63  }
0x50: {  	s1 =	simm.s32 @!p2 $0x100;
	p1 =	sge.u32 s28, s10;
	_ =	swait.ge @!p2 [sflag:s0], $0x4000  }
0x51: {  	[sflag:s0] =	ssyncset.done @!p2 $0x0  }
0x52: {  	s4 =	simm.s32 @!p1 $0x1;
	s16 =	sadd.s32 s28, s5;
	[sflag:s0] =	ssyncadd.s32 @!p2 $0xFFFFC000  }
0x53: {  	[tilespmem:s1], [sflag:$0x3] =	stream.linear.gather @!p2 [hbm4b:s30+s31], $0x80, $0x38;
	[tilespmem:$0x17D80] =	vst v63  }
0x54: {  	s17 =	simm.s32 @!p1 $0x180;
	s29 =	sadd.s32 $0x60, s16;
	_ =	swait.ge @!p1 [sflag:s4], $0x80  }
0x55: {  	s0 =	simm.s32 @!p1 $0x0;
	p2 =	sgt.u32 s29, $0x9C3;
	[sflag:s4] =	ssyncset.done @!p1 $0x0  }
0x56: {  	s1 =	simm.s32 @!p1 $0x80;
	[sflag:s4] =	ssyncadd.s32 @!p1 $0xFFFFFF80;
	s4 =	simm.s32 @!p2 $0x4  }
0x57: {  	[spmem:s2] =	stream.indirect.scatter.add.f32 @!p1 [tilespmem:s17], [sflag:$0x4], $0x80, s0, s1, $0xb8;
	[tilespmem:$0x17D80] =	vst v63  }
0x58: {  	_ =	swait.ge @!p2 [sflag:s4], $0x4000  }
0x59: {  	p0 =	sge.u32 s28, s11;
	s0 =	sadd.s32 @!p2 $0xFFFFFC00, s26;
	[sflag:s4] =	ssyncset.done @!p2 $0x0  }
0x5a: {  	s1 =	simm.s32 @!p2 $0x0;
	[sflag:s4] =	ssyncadd.s32 @!p2 $0xFFFFC000;
	s4 =	simm.s32 @!p0 $0x2  }
0x5b: {  	[tilespmem:s1], [sflag:$0x1] =	stream.linear.gather @!p2 [hbm4b:s0+s1], $0x80, $0x38;
	[tilespmem:$0x17D80] =	vst v63  }
0x5c: {  	s30 =	sadd.s32 $0x80, s16;
	_ =	swait.ge @!p0 [sflag:s4], $0x80  }
0x5d: {  	p1 =	sgt.u32 s30, $0x9C3;
	s0 =	simm.s32 @!p0 $0x80;
	[sflag:s4] =	ssyncset.done @!p0 $0x0  }
0x5e: {  	s1 =	simm.s32 @!p0 $0x180;
	[sflag:s4] =	ssyncadd.s32 @!p0 $0xFFFFFF80;
	s4 =	simm.s32 @!p1 $0x5  }
0x5f: {  	[spmem:s2] =	stream.indirect.scatter.add.f32 @!p0 [tilespmem:s1], [sflag:$0x5], $0x80, s0, s0, $0xb8;
	[tilespmem:$0x17D80] =	vst v63  }
0x60: {  	s17 =	simm.s32 @!p1 $0x0;
	_ =	swait.ge @!p1 [sflag:s4], $0x4000  }
0x61: {  	s0 =	simm.s32 @!p1 $0x80;
	p0 =	sge.u32 s28, s12;
	[sflag:s4] =	ssyncset.done @!p1 $0x0  }
0x62: {  	s1 =	sadd.s32 @!p1 $0xFFFFFE00, s26;
	[sflag:s4] =	ssyncadd.s32 @!p1 $0xFFFFC000;
	s4 =	simm.s32 @!p0 $0x3  }
0x63: {  	[tilespmem:s0], [sflag:$0x2] =	stream.linear.gather @!p1 [hbm4b:s1+s17], $0x80, $0x38;
	[tilespmem:$0x17D80] =	vst v63  }
0x64: {  	s31 =	sadd.s32 $0xA0, s16;
	s16 =	simm.s32 @!p0 $0x100;
	_ =	swait.ge @!p0 [sflag:s4], $0x80  }
0x65: {  	s1 =	simm.s32 @!p0 $0x180;
	p1 =	sgt.u32 s31, $0x9C3;
	[sflag:s4] =	ssyncset.done @!p0 $0x0  }
0x66: {  	s0 =	simm.s32 @!p0 $0x80;
	[sflag:s4] =	ssyncadd.s32 @!p0 $0xFFFFFF80;
	s4 =	simm.s32 @!p1 $0x6  }
0x67: {  	[spmem:s2] =	stream.indirect.scatter.add.f32 @!p0 [tilespmem:s1], [sflag:$0x6], $0x80, s16, s0, $0xb8;
	[tilespmem:$0x17D80] =	vst v63  }
0x68: {  	_ =	swait.ge @!p1 [sflag:s4], $0x4000  }
0x69: {  	[sflag:s4] =	ssyncset.done @!p1 $0x0  }
0x6a: {  	s0 =	simm.s32 @!p1 $0x0;
	s1 =	simm.s32 @!p1 $0x100;
	[sflag:s4] =	ssyncadd.s32 @!p1 $0xFFFFC000  }
0x6b: {  	[tilespmem:s1], [sflag:$0x3] =	stream.linear.gather @!p1 [hbm4b:s26+s0], $0x80, $0x38;
	[tilespmem:$0x17D80] =	vst v63  }
0x6c: {  	_ =	swait.ge [sflag:s22], $0x4000  }
0x6d: {  	[sflag:s22] =	ssyncset.done $0x0  }
0x6e: {  	[sflag:s22] =	ssyncadd.s32 $0xFFFFC000  }
0x6f: {  	_ =	swait.ge [sflag:s23], $0x4000  }
0x70: {  	[sflag:s23] =	ssyncset.done $0x0  }
0x71: {  	[sflag:s23] =	ssyncadd.s32 $0xFFFFC000  }
0x72: {  	_ =	swait.ge [sflag:s24], $0x4000  }
0x73: {  	s25 =	sadd.s32 $0x1, s25;
	[sflag:s24] =	ssyncset.done $0x0  }
0x74: {  	p0 =	sne.s32 s25, s14;
	[sflag:s24] =	ssyncadd.s32 $0xFFFFC000  }
.Ltmp1:
0x75: {  	[bflag:$0x0] =	sbarrier.arrive $0xFFFF;
	(pc) =	sbr.rel @p0 .LBB2_1-.Ltmp1, $4  }
0x76: {  	[hbm:s13], [sflag:s20] =	dma.local [spmem:s21], $0x2780  }
0x77: {  	_ =	swait.ge [sflag:s19], $0x2780  }
0x78: {  	[sflag:s19] =	ssyncset.done $0x0  }
0x79: {  	[sflag:s19] =	ssyncadd.s32 $0xFFFFD880  }
0x7a: {  	_ =	sfence.sel $0x180000  }
0x7b: {  	[bflag:$0x0] =	sbarrier.arrive $0xFFFF  }
0x7c: {  	_ =	strace $0x90000047  }
0x7d: {  	s0 =	stileid.u32;
	[bflag:$0x2] =	sbarrier.arrive $0xFFFF  }
0x7e: {  	p0 =	sne.s32 s0, $0x0;
	s0 =	rddreg [dreg:$0x3]  }
0x7f: {  	s0 =	sadd.s32 @!p0 $0x100000, s0  }
0x80: {  	[sflag:s0] =	ssyncadd.tile.s32 @!p0 $0x1;
	_ =	shalt  }
.Lfunc_end2:
_tile_overlayer_lowered:
.L_overlay_start_2:
0x81: {  	(tag) =	ssettag $0x2  }
0x82: {  	s0 =	rddreg [dreg:$0x0];
	s2 =	stileid.u32  }
0x83: {  	s1 =	rddreg [dreg:$0x1];
	p0 =	sne.s32 s2, $0x0  }
0x84: {  	s3 =	rddreg [dreg:$0x2];
	[bflag:$0x3] =	sbarrier.arrive $0xFFFF;
	s2 =	simm.s32 @!p0 $0x1C07  }
0x85: {  	[timem:s3], [sflag:s2] =	dma.local @!p0 [hbm:s0], s1  }
0x86: {  	s0 =	simm.s32 @!p0 $0x7  }
0x87: {  	_ =	swait.ge @!p0 [sflag:s0], s1  }
0x88: {  	s1 =	ssub.s32 @!p0 $0x0, s1;
	[sflag:s0] =	ssyncset.done @!p0 $0x0  }
0x89: {  	[sflag:s0] =	ssyncadd.s32 @!p0 s1  }
0x8a: {  	[bflag:$0x3] =	sbarrier.arrive $0xFFFF  }
0x8b: {  	_ =	shalt  }

</sc_bundles>
